<compile_context>
chip_gen: v7x
topology: tpu7x:2x2x1
jax: 0.10.2.dev20260603
libtpu: 0.0.44.dev20260713+nightly
codegen_flags: <defaults>
</compile_context>

<pallas_src>
import jax
import jax.numpy as jnp
from jax import lax
from jax.experimental import pallas as pl
from jax.experimental.pallas import tpu as pltpu
from jax.experimental.pallas import tpu_sc as plsc

D_MODEL = 64
MAX_REL = 1024
N_TOTAL = 2048 * 2048

_NC = 2
_NS = 16
_NW = _NC * _NS
_PER_W = N_TOTAL // _NW
_C = 128
_NCHUNK = _PER_W // _C
_L = 16


def _body(rel_hbm, emb_hbm, out_hbm,
          idx_raw, idx_loc, rows, rows64,
          sem_i0, sem_i1, sem_g0, sem_g1, sem_o0, sem_o1):
    wid = lax.axis_index("s") * _NC + lax.axis_index("c")
    wbase = wid * _PER_W
    sem_i = (sem_i0, sem_i1)
    sem_g = (sem_g0, sem_g1)
    sem_o = (sem_o0, sem_o1)

    def start_idx(c, p):
        pltpu.async_copy(rel_hbm.at[pl.ds(wbase + c * _C, _C)],
                         idx_raw.at[p], sem_i[p])

    def wait_idx(p):
        pltpu.make_async_copy(rel_hbm.at[pl.ds(wbase, _C)],
                              idx_raw.at[p], sem_i[p]).wait()

    def clamp(p):
        for i in range(_C // _L):
            v = idx_raw[p, pl.ds(i * _L, _L)]
            v = jnp.minimum(jnp.maximum(v, -MAX_REL), MAX_REL) + MAX_REL
            idx_loc[p, pl.ds(i * _L, _L)] = v

    def start_gather(p):
        pltpu.async_copy(emb_hbm.at[idx_loc.at[p]], rows.at[p], sem_g[p])

    def wait_gather(p):
        pltpu.make_async_copy(emb_hbm.at[idx_loc.at[p]], rows.at[p],
                              sem_g[p]).wait()

    def compact(p):
        def rowcopy(j, carry):
            for r in range(4):
                for q in range(D_MODEL // _L):
                    rows64[p, j * 4 + r, pl.ds(q * _L, _L)] = (
                        rows[p, j * 4 + r, pl.ds(q * _L, _L)])
            return carry
        lax.fori_loop(0, _C // 4, rowcopy, 0)

    def start_out(c, p):
        pltpu.async_copy(rows64.at[p],
                         out_hbm.at[pl.ds(wbase + c * _C, _C)], sem_o[p])

    def wait_out(p):
        pltpu.make_async_copy(rows64.at[p],
                              out_hbm.at[pl.ds(wbase, _C)], sem_o[p]).wait()

    start_idx(0, 0)
    wait_idx(0)
    clamp(0)
    start_gather(0)
    start_idx(1, 1)

    def half(k, c, p):
        q = 1 - p
        wait_idx(q)
        clamp(q)
        start_gather(q)
        @pl.when(c + 2 < _NCHUNK)
        def _():
            start_idx(c + 2, p)
        wait_gather(p)
        @pl.when(c >= 2)
        def _():
            wait_out(p)
        compact(p)
        start_out(c, p)

    def pair(k, carry):
        half(k, 2 * k, 0)
        half(k, 2 * k + 1, 1)
        return carry

    lax.fori_loop(0, _NCHUNK // 2 - 1, pair, 0)

    wait_idx(1)
    clamp(1)
    start_gather(1)
    wait_gather(0)
    wait_out(0)
    compact(0)
    start_out(_NCHUNK - 2, 0)
    wait_gather(1)
    wait_out(1)
    compact(1)
    start_out(_NCHUNK - 1, 1)
    wait_out(0)
    wait_out(1)


@jax.jit
def _sc_gather(rel_flat, emb_padded):
    mesh = plsc.VectorSubcoreMesh(core_axis_name="c", subcore_axis_name="s")
    return pl.kernel(
        _body,
        out_type=jax.ShapeDtypeStruct((N_TOTAL, D_MODEL), jnp.float32),
        mesh=mesh,
        scratch_types=[
            pltpu.VMEM((2, _C), jnp.int32),
            pltpu.VMEM((2, _C), jnp.int32),
            pltpu.VMEM((2, _C, 2 * D_MODEL), jnp.float32),
            pltpu.VMEM((2, _C, D_MODEL), jnp.float32),
            pltpu.SemaphoreType.DMA,
            pltpu.SemaphoreType.DMA,
            pltpu.SemaphoreType.DMA,
            pltpu.SemaphoreType.DMA,
            pltpu.SemaphoreType.DMA,
            pltpu.SemaphoreType.DMA,
        ],
        compiler_params=pltpu.CompilerParams(use_tc_tiling_on_sc=True),
    )(rel_flat, emb_padded)


def kernel(rel_pos, embeddings):
    s0, s1 = rel_pos.shape
    emb_padded = jnp.pad(embeddings, ((0, 0), (0, D_MODEL)))
    out = _sc_gather(rel_pos.reshape(-1), emb_padded)
    return out.reshape(s0, s1, D_MODEL)

# --- scband reference (transcript-rebuilt; emitter-appended) ---
"""Pipeline reference for scband-relative-position-embedding-81509889343909 (READ-ONLY COPY).

The authoritative reference and input builder live on the scoring server;
editing this copy changes nothing except your own understanding.
"""

import jax, jax.numpy as jnp
import numpy as np

D_MODEL = 64
MAX_REL = 1024


def _build_table(d_model=D_MODEL, max_rel=MAX_REL):
    positions = jnp.arange(-max_rel, max_rel + 1, dtype=jnp.float32)
    dim_idx = jnp.arange(0, d_model, dtype=jnp.float32)
    freq_exp = 2.0 * jnp.floor(dim_idx / 2.0) / d_model
    freqs = 1.0 / (10000.0 ** freq_exp)
    angles = positions[:, None] * freqs[None, :]
    emb = jnp.zeros_like(angles)
    emb = emb.at[:, 0::2].set(jnp.sin(angles[:, 0::2]))
    emb = emb.at[:, 1::2].set(jnp.cos(angles[:, 1::2]))
    return emb


def setup_inputs(seed: int = 0) -> dict:
    key = jax.random.key(seed)
    rel_pos = jax.random.randint(key, (2048, 2048), 0, 1024, dtype=jnp.int32)
    embeddings = _build_table()
    return {"rel_pos": rel_pos, "embeddings": embeddings}


def reference(rel_pos, embeddings):
    clamped = jnp.clip(rel_pos, -MAX_REL, MAX_REL)
    indices = (clamped + MAX_REL).astype(jnp.int32)
    return jnp.take(embeddings, indices, axis=0)

if __name__ == "__main__":
    import jax
    _d = setup_inputs()
    print(jax.jit(kernel)(*tuple(_d.values())))

</pallas_src>

<mosaic_0001>
#map = affine_map<(d0, d1) -> (0)>
#map1 = affine_map<(d0, d1) -> (0, 0)>
module attributes {stable_mosaic.version = 14 : i64} {
  func.func @_body(%arg0: i32, %arg1: i32, %arg2: memref<4194304xi32, #tpu.memory_space<hbm>>, %arg3: memref<2049x128xf32, #tpu.memory_space<hbm>>, %arg4: memref<4194304x64xf32, #tpu.memory_space<hbm>>, %arg5: memref<2x128xi32, #tpu.memory_space<vmem>>, %arg6: memref<2x128xi32, #tpu.memory_space<vmem>>, %arg7: memref<2x128x128xf32, #tpu.memory_space<vmem>>, %arg8: memref<2x128x64xf32, #tpu.memory_space<vmem>>, %arg9: memref<!tpu.dma_semaphore, #tpu.memory_space<semaphore_mem>>, %arg10: memref<!tpu.dma_semaphore, #tpu.memory_space<semaphore_mem>>, %arg11: memref<!tpu.dma_semaphore, #tpu.memory_space<semaphore_mem>>, %arg12: memref<!tpu.dma_semaphore, #tpu.memory_space<semaphore_mem>>, %arg13: memref<!tpu.dma_semaphore, #tpu.memory_space<semaphore_mem>>, %arg14: memref<!tpu.dma_semaphore, #tpu.memory_space<semaphore_mem>>) attributes {dimension_semantics = [#tpu.dimension_semantics<core_parallel>, #tpu.dimension_semantics<subcore_parallel>], iteration_bounds = array<i64: 2, 16>, scalar_prefetch = 0 : i64, scratch_operands = 10 : i64, tpu.core_type = #tpu.core_type<sc_vector_subcore>, window_params = [{transform_indices = #map}, {transform_indices = #map1}, {transform_indices = #map1}]} {
    %mul3A = arith.constant 2 : i32
    %mul3A_0 = arith.muli %arg1, %mul3A : i32
    %add3A = arith.addi %mul3A_0, %arg0 : i32
    %mul3A_1 = arith.constant 131072 : i32
    %mul3A_2 = arith.muli %add3A, %mul3A_1 : i32
    %add3A_3 = arith.constant 0 : i32
    %add3A_4 = arith.addi %mul3A_2, %add3A_3 : i32
    %dma_start3A = arith.constant 0 : i32
    %dma_start3A_5 = arith.constant 0 : i32
    %dma_start3A_6 = tpu.memref_slice %arg5[%dma_start3A, %dma_start3A_5] : memref<2x128xi32, #tpu.memory_space<vmem>> -> memref<1x128xi32, #tpu.memory_space<vmem>>
    %dma_start3A_7 = tpu.memref_squeeze %dma_start3A_6 : memref<1x128xi32, #tpu.memory_space<vmem>> -> memref<128xi32, #tpu.memory_space<vmem>>
    %dma_start3A_8 = tpu.memref_slice %arg2[%add3A_4] : memref<4194304xi32, #tpu.memory_space<hbm>> -> memref<128xi32, #tpu.memory_space<hbm>>
    %dma_start3A_9 = arith.constant 0 : i32
    %dma_start3A_10 = tpu.memref_slice %arg5[%dma_start3A, %dma_start3A_9] : memref<2x128xi32, #tpu.memory_space<vmem>> -> memref<1x128xi32, #tpu.memory_space<vmem>>
    %dma_start3A_11 = tpu.memref_squeeze %dma_start3A_10 : memref<1x128xi32, #tpu.memory_space<vmem>> -> memref<128xi32, #tpu.memory_space<vmem>>
    %dma_start3A_12 = tpu.memref_slice %arg2[%add3A_4] : memref<4194304xi32, #tpu.memory_space<hbm>> -> memref<128xi32, #tpu.memory_space<hbm>>
    tpu.enqueue_dma source(%dma_start3A_12 : memref<128xi32, #tpu.memory_space<hbm>>) target(%dma_start3A_11 : memref<128xi32, #tpu.memory_space<vmem>>) target_semaphore(%arg9 : memref<!tpu.dma_semaphore, #tpu.memory_space<semaphore_mem>>)
    %dma_wait3A = arith.constant 0 : i32
    %dma_wait3A_13 = arith.constant 0 : i32
    %dma_wait3A_14 = tpu.memref_slice %arg5[%dma_wait3A, %dma_wait3A_13] : memref<2x128xi32, #tpu.memory_space<vmem>> -> memref<1x128xi32, #tpu.memory_space<vmem>>
    %dma_wait3A_15 = tpu.memref_squeeze %dma_wait3A_14 : memref<1x128xi32, #tpu.memory_space<vmem>> -> memref<128xi32, #tpu.memory_space<vmem>>
    %dma_wait3A_16 = tpu.memref_slice %arg2[%mul3A_2] : memref<4194304xi32, #tpu.memory_space<hbm>> -> memref<128xi32, #tpu.memory_space<hbm>>
    %dma_wait3A_17 = arith.constant 0 : i32
    %dma_wait3A_18 = tpu.memref_slice %arg5[%dma_wait3A, %dma_wait3A_17] : memref<2x128xi32, #tpu.memory_space<vmem>> -> memref<1x128xi32, #tpu.memory_space<vmem>>
    %dma_wait3A_19 = tpu.memref_squeeze %dma_wait3A_18 : memref<1x128xi32, #tpu.memory_space<vmem>> -> memref<128xi32, #tpu.memory_space<vmem>>
    %dma_wait3A_20 = tpu.memref_slice %arg2[%mul3A_2] : memref<4194304xi32, #tpu.memory_space<hbm>> -> memref<128xi32, #tpu.memory_space<hbm>>
    tpu.wait_dma2 semaphore(%arg9 : memref<!tpu.dma_semaphore, #tpu.memory_space<semaphore_mem>>) src(%dma_wait3A_20 : memref<128xi32, #tpu.memory_space<hbm>>) dst(%dma_wait3A_19 : memref<128xi32, #tpu.memory_space<vmem>>)
    %get3A = arith.constant 0 : i32
    %get3A_21 = arith.index_cast %get3A : i32 to index
    %get3A_22 = arith.constant 0 : index
    %get3A_23 = tpu.vector_load %arg5[%get3A_21, %get3A_22] {strides = array<i32>} : memref<2x128xi32, #tpu.memory_space<vmem>>, vector<1x16xi32>,
    %get3A_24 = vector.shape_cast %get3A_23 : vector<1x16xi32> to vector<16xi32>
    %max3A = arith.constant -1024 : i32
    %max3A_25 = vector.broadcast %max3A : i32 to vector<16xi32>
    %max3A_26 = arith.maxsi %get3A_24, %max3A_25 : vector<16xi32>
    %min3A = arith.constant 1024 : i32
    %min3A_27 = vector.broadcast %min3A : i32 to vector<16xi32>
    %min3A_28 = arith.minsi %max3A_26, %min3A_27 : vector<16xi32>
    %add3A_29 = arith.constant 1024 : i32
    %add3A_30 = vector.broadcast %add3A_29 : i32 to vector<16xi32>
    %add3A_31 = arith.addi %min3A_28, %add3A_30 : vector<16xi32>
    %swap3A = arith.constant 0 : i32
    %swap3A_32 = arith.index_cast %swap3A : i32 to index
    %swap3A_33 = arith.constant 0 : index
    %swap3A_34 = tpu.vector_load %arg6[%swap3A_32, %swap3A_33] {strides = array<i32>} : memref<2x128xi32, #tpu.memory_space<vmem>>, vector<1x16xi32>,
    %swap3A_35 = vector.shape_cast %swap3A_34 : vector<1x16xi32> to vector<16xi32>
    %swap3A_36 = vector.shape_cast %add3A_31 : vector<16xi32> to vector<1x16xi32>
    tpu.vector_store %arg6[%swap3A_32, %swap3A_33], %swap3A_36 {strides = array<i32>} : memref<2x128xi32, #tpu.memory_space<vmem>>, vector<1x16xi32>,
    %get3A_37 = arith.constant 0 : i32
    %get3A_38 = arith.index_cast %get3A_37 : i32 to index
    %get3A_39 = arith.constant 16 : index
    %get3A_40 = tpu.vector_load %arg5[%get3A_38, %get3A_39] {strides = array<i32>} : memref<2x128xi32, #tpu.memory_space<vmem>>, vector<1x16xi32>,
    %get3A_41 = vector.shape_cast %get3A_40 : vector<1x16xi32> to vector<16xi32>
    %max3A_42 = arith.constant -1024 : i32
    %max3A_43 = vector.broadcast %max3A_42 : i32 to vector<16xi32>
    %max3A_44 = arith.maxsi %get3A_41, %max3A_43 : vector<16xi32>
    %min3A_45 = arith.constant 1024 : i32
    %min3A_46 = vector.broadcast %min3A_45 : i32 to vector<16xi32>
    %min3A_47 = arith.minsi %max3A_44, %min3A_46 : vector<16xi32>
    %add3A_48 = arith.constant 1024 : i32
    %add3A_49 = vector.broadcast %add3A_48 : i32 to vector<16xi32>
    %add3A_50 = arith.addi %min3A_47, %add3A_49 : vector<16xi32>
    %swap3A_51 = arith.constant 0 : i32
    %swap3A_52 = arith.index_cast %swap3A_51 : i32 to index
    %swap3A_53 = arith.constant 16 : index
    %swap3A_54 = tpu.vector_load %arg6[%swap3A_52, %swap3A_53] {strides = array<i32>} : memref<2x128xi32, #tpu.memory_space<vmem>>, vector<1x16xi32>,
    %swap3A_55 = vector.shape_cast %swap3A_54 : vector<1x16xi32> to vector<16xi32>
    %swap3A_56 = vector.shape_cast %add3A_50 : vector<16xi32> to vector<1x16xi32>
    tpu.vector_store %arg6[%swap3A_52, %swap3A_53], %swap3A_56 {strides = array<i32>} : memref<2x128xi32, #tpu.memory_space<vmem>>, vector<1x16xi32>,
    %get3A_57 = arith.constant 0 : i32
    %get3A_58 = arith.index_cast %get3A_57 : i32 to index
    %get3A_59 = arith.constant 32 : index
    %get3A_60 = tpu.vector_load %arg5[%get3A_58, %get3A_59] {strides = array<i32>} : memref<2x128xi32, #tpu.memory_space<vmem>>, vector<1x16xi32>,
    %get3A_61 = vector.shape_cast %get3A_60 : vector<1x16xi32> to vector<16xi32>
    %max3A_62 = arith.constant -1024 : i32
    %max3A_63 = vector.broadcast %max3A_62 : i32 to vector<16xi32>
    %max3A_64 = arith.maxsi %get3A_61, %max3A_63 : vector<16xi32>
    %min3A_65 = arith.constant 1024 : i32
    %min3A_66 = vector.broadcast %min3A_65 : i32 to vector<16xi32>
    %min3A_67 = arith.minsi %max3A_64, %min3A_66 : vector<16xi32>
    %add3A_68 = arith.constant 1024 : i32
    %add3A_69 = vector.broadcast %add3A_68 : i32 to vector<16xi32>
    %add3A_70 = arith.addi %min3A_67, %add3A_69 : vector<16xi32>
    %swap3A_71 = arith.constant 0 : i32
    %swap3A_72 = arith.index_cast %swap3A_71 : i32 to index
    %swap3A_73 = arith.constant 32 : index
    %swap3A_74 = tpu.vector_load %arg6[%swap3A_72, %swap3A_73] {strides = array<i32>} : memref<2x128xi32, #tpu.memory_space<vmem>>, vector<1x16xi32>,
    %swap3A_75 = vector.shape_cast %swap3A_74 : vector<1x16xi32> to vector<16xi32>
    %swap3A_76 = vector.shape_cast %add3A_70 : vector<16xi32> to vector<1x16xi32>
    tpu.vector_store %arg6[%swap3A_72, %swap3A_73], %swap3A_76 {strides = array<i32>} : memref<2x128xi32, #tpu.memory_space<vmem>>, vector<1x16xi32>,
    %get3A_77 = arith.constant 0 : i32
    %get3A_78 = arith.index_cast %get3A_77 : i32 to index
    %get3A_79 = arith.constant 48 : index
    %get3A_80 = tpu.vector_load %arg5[%get3A_78, %get3A_79] {strides = array<i32>} : memref<2x128xi32, #tpu.memory_space<vmem>>, vector<1x16xi32>,
    %get3A_81 = vector.shape_cast %get3A_80 : vector<1x16xi32> to vector<16xi32>
    %max3A_82 = arith.constant -1024 : i32
    %max3A_83 = vector.broadcast %max3A_82 : i32 to vector<16xi32>
    %max3A_84 = arith.maxsi %get3A_81, %max3A_83 : vector<16xi32>
    %min3A_85 = arith.constant 1024 : i32
    %min3A_86 = vector.broadcast %min3A_85 : i32 to vector<16xi32>
    %min3A_87 = arith.minsi %max3A_84, %min3A_86 : vector<16xi32>
    %add3A_88 = arith.constant 1024 : i32
    %add3A_89 = vector.broadcast %add3A_88 : i32 to vector<16xi32>
    %add3A_90 = arith.addi %min3A_87, %add3A_89 : vector<16xi32>
    %swap3A_91 = arith.constant 0 : i32
    %swap3A_92 = arith.index_cast %swap3A_91 : i32 to index
    %swap3A_93 = arith.constant 48 : index
    %swap3A_94 = tpu.vector_load %arg6[%swap3A_92, %swap3A_93] {strides = array<i32>} : memref<2x128xi32, #tpu.memory_space<vmem>>, vector<1x16xi32>,
    %swap3A_95 = vector.shape_cast %swap3A_94 : vector<1x16xi32> to vector<16xi32>
    %swap3A_96 = vector.shape_cast %add3A_90 : vector<16xi32> to vector<1x16xi32>
    tpu.vector_store %arg6[%swap3A_92, %swap3A_93], %swap3A_96 {strides = array<i32>} : memref<2x128xi32, #tpu.memory_space<vmem>>, vector<1x16xi32>,
    %get3A_97 = arith.constant 0 : i32
    %get3A_98 = arith.index_cast %get3A_97 : i32 to index
    %get3A_99 = arith.constant 64 : index
    %get3A_100 = tpu.vector_load %arg5[%get3A_98, %get3A_99] {strides = array<i32>} : memref<2x128xi32, #tpu.memory_space<vmem>>, vector<1x16xi32>,
    %get3A_101 = vector.shape_cast %get3A_100 : vector<1x16xi32> to vector<16xi32>
    %max3A_102 = arith.constant -1024 : i32
    %max3A_103 = vector.broadcast %max3A_102 : i32 to vector<16xi32>
    %max3A_104 = arith.maxsi %get3A_101, %max3A_103 : vector<16xi32>
    %min3A_105 = arith.constant 1024 : i32
    %min3A_106 = vector.broadcast %min3A_105 : i32 to vector<16xi32>
    %min3A_107 = arith.minsi %max3A_104, %min3A_106 : vector<16xi32>
    %add3A_108 = arith.constant 1024 : i32
    %add3A_109 = vector.broadcast %add3A_108 : i32 to vector<16xi32>
    %add3A_110 = arith.addi %min3A_107, %add3A_109 : vector<16xi32>
    %swap3A_111 = arith.constant 0 : i32
    %swap3A_112 = arith.index_cast %swap3A_111 : i32 to index
    %swap3A_113 = arith.constant 64 : index
    %swap3A_114 = tpu.vector_load %arg6[%swap3A_112, %swap3A_113] {strides = array<i32>} : memref<2x128xi32, #tpu.memory_space<vmem>>, vector<1x16xi32>,
    %swap3A_115 = vector.shape_cast %swap3A_114 : vector<1x16xi32> to vector<16xi32>
    %swap3A_116 = vector.shape_cast %add3A_110 : vector<16xi32> to vector<1x16xi32>
    tpu.vector_store %arg6[%swap3A_112, %swap3A_113], %swap3A_116 {strides = array<i32>} : memref<2x128xi32, #tpu.memory_space<vmem>>, vector<1x16xi32>,
    %get3A_117 = arith.constant 0 : i32
    %get3A_118 = arith.index_cast %get3A_117 : i32 to index
    %get3A_119 = arith.constant 80 : index
    %get3A_120 = tpu.vector_load %arg5[%get3A_118, %get3A_119] {strides = array<i32>} : memref<2x128xi32, #tpu.memory_space<vmem>>, vector<1x16xi32>,
    %get3A_121 = vector.shape_cast %get3A_120 : vector<1x16xi32> to vector<16xi32>
    %max3A_122 = arith.constant -1024 : i32
    %max3A_123 = vector.broadcast %max3A_122 : i32 to vector<16xi32>
    %max3A_124 = arith.maxsi %get3A_121, %max3A_123 : vector<16xi32>
    %min3A_125 = arith.constant 1024 : i32
    %min3A_126 = vector.broadcast %min3A_125 : i32 to vector<16xi32>
    %min3A_127 = arith.minsi %max3A_124, %min3A_126 : vector<16xi32>
    %add3A_128 = arith.constant 1024 : i32
    %add3A_129 = vector.broadcast %add3A_128 : i32 to vector<16xi32>
    %add3A_130 = arith.addi %min3A_127, %add3A_129 : vector<16xi32>
    %swap3A_131 = arith.constant 0 : i32
    %swap3A_132 = arith.index_cast %swap3A_131 : i32 to index
    %swap3A_133 = arith.constant 80 : index
    %swap3A_134 = tpu.vector_load %arg6[%swap3A_132, %swap3A_133] {strides = array<i32>} : memref<2x128xi32, #tpu.memory_space<vmem>>, vector<1x16xi32>,
    %swap3A_135 = vector.shape_cast %swap3A_134 : vector<1x16xi32> to vector<16xi32>
    %swap3A_136 = vector.shape_cast %add3A_130 : vector<16xi32> to vector<1x16xi32>
    tpu.vector_store %arg6[%swap3A_132, %swap3A_133], %swap3A_136 {strides = array<i32>} : memref<2x128xi32, #tpu.memory_space<vmem>>, vector<1x16xi32>,
    %get3A_137 = arith.constant 0 : i32
    %get3A_138 = arith.index_cast %get3A_137 : i32 to index
    %get3A_139 = arith.constant 96 : index
    %get3A_140 = tpu.vector_load %arg5[%get3A_138, %get3A_139] {strides = array<i32>} : memref<2x128xi32, #tpu.memory_space<vmem>>, vector<1x16xi32>,
    %get3A_141 = vector.shape_cast %get3A_140 : vector<1x16xi32> to vector<16xi32>
    %max3A_142 = arith.constant -1024 : i32
    %max3A_143 = vector.broadcast %max3A_142 : i32 to vector<16xi32>
    %max3A_144 = arith.maxsi %get3A_141, %max3A_143 : vector<16xi32>
    %min3A_145 = arith.constant 1024 : i32
    %min3A_146 = vector.broadcast %min3A_145 : i32 to vector<16xi32>
    %min3A_147 = arith.minsi %max3A_144, %min3A_146 : vector<16xi32>
    %add3A_148 = arith.constant 1024 : i32
    %add3A_149 = vector.broadcast %add3A_148 : i32 to vector<16xi32>
    %add3A_150 = arith.addi %min3A_147, %add3A_149 : vector<16xi32>
    %swap3A_151 = arith.constant 0 : i32
    %swap3A_152 = arith.index_cast %swap3A_151 : i32 to index
    %swap3A_153 = arith.constant 96 : index
    %swap3A_154 = tpu.vector_load %arg6[%swap3A_152, %swap3A_153] {strides = array<i32>} : memref<2x128xi32, #tpu.memory_space<vmem>>, vector<1x16xi32>,
    %swap3A_155 = vector.shape_cast %swap3A_154 : vector<1x16xi32> to vector<16xi32>
    %swap3A_156 = vector.shape_cast %add3A_150 : vector<16xi32> to vector<1x16xi32>
    tpu.vector_store %arg6[%swap3A_152, %swap3A_153], %swap3A_156 {strides = array<i32>} : memref<2x128xi32, #tpu.memory_space<vmem>>, vector<1x16xi32>,
    %get3A_157 = arith.constant 0 : i32
    %get3A_158 = arith.index_cast %get3A_157 : i32 to index
    %get3A_159 = arith.constant 112 : index
    %get3A_160 = tpu.vector_load %arg5[%get3A_158, %get3A_159] {strides = array<i32>} : memref<2x128xi32, #tpu.memory_space<vmem>>, vector<1x16xi32>,
    %get3A_161 = vector.shape_cast %get3A_160 : vector<1x16xi32> to vector<16xi32>
    %max3A_162 = arith.constant -1024 : i32
    %max3A_163 = vector.broadcast %max3A_162 : i32 to vector<16xi32>
    %max3A_164 = arith.maxsi %get3A_161, %max3A_163 : vector<16xi32>
    %min3A_165 = arith.constant 1024 : i32
    %min3A_166 = vector.broadcast %min3A_165 : i32 to vector<16xi32>
    %min3A_167 = arith.minsi %max3A_164, %min3A_166 : vector<16xi32>
    %add3A_168 = arith.constant 1024 : i32
    %add3A_169 = vector.broadcast %add3A_168 : i32 to vector<16xi32>
    %add3A_170 = arith.addi %min3A_167, %add3A_169 : vector<16xi32>
    %swap3A_171 = arith.constant 0 : i32
    %swap3A_172 = arith.index_cast %swap3A_171 : i32 to index
    %swap3A_173 = arith.constant 112 : index
    %swap3A_174 = tpu.vector_load %arg6[%swap3A_172, %swap3A_173] {strides = array<i32>} : memref<2x128xi32, #tpu.memory_space<vmem>>, vector<1x16xi32>,
    %swap3A_175 = vector.shape_cast %swap3A_174 : vector<1x16xi32> to vector<16xi32>
    %swap3A_176 = vector.shape_cast %add3A_170 : vector<16xi32> to vector<1x16xi32>
    tpu.vector_store %arg6[%swap3A_172, %swap3A_173], %swap3A_176 {strides = array<i32>} : memref<2x128xi32, #tpu.memory_space<vmem>>, vector<1x16xi32>,
    %dma_start3A_177 = arith.constant 0 : i32
    %dma_start3A_178 = arith.constant 0 : i32
    %dma_start3A_179 = arith.constant 0 : i32
    %dma_start3A_180 = arith.constant 0 : i32
    %dma_start3A_181 = tpu.memref_slice %arg7[%dma_start3A_178, %dma_start3A_179, %dma_start3A_180] : memref<2x128x128xf32, #tpu.memory_space<vmem>> -> memref<1x128x128xf32, #tpu.memory_space<vmem>>
    %dma_start3A_182 = tpu.memref_squeeze %dma_start3A_181 : memref<1x128x128xf32, #tpu.memory_space<vmem>> -> memref<128x128xf32, #tpu.memory_space<vmem>>
    %dma_start3A_183 = arith.constant 0 : i32
    %dma_start3A_184 = tpu.memref_slice %arg6[%dma_start3A_177, %dma_start3A_183] : memref<2x128xi32, #tpu.memory_space<vmem>> -> memref<1x128xi32, #tpu.memory_space<vmem>>
    %dma_start3A_185 = tpu.memref_squeeze %dma_start3A_184 : memref<1x128xi32, #tpu.memory_space<vmem>> -> memref<128xi32, #tpu.memory_space<vmem>>
    %dma_start3A_186 = arith.constant 0 : i32
    %dma_start3A_187 = arith.constant 0 : i32
    %dma_start3A_188 = tpu.memref_slice %arg3[%dma_start3A_186, %dma_start3A_187] : memref<2049x128xf32, #tpu.memory_space<hbm>> -> memref<2049x128xf32, #tpu.memory_space<hbm>>
    tpu.enqueue_indirect_dma source(%dma_start3A_188 : memref<2049x128xf32, #tpu.memory_space<hbm>>) target(%dma_start3A_182 : memref<128x128xf32, #tpu.memory_space<vmem>>) offsets(%dma_start3A_185 : memref<128xi32, #tpu.memory_space<vmem>>) semaphore(%arg11 : memref<!tpu.dma_semaphore, #tpu.memory_space<semaphore_mem>>)
    %add3A_189 = arith.constant 128 : i32
    %add3A_190 = arith.addi %mul3A_2, %add3A_189 : i32
    %dma_start3A_191 = arith.constant 1 : i32
    %dma_start3A_192 = arith.constant 0 : i32
    %dma_start3A_193 = tpu.memref_slice %arg5[%dma_start3A_191, %dma_start3A_192] : memref<2x128xi32, #tpu.memory_space<vmem>> -> memref<1x128xi32, #tpu.memory_space<vmem>>
    %dma_start3A_194 = tpu.memref_squeeze %dma_start3A_193 : memref<1x128xi32, #tpu.memory_space<vmem>> -> memref<128xi32, #tpu.memory_space<vmem>>
    %dma_start3A_195 = tpu.memref_slice %arg2[%add3A_190] : memref<4194304xi32, #tpu.memory_space<hbm>> -> memref<128xi32, #tpu.memory_space<hbm>>
    %dma_start3A_196 = arith.constant 0 : i32
    %dma_start3A_197 = tpu.memref_slice %arg5[%dma_start3A_191, %dma_start3A_196] : memref<2x128xi32, #tpu.memory_space<vmem>> -> memref<1x128xi32, #tpu.memory_space<vmem>>
    %dma_start3A_198 = tpu.memref_squeeze %dma_start3A_197 : memref<1x128xi32, #tpu.memory_space<vmem>> -> memref<128xi32, #tpu.memory_space<vmem>>
    %dma_start3A_199 = tpu.memref_slice %arg2[%add3A_190] : memref<4194304xi32, #tpu.memory_space<hbm>> -> memref<128xi32, #tpu.memory_space<hbm>>
    tpu.enqueue_dma source(%dma_start3A_199 : memref<128xi32, #tpu.memory_space<hbm>>) target(%dma_start3A_198 : memref<128xi32, #tpu.memory_space<vmem>>) target_semaphore(%arg10 : memref<!tpu.dma_semaphore, #tpu.memory_space<semaphore_mem>>)
    %scan3A = arith.constant 0 : i32
    %scan3A_200 = arith.constant 0 : i32
    %scan3A_201 = arith.constant 511 : i32
    %scan3A_202 = arith.addi %scan3A_200, %scan3A_201 : i32
    %scan3A_203 = arith.constant 1 : i32
    scf.for %scan3A_504 = %scan3A_200 to %scan3A_202 step %scan3A_203  : i32 {
      %mul3A_505 = arith.constant 2 : i32
      %mul3A_506 = arith.muli %mul3A_505, %scan3A_504 : i32
      %dma_wait3A_507 = arith.constant 1 : i32
      %dma_wait3A_508 = arith.constant 0 : i32
      %dma_wait3A_509 = tpu.memref_slice %arg5[%dma_wait3A_507, %dma_wait3A_508] : memref<2x128xi32, #tpu.memory_space<vmem>> -> memref<1x128xi32, #tpu.memory_space<vmem>>
      %dma_wait3A_510 = tpu.memref_squeeze %dma_wait3A_509 : memref<1x128xi32, #tpu.memory_space<vmem>> -> memref<128xi32, #tpu.memory_space<vmem>>
      %dma_wait3A_511 = tpu.memref_slice %arg2[%mul3A_2] : memref<4194304xi32, #tpu.memory_space<hbm>> -> memref<128xi32, #tpu.memory_space<hbm>>
      %dma_wait3A_512 = arith.constant 0 : i32
      %dma_wait3A_513 = tpu.memref_slice %arg5[%dma_wait3A_507, %dma_wait3A_512] : memref<2x128xi32, #tpu.memory_space<vmem>> -> memref<1x128xi32, #tpu.memory_space<vmem>>
      %dma_wait3A_514 = tpu.memref_squeeze %dma_wait3A_513 : memref<1x128xi32, #tpu.memory_space<vmem>> -> memref<128xi32, #tpu.memory_space<vmem>>
      %dma_wait3A_515 = tpu.memref_slice %arg2[%mul3A_2] : memref<4194304xi32, #tpu.memory_space<hbm>> -> memref<128xi32, #tpu.memory_space<hbm>>
      tpu.wait_dma2 semaphore(%arg10 : memref<!tpu.dma_semaphore, #tpu.memory_space<semaphore_mem>>) src(%dma_wait3A_515 : memref<128xi32, #tpu.memory_space<hbm>>) dst(%dma_wait3A_514 : memref<128xi32, #tpu.memory_space<vmem>>)
      %get3A_516 = arith.constant 1 : i32
      %get3A_517 = arith.index_cast %get3A_516 : i32 to index
      %get3A_518 = arith.constant 0 : index
      %get3A_519 = tpu.vector_load %arg5[%get3A_517, %get3A_518] {strides = array<i32>} : memref<2x128xi32, #tpu.memory_space<vmem>>, vector<1x16xi32>,
      %get3A_520 = vector.shape_cast %get3A_519 : vector<1x16xi32> to vector<16xi32>
      %max3A_521 = arith.constant -1024 : i32
      %max3A_522 = vector.broadcast %max3A_521 : i32 to vector<16xi32>
      %max3A_523 = arith.maxsi %get3A_520, %max3A_522 : vector<16xi32>
      %min3A_524 = arith.constant 1024 : i32
      %min3A_525 = vector.broadcast %min3A_524 : i32 to vector<16xi32>
      %min3A_526 = arith.minsi %max3A_523, %min3A_525 : vector<16xi32>
      %add3A_527 = arith.constant 1024 : i32
      %add3A_528 = vector.broadcast %add3A_527 : i32 to vector<16xi32>
      %add3A_529 = arith.addi %min3A_526, %add3A_528 : vector<16xi32>
      %swap3A_530 = arith.constant 1 : i32
      %swap3A_531 = arith.index_cast %swap3A_530 : i32 to index
      %swap3A_532 = arith.constant 0 : index
      %swap3A_533 = tpu.vector_load %arg6[%swap3A_531, %swap3A_532] {strides = array<i32>} : memref<2x128xi32, #tpu.memory_space<vmem>>, vector<1x16xi32>,
      %swap3A_534 = vector.shape_cast %swap3A_533 : vector<1x16xi32> to vector<16xi32>
      %swap3A_535 = vector.shape_cast %add3A_529 : vector<16xi32> to vector<1x16xi32>
      tpu.vector_store %arg6[%swap3A_531, %swap3A_532], %swap3A_535 {strides = array<i32>} : memref<2x128xi32, #tpu.memory_space<vmem>>, vector<1x16xi32>,
      %get3A_536 = arith.constant 1 : i32
      %get3A_537 = arith.index_cast %get3A_536 : i32 to index
      %get3A_538 = arith.constant 16 : index
      %get3A_539 = tpu.vector_load %arg5[%get3A_537, %get3A_538] {strides = array<i32>} : memref<2x128xi32, #tpu.memory_space<vmem>>, vector<1x16xi32>,
      %get3A_540 = vector.shape_cast %get3A_539 : vector<1x16xi32> to vector<16xi32>
      %max3A_541 = arith.constant -1024 : i32
      %max3A_542 = vector.broadcast %max3A_541 : i32 to vector<16xi32>
      %max3A_543 = arith.maxsi %get3A_540, %max3A_542 : vector<16xi32>
      %min3A_544 = arith.constant 1024 : i32
      %min3A_545 = vector.broadcast %min3A_544 : i32 to vector<16xi32>
      %min3A_546 = arith.minsi %max3A_543, %min3A_545 : vector<16xi32>
      %add3A_547 = arith.constant 1024 : i32
      %add3A_548 = vector.broadcast %add3A_547 : i32 to vector<16xi32>
      %add3A_549 = arith.addi %min3A_546, %add3A_548 : vector<16xi32>
      %swap3A_550 = arith.constant 1 : i32
      %swap3A_551 = arith.index_cast %swap3A_550 : i32 to index
      %swap3A_552 = arith.constant 16 : index
      %swap3A_553 = tpu.vector_load %arg6[%swap3A_551, %swap3A_552] {strides = array<i32>} : memref<2x128xi32, #tpu.memory_space<vmem>>, vector<1x16xi32>,
      %swap3A_554 = vector.shape_cast %swap3A_553 : vector<1x16xi32> to vector<16xi32>
      %swap3A_555 = vector.shape_cast %add3A_549 : vector<16xi32> to vector<1x16xi32>
      tpu.vector_store %arg6[%swap3A_551, %swap3A_552], %swap3A_555 {strides = array<i32>} : memref<2x128xi32, #tpu.memory_space<vmem>>, vector<1x16xi32>,
      %get3A_556 = arith.constant 1 : i32
      %get3A_557 = arith.index_cast %get3A_556 : i32 to index
      %get3A_558 = arith.constant 32 : index
      %get3A_559 = tpu.vector_load %arg5[%get3A_557, %get3A_558] {strides = array<i32>} : memref<2x128xi32, #tpu.memory_space<vmem>>, vector<1x16xi32>,
      %get3A_560 = vector.shape_cast %get3A_559 : vector<1x16xi32> to vector<16xi32>
      %max3A_561 = arith.constant -1024 : i32
      %max3A_562 = vector.broadcast %max3A_561 : i32 to vector<16xi32>
      %max3A_563 = arith.maxsi %get3A_560, %max3A_562 : vector<16xi32>
      %min3A_564 = arith.constant 1024 : i32
      %min3A_565 = vector.broadcast %min3A_564 : i32 to vector<16xi32>
      %min3A_566 = arith.minsi %max3A_563, %min3A_565 : vector<16xi32>
      %add3A_567 = arith.constant 1024 : i32
      %add3A_568 = vector.broadcast %add3A_567 : i32 to vector<16xi32>
      %add3A_569 = arith.addi %min3A_566, %add3A_568 : vector<16xi32>
      %swap3A_570 = arith.constant 1 : i32
      %swap3A_571 = arith.index_cast %swap3A_570 : i32 to index
      %swap3A_572 = arith.constant 32 : index
      %swap3A_573 = tpu.vector_load %arg6[%swap3A_571, %swap3A_572] {strides = array<i32>} : memref<2x128xi32, #tpu.memory_space<vmem>>, vector<1x16xi32>,
      %swap3A_574 = vector.shape_cast %swap3A_573 : vector<1x16xi32> to vector<16xi32>
      %swap3A_575 = vector.shape_cast %add3A_569 : vector<16xi32> to vector<1x16xi32>
      tpu.vector_store %arg6[%swap3A_571, %swap3A_572], %swap3A_575 {strides = array<i32>} : memref<2x128xi32, #tpu.memory_space<vmem>>, vector<1x16xi32>,
      %get3A_576 = arith.constant 1 : i32
      %get3A_577 = arith.index_cast %get3A_576 : i32 to index
      %get3A_578 = arith.constant 48 : index
      %get3A_579 = tpu.vector_load %arg5[%get3A_577, %get3A_578] {strides = array<i32>} : memref<2x128xi32, #tpu.memory_space<vmem>>, vector<1x16xi32>,
      %get3A_580 = vector.shape_cast %get3A_579 : vector<1x16xi32> to vector<16xi32>
      %max3A_581 = arith.constant -1024 : i32
      %max3A_582 = vector.broadcast %max3A_581 : i32 to vector<16xi32>
      %max3A_583 = arith.maxsi %get3A_580, %max3A_582 : vector<16xi32>
      %min3A_584 = arith.constant 1024 : i32
      %min3A_585 = vector.broadcast %min3A_584 : i32 to vector<16xi32>
      %min3A_586 = arith.minsi %max3A_583, %min3A_585 : vector<16xi32>
      %add3A_587 = arith.constant 1024 : i32
      %add3A_588 = vector.broadcast %add3A_587 : i32 to vector<16xi32>
      %add3A_589 = arith.addi %min3A_586, %add3A_588 : vector<16xi32>
      %swap3A_590 = arith.constant 1 : i32
      %swap3A_591 = arith.index_cast %swap3A_590 : i32 to index
      %swap3A_592 = arith.constant 48 : index
      %swap3A_593 = tpu.vector_load %arg6[%swap3A_591, %swap3A_592] {strides = array<i32>} : memref<2x128xi32, #tpu.memory_space<vmem>>, vector<1x16xi32>,
      %swap3A_594 = vector.shape_cast %swap3A_593 : vector<1x16xi32> to vector<16xi32>
      %swap3A_595 = vector.shape_cast %add3A_589 : vector<16xi32> to vector<1x16xi32>
      tpu.vector_store %arg6[%swap3A_591, %swap3A_592], %swap3A_595 {strides = array<i32>} : memref<2x128xi32, #tpu.memory_space<vmem>>, vector<1x16xi32>,
      %get3A_596 = arith.constant 1 : i32
      %get3A_597 = arith.index_cast %get3A_596 : i32 to index
      %get3A_598 = arith.constant 64 : index
      %get3A_599 = tpu.vector_load %arg5[%get3A_597, %get3A_598] {strides = array<i32>} : memref<2x128xi32, #tpu.memory_space<vmem>>, vector<1x16xi32>,
      %get3A_600 = vector.shape_cast %get3A_599 : vector<1x16xi32> to vector<16xi32>
      %max3A_601 = arith.constant -1024 : i32
      %max3A_602 = vector.broadcast %max3A_601 : i32 to vector<16xi32>
      %max3A_603 = arith.maxsi %get3A_600, %max3A_602 : vector<16xi32>
      %min3A_604 = arith.constant 1024 : i32
      %min3A_605 = vector.broadcast %min3A_604 : i32 to vector<16xi32>
      %min3A_606 = arith.minsi %max3A_603, %min3A_605 : vector<16xi32>
      %add3A_607 = arith.constant 1024 : i32
      %add3A_608 = vector.broadcast %add3A_607 : i32 to vector<16xi32>
      %add3A_609 = arith.addi %min3A_606, %add3A_608 : vector<16xi32>
      %swap3A_610 = arith.constant 1 : i32
      %swap3A_611 = arith.index_cast %swap3A_610 : i32 to index
      %swap3A_612 = arith.constant 64 : index
      %swap3A_613 = tpu.vector_load %arg6[%swap3A_611, %swap3A_612] {strides = array<i32>} : memref<2x128xi32, #tpu.memory_space<vmem>>, vector<1x16xi32>,
      %swap3A_614 = vector.shape_cast %swap3A_613 : vector<1x16xi32> to vector<16xi32>
      %swap3A_615 = vector.shape_cast %add3A_609 : vector<16xi32> to vector<1x16xi32>
      tpu.vector_store %arg6[%swap3A_611, %swap3A_612], %swap3A_615 {strides = array<i32>} : memref<2x128xi32, #tpu.memory_space<vmem>>, vector<1x16xi32>,
      %get3A_616 = arith.constant 1 : i32
      %get3A_617 = arith.index_cast %get3A_616 : i32 to index
      %get3A_618 = arith.constant 80 : index
      %get3A_619 = tpu.vector_load %arg5[%get3A_617, %get3A_618] {strides = array<i32>} : memref<2x128xi32, #tpu.memory_space<vmem>>, vector<1x16xi32>,
      %get3A_620 = vector.shape_cast %get3A_619 : vector<1x16xi32> to vector<16xi32>
      %max3A_621 = arith.constant -1024 : i32
      %max3A_622 = vector.broadcast %max3A_621 : i32 to vector<16xi32>
      %max3A_623 = arith.maxsi %get3A_620, %max3A_622 : vector<16xi32>
      %min3A_624 = arith.constant 1024 : i32
      %min3A_625 = vector.broadcast %min3A_624 : i32 to vector<16xi32>
      %min3A_626 = arith.minsi %max3A_623, %min3A_625 : vector<16xi32>
      %add3A_627 = arith.constant 1024 : i32
      %add3A_628 = vector.broadcast %add3A_627 : i32 to vector<16xi32>
      %add3A_629 = arith.addi %min3A_626, %add3A_628 : vector<16xi32>
      %swap3A_630 = arith.constant 1 : i32
      %swap3A_631 = arith.index_cast %swap3A_630 : i32 to index
      %swap3A_632 = arith.constant 80 : index
      %swap3A_633 = tpu.vector_load %arg6[%swap3A_631, %swap3A_632] {strides = array<i32>} : memref<2x128xi32, #tpu.memory_space<vmem>>, vector<1x16xi32>,
      %swap3A_634 = vector.shape_cast %swap3A_633 : vector<1x16xi32> to vector<16xi32>
      %swap3A_635 = vector.shape_cast %add3A_629 : vector<16xi32> to vector<1x16xi32>
      tpu.vector_store %arg6[%swap3A_631, %swap3A_632], %swap3A_635 {strides = array<i32>} : memref<2x128xi32, #tpu.memory_space<vmem>>, vector<1x16xi32>,
      %get3A_636 = arith.constant 1 : i32
      %get3A_637 = arith.index_cast %get3A_636 : i32 to index
      %get3A_638 = arith.constant 96 : index
      %get3A_639 = tpu.vector_load %arg5[%get3A_637, %get3A_638] {strides = array<i32>} : memref<2x128xi32, #tpu.memory_space<vmem>>, vector<1x16xi32>,
      %get3A_640 = vector.shape_cast %get3A_639 : vector<1x16xi32> to vector<16xi32>
      %max3A_641 = arith.constant -1024 : i32
      %max3A_642 = vector.broadcast %max3A_641 : i32 to vector<16xi32>
      %max3A_643 = arith.maxsi %get3A_640, %max3A_642 : vector<16xi32>
      %min3A_644 = arith.constant 1024 : i32
      %min3A_645 = vector.broadcast %min3A_644 : i32 to vector<16xi32>
      %min3A_646 = arith.minsi %max3A_643, %min3A_645 : vector<16xi32>
      %add3A_647 = arith.constant 1024 : i32
      %add3A_648 = vector.broadcast %add3A_647 : i32 to vector<16xi32>
      %add3A_649 = arith.addi %min3A_646, %add3A_648 : vector<16xi32>
      %swap3A_650 = arith.constant 1 : i32
      %swap3A_651 = arith.index_cast %swap3A_650 : i32 to index
      %swap3A_652 = arith.constant 96 : index
      %swap3A_653 = tpu.vector_load %arg6[%swap3A_651, %swap3A_652] {strides = array<i32>} : memref<2x128xi32, #tpu.memory_space<vmem>>, vector<1x16xi32>,
      %swap3A_654 = vector.shape_cast %swap3A_653 : vector<1x16xi32> to vector<16xi32>
      %swap3A_655 = vector.shape_cast %add3A_649 : vector<16xi32> to vector<1x16xi32>
      tpu.vector_store %arg6[%swap3A_651, %swap3A_652], %swap3A_655 {strides = array<i32>} : memref<2x128xi32, #tpu.memory_space<vmem>>, vector<1x16xi32>,
      %get3A_656 = arith.constant 1 : i32
      %get3A_657 = arith.index_cast %get3A_656 : i32 to index
      %get3A_658 = arith.constant 112 : index
      %get3A_659 = tpu.vector_load %arg5[%get3A_657, %get3A_658] {strides = array<i32>} : memref<2x128xi32, #tpu.memory_space<vmem>>, vector<1x16xi32>,
      %get3A_660 = vector.shape_cast %get3A_659 : vector<1x16xi32> to vector<16xi32>
      %max3A_661 = arith.constant -1024 : i32
      %max3A_662 = vector.broadcast %max3A_661 : i32 to vector<16xi32>
      %max3A_663 = arith.maxsi %get3A_660, %max3A_662 : vector<16xi32>
      %min3A_664 = arith.constant 1024 : i32
      %min3A_665 = vector.broadcast %min3A_664 : i32 to vector<16xi32>
      %min3A_666 = arith.minsi %max3A_663, %min3A_665 : vector<16xi32>
      %add3A_667 = arith.constant 1024 : i32
      %add3A_668 = vector.broadcast %add3A_667 : i32 to vector<16xi32>
      %add3A_669 = arith.addi %min3A_666, %add3A_668 : vector<16xi32>
      %swap3A_670 = arith.constant 1 : i32
      %swap3A_671 = arith.index_cast %swap3A_670 : i32 to index
      %swap3A_672 = arith.constant 112 : index
      %swap3A_673 = tpu.vector_load %arg6[%swap3A_671, %swap3A_672] {strides = array<i32>} : memref<2x128xi32, #tpu.memory_space<vmem>>, vector<1x16xi32>,
      %swap3A_674 = vector.shape_cast %swap3A_673 : vector<1x16xi32> to vector<16xi32>
      %swap3A_675 = vector.shape_cast %add3A_669 : vector<16xi32> to vector<1x16xi32>
      tpu.vector_store %arg6[%swap3A_671, %swap3A_672], %swap3A_675 {strides = array<i32>} : memref<2x128xi32, #tpu.memory_space<vmem>>, vector<1x16xi32>,
      %dma_start3A_676 = arith.constant 1 : i32
      %dma_start3A_677 = arith.constant 1 : i32
      %dma_start3A_678 = arith.constant 0 : i32
      %dma_start3A_679 = arith.constant 0 : i32
      %dma_start3A_680 = tpu.memref_slice %arg7[%dma_start3A_677, %dma_start3A_678, %dma_start3A_679] : memref<2x128x128xf32, #tpu.memory_space<vmem>> -> memref<1x128x128xf32, #tpu.memory_space<vmem>>
      %dma_start3A_681 = tpu.memref_squeeze %dma_start3A_680 : memref<1x128x128xf32, #tpu.memory_space<vmem>> -> memref<128x128xf32, #tpu.memory_space<vmem>>
      %dma_start3A_682 = arith.constant 0 : i32
      %dma_start3A_683 = tpu.memref_slice %arg6[%dma_start3A_676, %dma_start3A_682] : memref<2x128xi32, #tpu.memory_space<vmem>> -> memref<1x128xi32, #tpu.memory_space<vmem>>
      %dma_start3A_684 = tpu.memref_squeeze %dma_start3A_683 : memref<1x128xi32, #tpu.memory_space<vmem>> -> memref<128xi32, #tpu.memory_space<vmem>>
      %dma_start3A_685 = arith.constant 0 : i32
      %dma_start3A_686 = arith.constant 0 : i32
      %dma_start3A_687 = tpu.memref_slice %arg3[%dma_start3A_685, %dma_start3A_686] : memref<2049x128xf32, #tpu.memory_space<hbm>> -> memref<2049x128xf32, #tpu.memory_space<hbm>>
      tpu.enqueue_indirect_dma source(%dma_start3A_687 : memref<2049x128xf32, #tpu.memory_space<hbm>>) target(%dma_start3A_681 : memref<128x128xf32, #tpu.memory_space<vmem>>) offsets(%dma_start3A_684 : memref<128xi32, #tpu.memory_space<vmem>>) semaphore(%arg12 : memref<!tpu.dma_semaphore, #tpu.memory_space<semaphore_mem>>)
      %add3A_688 = arith.constant 2 : i32
      %add3A_689 = arith.addi %mul3A_506, %add3A_688 : i32
      %lt3A = arith.constant 1024 : i32
      %lt3A_690 = arith.cmpi slt, %add3A_689, %lt3A : i32
      %convert_element_type3A = arith.extui %lt3A_690 : i1 to i32
      %cond3A = arith.constant 0 : i32
      %cond3A_691 = arith.cmpi ne, %convert_element_type3A, %cond3A : i32
      scf.if %cond3A_691 {
        %add3A_961 = arith.constant 2 : i32
        %add3A_962 = arith.addi %mul3A_506, %add3A_961 : i32
        %mul3A_963 = arith.constant 128 : i32
        %mul3A_964 = arith.muli %add3A_962, %mul3A_963 : i32
        %add3A_965 = arith.addi %mul3A_2, %mul3A_964 : i32
        %dma_start3A_966 = arith.constant 0 : i32
        %dma_start3A_967 = arith.constant 0 : i32
        %dma_start3A_968 = tpu.memref_slice %arg5[%dma_start3A_966, %dma_start3A_967] : memref<2x128xi32, #tpu.memory_space<vmem>> -> memref<1x128xi32, #tpu.memory_space<vmem>>
        %dma_start3A_969 = tpu.memref_squeeze %dma_start3A_968 : memref<1x128xi32, #tpu.memory_space<vmem>> -> memref<128xi32, #tpu.memory_space<vmem>>
        %dma_start3A_970 = tpu.memref_slice %arg2[%add3A_965] : memref<4194304xi32, #tpu.memory_space<hbm>> -> memref<128xi32, #tpu.memory_space<hbm>>
        %dma_start3A_971 = arith.constant 0 : i32
        %dma_start3A_972 = tpu.memref_slice %arg5[%dma_start3A_966, %dma_start3A_971] : memref<2x128xi32, #tpu.memory_space<vmem>> -> memref<1x128xi32, #tpu.memory_space<vmem>>
        %dma_start3A_973 = tpu.memref_squeeze %dma_start3A_972 : memref<1x128xi32, #tpu.memory_space<vmem>> -> memref<128xi32, #tpu.memory_space<vmem>>
        %dma_start3A_974 = tpu.memref_slice %arg2[%add3A_965] : memref<4194304xi32, #tpu.memory_space<hbm>> -> memref<128xi32, #tpu.memory_space<hbm>>
        tpu.enqueue_dma source(%dma_start3A_974 : memref<128xi32, #tpu.memory_space<hbm>>) target(%dma_start3A_973 : memref<128xi32, #tpu.memory_space<vmem>>) target_semaphore(%arg9 : memref<!tpu.dma_semaphore, #tpu.memory_space<semaphore_mem>>)
      } else {
      }
      %dma_wait3A_692 = arith.constant 0 : i32
      %dma_wait3A_693 = arith.constant 0 : i32
      %dma_wait3A_694 = arith.constant 0 : i32
      %dma_wait3A_695 = arith.constant 0 : i32
      %dma_wait3A_696 = tpu.memref_slice %arg7[%dma_wait3A_693, %dma_wait3A_694, %dma_wait3A_695] : memref<2x128x128xf32, #tpu.memory_space<vmem>> -> memref<1x128x128xf32, #tpu.memory_space<vmem>>
      %dma_wait3A_697 = tpu.memref_squeeze %dma_wait3A_696 : memref<1x128x128xf32, #tpu.memory_space<vmem>> -> memref<128x128xf32, #tpu.memory_space<vmem>>
      %dma_wait3A_698 = arith.constant 0 : i32
      %dma_wait3A_699 = tpu.memref_slice %arg6[%dma_wait3A_692, %dma_wait3A_698] : memref<2x128xi32, #tpu.memory_space<vmem>> -> memref<1x128xi32, #tpu.memory_space<vmem>>
      %dma_wait3A_700 = tpu.memref_squeeze %dma_wait3A_699 : memref<1x128xi32, #tpu.memory_space<vmem>> -> memref<128xi32, #tpu.memory_space<vmem>>
      %dma_wait3A_701 = arith.constant 0 : i32
      %dma_wait3A_702 = arith.constant 0 : i32
      %dma_wait3A_703 = tpu.memref_slice %arg3[%dma_wait3A_701, %dma_wait3A_702] : memref<2049x128xf32, #tpu.memory_space<hbm>> -> memref<2049x128xf32, #tpu.memory_space<hbm>>
      tpu.wait_indirect_dma semaphore(%arg11 : memref<!tpu.dma_semaphore, #tpu.memory_space<semaphore_mem>>) src(%dma_wait3A_703 : memref<2049x128xf32, #tpu.memory_space<hbm>>) dst(%dma_wait3A_697 : memref<128x128xf32, #tpu.memory_space<vmem>>)
      %ge3A = arith.constant 2 : i32
      %ge3A_704 = arith.cmpi sge, %mul3A_506, %ge3A : i32
      %convert_element_type3A_705 = arith.extui %ge3A_704 : i1 to i32
      %cond3A_706 = arith.constant 0 : i32
      %cond3A_707 = arith.cmpi ne, %convert_element_type3A_705, %cond3A_706 : i32
      scf.if %cond3A_707 {
        %dma_wait3A_961 = arith.constant 0 : i32
        %dma_wait3A_962 = arith.constant 0 : i32
        %dma_wait3A_963 = arith.constant 0 : i32
        %dma_wait3A_964 = tpu.memref_slice %arg8[%dma_wait3A_961, %dma_wait3A_962, %dma_wait3A_963] : memref<2x128x64xf32, #tpu.memory_space<vmem>> -> memref<1x128x64xf32, #tpu.memory_space<vmem>>
        %dma_wait3A_965 = tpu.memref_squeeze %dma_wait3A_964 : memref<1x128x64xf32, #tpu.memory_space<vmem>> -> memref<128x64xf32, #tpu.memory_space<vmem>>
        %dma_wait3A_966 = arith.constant 0 : i32
        %dma_wait3A_967 = tpu.memref_slice %arg4[%mul3A_2, %dma_wait3A_966] : memref<4194304x64xf32, #tpu.memory_space<hbm>> -> memref<128x64xf32, #tpu.memory_space<hbm>>
        %dma_wait3A_968 = arith.constant 0 : i32
        %dma_wait3A_969 = tpu.memref_slice %arg4[%mul3A_2, %dma_wait3A_968] : memref<4194304x64xf32, #tpu.memory_space<hbm>> -> memref<128x64xf32, #tpu.memory_space<hbm>>
        %dma_wait3A_970 = arith.constant 0 : i32
        %dma_wait3A_971 = arith.constant 0 : i32
        %dma_wait3A_972 = tpu.memref_slice %arg8[%dma_wait3A_961, %dma_wait3A_970, %dma_wait3A_971] : memref<2x128x64xf32, #tpu.memory_space<vmem>> -> memref<1x128x64xf32, #tpu.memory_space<vmem>>
        %dma_wait3A_973 = tpu.memref_squeeze %dma_wait3A_972 : memref<1x128x64xf32, #tpu.memory_space<vmem>> -> memref<128x64xf32, #tpu.memory_space<vmem>>
        tpu.wait_dma2 semaphore(%arg13 : memref<!tpu.dma_semaphore, #tpu.memory_space<semaphore_mem>>) src(%dma_wait3A_973 : memref<128x64xf32, #tpu.memory_space<vmem>>) dst(%dma_wait3A_969 : memref<128x64xf32, #tpu.memory_space<hbm>>)
      } else {
      }
      %scan3A_708 = arith.constant 0 : i32
      %scan3A_709 = arith.constant 0 : i32
      %scan3A_710 = arith.constant 32 : i32
      %scan3A_711 = arith.addi %scan3A_709, %scan3A_710 : i32
      %scan3A_712 = arith.constant 1 : i32
      scf.for %scan3A_961 = %scan3A_709 to %scan3A_711 step %scan3A_712  : i32 {
        %mul3A_962 = arith.constant 4 : i32
        %mul3A_963 = arith.muli %scan3A_961, %mul3A_962 : i32
        %add3A_964 = arith.constant 0 : i32
        %add3A_965 = arith.addi %mul3A_963, %add3A_964 : i32
        %get3A_966 = arith.constant 0 : i32
        %get3A_967 = arith.index_cast %get3A_966 : i32 to index
        %get3A_968 = arith.index_cast %add3A_965 : i32 to index
        %get3A_969 = arith.constant 0 : index
        %get3A_970 = tpu.vector_load %arg7[%get3A_967, %get3A_968, %get3A_969] {strides = array<i32>} : memref<2x128x128xf32, #tpu.memory_space<vmem>>, vector<1x1x16xf32>,
        %get3A_971 = vector.shape_cast %get3A_970 : vector<1x1x16xf32> to vector<16xf32>
        %mul3A_972 = arith.constant 4 : i32
        %mul3A_973 = arith.muli %scan3A_961, %mul3A_972 : i32
        %add3A_974 = arith.constant 0 : i32
        %add3A_975 = arith.addi %mul3A_973, %add3A_974 : i32
        %swap3A_976 = arith.constant 0 : i32
        %swap3A_977 = arith.index_cast %swap3A_976 : i32 to index
        %swap3A_978 = arith.index_cast %add3A_975 : i32 to index
        %swap3A_979 = arith.constant 0 : index
        %swap3A_980 = tpu.vector_load %arg8[%swap3A_977, %swap3A_978, %swap3A_979] {strides = array<i32>} : memref<2x128x64xf32, #tpu.memory_space<vmem>>, vector<1x1x16xf32>,
        %swap3A_981 = vector.shape_cast %swap3A_980 : vector<1x1x16xf32> to vector<16xf32>
        %swap3A_982 = vector.shape_cast %get3A_971 : vector<16xf32> to vector<1x1x16xf32>
        tpu.vector_store %arg8[%swap3A_977, %swap3A_978, %swap3A_979], %swap3A_982 {strides = array<i32>} : memref<2x128x64xf32, #tpu.memory_space<vmem>>, vector<1x1x16xf32>,
        %mul3A_983 = arith.constant 4 : i32
        %mul3A_984 = arith.muli %scan3A_961, %mul3A_983 : i32
        %add3A_985 = arith.constant 0 : i32
        %add3A_986 = arith.addi %mul3A_984, %add3A_985 : i32
        %get3A_987 = arith.constant 0 : i32
        %get3A_988 = arith.index_cast %get3A_987 : i32 to index
        %get3A_989 = arith.index_cast %add3A_986 : i32 to index
        %get3A_990 = arith.constant 16 : index
        %get3A_991 = tpu.vector_load %arg7[%get3A_988, %get3A_989, %get3A_990] {strides = array<i32>} : memref<2x128x128xf32, #tpu.memory_space<vmem>>, vector<1x1x16xf32>,
        %get3A_992 = vector.shape_cast %get3A_991 : vector<1x1x16xf32> to vector<16xf32>
        %mul3A_993 = arith.constant 4 : i32
        %mul3A_994 = arith.muli %scan3A_961, %mul3A_993 : i32
        %add3A_995 = arith.constant 0 : i32
        %add3A_996 = arith.addi %mul3A_994, %add3A_995 : i32
        %swap3A_997 = arith.constant 0 : i32
        %swap3A_998 = arith.index_cast %swap3A_997 : i32 to index
        %swap3A_999 = arith.index_cast %add3A_996 : i32 to index
        %swap3A_1000 = arith.constant 16 : index
        %swap3A_1001 = tpu.vector_load %arg8[%swap3A_998, %swap3A_999, %swap3A_1000] {strides = array<i32>} : memref<2x128x64xf32, #tpu.memory_space<vmem>>, vector<1x1x16xf32>,
        %swap3A_1002 = vector.shape_cast %swap3A_1001 : vector<1x1x16xf32> to vector<16xf32>
        %swap3A_1003 = vector.shape_cast %get3A_992 : vector<16xf32> to vector<1x1x16xf32>
        tpu.vector_store %arg8[%swap3A_998, %swap3A_999, %swap3A_1000], %swap3A_1003 {strides = array<i32>} : memref<2x128x64xf32, #tpu.memory_space<vmem>>, vector<1x1x16xf32>,
        %mul3A_1004 = arith.constant 4 : i32
        %mul3A_1005 = arith.muli %scan3A_961, %mul3A_1004 : i32
        %add3A_1006 = arith.constant 0 : i32
        %add3A_1007 = arith.addi %mul3A_1005, %add3A_1006 : i32
        %get3A_1008 = arith.constant 0 : i32
        %get3A_1009 = arith.index_cast %get3A_1008 : i32 to index
        %get3A_1010 = arith.index_cast %add3A_1007 : i32 to index
        %get3A_1011 = arith.constant 32 : index
        %get3A_1012 = tpu.vector_load %arg7[%get3A_1009, %get3A_1010, %get3A_1011] {strides = array<i32>} : memref<2x128x128xf32, #tpu.memory_space<vmem>>, vector<1x1x16xf32>,
        %get3A_1013 = vector.shape_cast %get3A_1012 : vector<1x1x16xf32> to vector<16xf32>
        %mul3A_1014 = arith.constant 4 : i32
        %mul3A_1015 = arith.muli %scan3A_961, %mul3A_1014 : i32
        %add3A_1016 = arith.constant 0 : i32
        %add3A_1017 = arith.addi %mul3A_1015, %add3A_1016 : i32
        %swap3A_1018 = arith.constant 0 : i32
        %swap3A_1019 = arith.index_cast %swap3A_1018 : i32 to index
        %swap3A_1020 = arith.index_cast %add3A_1017 : i32 to index
        %swap3A_1021 = arith.constant 32 : index
        %swap3A_1022 = tpu.vector_load %arg8[%swap3A_1019, %swap3A_1020, %swap3A_1021] {strides = array<i32>} : memref<2x128x64xf32, #tpu.memory_space<vmem>>, vector<1x1x16xf32>,
        %swap3A_1023 = vector.shape_cast %swap3A_1022 : vector<1x1x16xf32> to vector<16xf32>
        %swap3A_1024 = vector.shape_cast %get3A_1013 : vector<16xf32> to vector<1x1x16xf32>
        tpu.vector_store %arg8[%swap3A_1019, %swap3A_1020, %swap3A_1021], %swap3A_1024 {strides = array<i32>} : memref<2x128x64xf32, #tpu.memory_space<vmem>>, vector<1x1x16xf32>,
        %mul3A_1025 = arith.constant 4 : i32
        %mul3A_1026 = arith.muli %scan3A_961, %mul3A_1025 : i32
        %add3A_1027 = arith.constant 0 : i32
        %add3A_1028 = arith.addi %mul3A_1026, %add3A_1027 : i32
        %get3A_1029 = arith.constant 0 : i32
        %get3A_1030 = arith.index_cast %get3A_1029 : i32 to index
        %get3A_1031 = arith.index_cast %add3A_1028 : i32 to index
        %get3A_1032 = arith.constant 48 : index
        %get3A_1033 = tpu.vector_load %arg7[%get3A_1030, %get3A_1031, %get3A_1032] {strides = array<i32>} : memref<2x128x128xf32, #tpu.memory_space<vmem>>, vector<1x1x16xf32>,
        %get3A_1034 = vector.shape_cast %get3A_1033 : vector<1x1x16xf32> to vector<16xf32>
        %mul3A_1035 = arith.constant 4 : i32
        %mul3A_1036 = arith.muli %scan3A_961, %mul3A_1035 : i32
        %add3A_1037 = arith.constant 0 : i32
        %add3A_1038 = arith.addi %mul3A_1036, %add3A_1037 : i32
        %swap3A_1039 = arith.constant 0 : i32
        %swap3A_1040 = arith.index_cast %swap3A_1039 : i32 to index
        %swap3A_1041 = arith.index_cast %add3A_1038 : i32 to index
        %swap3A_1042 = arith.constant 48 : index
        %swap3A_1043 = tpu.vector_load %arg8[%swap3A_1040, %swap3A_1041, %swap3A_1042] {strides = array<i32>} : memref<2x128x64xf32, #tpu.memory_space<vmem>>, vector<1x1x16xf32>,
        %swap3A_1044 = vector.shape_cast %swap3A_1043 : vector<1x1x16xf32> to vector<16xf32>
        %swap3A_1045 = vector.shape_cast %get3A_1034 : vector<16xf32> to vector<1x1x16xf32>
        tpu.vector_store %arg8[%swap3A_1040, %swap3A_1041, %swap3A_1042], %swap3A_1045 {strides = array<i32>} : memref<2x128x64xf32, #tpu.memory_space<vmem>>, vector<1x1x16xf32>,
        %mul3A_1046 = arith.constant 4 : i32
        %mul3A_1047 = arith.muli %scan3A_961, %mul3A_1046 : i32
        %add3A_1048 = arith.constant 1 : i32
        %add3A_1049 = arith.addi %mul3A_1047, %add3A_1048 : i32
        %get3A_1050 = arith.constant 0 : i32
        %get3A_1051 = arith.index_cast %get3A_1050 : i32 to index
        %get3A_1052 = arith.index_cast %add3A_1049 : i32 to index
        %get3A_1053 = arith.constant 0 : index
        %get3A_1054 = tpu.vector_load %arg7[%get3A_1051, %get3A_1052, %get3A_1053] {strides = array<i32>} : memref<2x128x128xf32, #tpu.memory_space<vmem>>, vector<1x1x16xf32>,
        %get3A_1055 = vector.shape_cast %get3A_1054 : vector<1x1x16xf32> to vector<16xf32>
        %mul3A_1056 = arith.constant 4 : i32
        %mul3A_1057 = arith.muli %scan3A_961, %mul3A_1056 : i32
        %add3A_1058 = arith.constant 1 : i32
        %add3A_1059 = arith.addi %mul3A_1057, %add3A_1058 : i32
        %swap3A_1060 = arith.constant 0 : i32
        %swap3A_1061 = arith.index_cast %swap3A_1060 : i32 to index
        %swap3A_1062 = arith.index_cast %add3A_1059 : i32 to index
        %swap3A_1063 = arith.constant 0 : index
        %swap3A_1064 = tpu.vector_load %arg8[%swap3A_1061, %swap3A_1062, %swap3A_1063] {strides = array<i32>} : memref<2x128x64xf32, #tpu.memory_space<vmem>>, vector<1x1x16xf32>,
        %swap3A_1065 = vector.shape_cast %swap3A_1064 : vector<1x1x16xf32> to vector<16xf32>
        %swap3A_1066 = vector.shape_cast %get3A_1055 : vector<16xf32> to vector<1x1x16xf32>
        tpu.vector_store %arg8[%swap3A_1061, %swap3A_1062, %swap3A_1063], %swap3A_1066 {strides = array<i32>} : memref<2x128x64xf32, #tpu.memory_space<vmem>>, vector<1x1x16xf32>,
        %mul3A_1067 = arith.constant 4 : i32
        %mul3A_1068 = arith.muli %scan3A_961, %mul3A_1067 : i32
        %add3A_1069 = arith.constant 1 : i32
        %add3A_1070 = arith.addi %mul3A_1068, %add3A_1069 : i32
        %get3A_1071 = arith.constant 0 : i32
        %get3A_1072 = arith.index_cast %get3A_1071 : i32 to index
        %get3A_1073 = arith.index_cast %add3A_1070 : i32 to index
        %get3A_1074 = arith.constant 16 : index
        %get3A_1075 = tpu.vector_load %arg7[%get3A_1072, %get3A_1073, %get3A_1074] {strides = array<i32>} : memref<2x128x128xf32, #tpu.memory_space<vmem>>, vector<1x1x16xf32>,
        %get3A_1076 = vector.shape_cast %get3A_1075 : vector<1x1x16xf32> to vector<16xf32>
        %mul3A_1077 = arith.constant 4 : i32
        %mul3A_1078 = arith.muli %scan3A_961, %mul3A_1077 : i32
        %add3A_1079 = arith.constant 1 : i32
        %add3A_1080 = arith.addi %mul3A_1078, %add3A_1079 : i32
        %swap3A_1081 = arith.constant 0 : i32
        %swap3A_1082 = arith.index_cast %swap3A_1081 : i32 to index
        %swap3A_1083 = arith.index_cast %add3A_1080 : i32 to index
        %swap3A_1084 = arith.constant 16 : index
        %swap3A_1085 = tpu.vector_load %arg8[%swap3A_1082, %swap3A_1083, %swap3A_1084] {strides = array<i32>} : memref<2x128x64xf32, #tpu.memory_space<vmem>>, vector<1x1x16xf32>,
        %swap3A_1086 = vector.shape_cast %swap3A_1085 : vector<1x1x16xf32> to vector<16xf32>
        %swap3A_1087 = vector.shape_cast %get3A_1076 : vector<16xf32> to vector<1x1x16xf32>
        tpu.vector_store %arg8[%swap3A_1082, %swap3A_1083, %swap3A_1084], %swap3A_1087 {strides = array<i32>} : memref<2x128x64xf32, #tpu.memory_space<vmem>>, vector<1x1x16xf32>,
        %mul3A_1088 = arith.constant 4 : i32
        %mul3A_1089 = arith.muli %scan3A_961, %mul3A_1088 : i32
        %add3A_1090 = arith.constant 1 : i32
        %add3A_1091 = arith.addi %mul3A_1089, %add3A_1090 : i32
        %get3A_1092 = arith.constant 0 : i32
        %get3A_1093 = arith.index_cast %get3A_1092 : i32 to index
        %get3A_1094 = arith.index_cast %add3A_1091 : i32 to index
        %get3A_1095 = arith.constant 32 : index
        %get3A_1096 = tpu.vector_load %arg7[%get3A_1093, %get3A_1094, %get3A_1095] {strides = array<i32>} : memref<2x128x128xf32, #tpu.memory_space<vmem>>, vector<1x1x16xf32>,
        %get3A_1097 = vector.shape_cast %get3A_1096 : vector<1x1x16xf32> to vector<16xf32>
        %mul3A_1098 = arith.constant 4 : i32
        %mul3A_1099 = arith.muli %scan3A_961, %mul3A_1098 : i32
        %add3A_1100 = arith.constant 1 : i32
        %add3A_1101 = arith.addi %mul3A_1099, %add3A_1100 : i32
        %swap3A_1102 = arith.constant 0 : i32
        %swap3A_1103 = arith.index_cast %swap3A_1102 : i32 to index
        %swap3A_1104 = arith.index_cast %add3A_1101 : i32 to index
        %swap3A_1105 = arith.constant 32 : index
        %swap3A_1106 = tpu.vector_load %arg8[%swap3A_1103, %swap3A_1104, %swap3A_1105] {strides = array<i32>} : memref<2x128x64xf32, #tpu.memory_space<vmem>>, vector<1x1x16xf32>,
        %swap3A_1107 = vector.shape_cast %swap3A_1106 : vector<1x1x16xf32> to vector<16xf32>
        %swap3A_1108 = vector.shape_cast %get3A_1097 : vector<16xf32> to vector<1x1x16xf32>
        tpu.vector_store %arg8[%swap3A_1103, %swap3A_1104, %swap3A_1105], %swap3A_1108 {strides = array<i32>} : memref<2x128x64xf32, #tpu.memory_space<vmem>>, vector<1x1x16xf32>,
        %mul3A_1109 = arith.constant 4 : i32
        %mul3A_1110 = arith.muli %scan3A_961, %mul3A_1109 : i32
        %add3A_1111 = arith.constant 1 : i32
        %add3A_1112 = arith.addi %mul3A_1110, %add3A_1111 : i32
        %get3A_1113 = arith.constant 0 : i32
        %get3A_1114 = arith.index_cast %get3A_1113 : i32 to index
        %get3A_1115 = arith.index_cast %add3A_1112 : i32 to index
        %get3A_1116 = arith.constant 48 : index
        %get3A_1117 = tpu.vector_load %arg7[%get3A_1114, %get3A_1115, %get3A_1116] {strides = array<i32>} : memref<2x128x128xf32, #tpu.memory_space<vmem>>, vector<1x1x16xf32>,
        %get3A_1118 = vector.shape_cast %get3A_1117 : vector<1x1x16xf32> to vector<16xf32>
        %mul3A_1119 = arith.constant 4 : i32
        %mul3A_1120 = arith.muli %scan3A_961, %mul3A_1119 : i32
        %add3A_1121 = arith.constant 1 : i32
        %add3A_1122 = arith.addi %mul3A_1120, %add3A_1121 : i32
        %swap3A_1123 = arith.constant 0 : i32
        %swap3A_1124 = arith.index_cast %swap3A_1123 : i32 to index
        %swap3A_1125 = arith.index_cast %add3A_1122 : i32 to index
        %swap3A_1126 = arith.constant 48 : index
        %swap3A_1127 = tpu.vector_load %arg8[%swap3A_1124, %swap3A_1125, %swap3A_1126] {strides = array<i32>} : memref<2x128x64xf32, #tpu.memory_space<vmem>>, vector<1x1x16xf32>,
        %swap3A_1128 = vector.shape_cast %swap3A_1127 : vector<1x1x16xf32> to vector<16xf32>
        %swap3A_1129 = vector.shape_cast %get3A_1118 : vector<16xf32> to vector<1x1x16xf32>
        tpu.vector_store %arg8[%swap3A_1124, %swap3A_1125, %swap3A_1126], %swap3A_1129 {strides = array<i32>} : memref<2x128x64xf32, #tpu.memory_space<vmem>>, vector<1x1x16xf32>,
        %mul3A_1130 = arith.constant 4 : i32
        %mul3A_1131 = arith.muli %scan3A_961, %mul3A_1130 : i32
        %add3A_1132 = arith.constant 2 : i32
        %add3A_1133 = arith.addi %mul3A_1131, %add3A_1132 : i32
        %get3A_1134 = arith.constant 0 : i32
        %get3A_1135 = arith.index_cast %get3A_1134 : i32 to index
        %get3A_1136 = arith.index_cast %add3A_1133 : i32 to index
        %get3A_1137 = arith.constant 0 : index
        %get3A_1138 = tpu.vector_load %arg7[%get3A_1135, %get3A_1136, %get3A_1137] {strides = array<i32>} : memref<2x128x128xf32, #tpu.memory_space<vmem>>, vector<1x1x16xf32>,
        %get3A_1139 = vector.shape_cast %get3A_1138 : vector<1x1x16xf32> to vector<16xf32>
        %mul3A_1140 = arith.constant 4 : i32
        %mul3A_1141 = arith.muli %scan3A_961, %mul3A_1140 : i32
        %add3A_1142 = arith.constant 2 : i32
        %add3A_1143 = arith.addi %mul3A_1141, %add3A_1142 : i32
        %swap3A_1144 = arith.constant 0 : i32
        %swap3A_1145 = arith.index_cast %swap3A_1144 : i32 to index
        %swap3A_1146 = arith.index_cast %add3A_1143 : i32 to index
        %swap3A_1147 = arith.constant 0 : index
        %swap3A_1148 = tpu.vector_load %arg8[%swap3A_1145, %swap3A_1146, %swap3A_1147] {strides = array<i32>} : memref<2x128x64xf32, #tpu.memory_space<vmem>>, vector<1x1x16xf32>,
        %swap3A_1149 = vector.shape_cast %swap3A_1148 : vector<1x1x16xf32> to vector<16xf32>
        %swap3A_1150 = vector.shape_cast %get3A_1139 : vector<16xf32> to vector<1x1x16xf32>
        tpu.vector_store %arg8[%swap3A_1145, %swap3A_1146, %swap3A_1147], %swap3A_1150 {strides = array<i32>} : memref<2x128x64xf32, #tpu.memory_space<vmem>>, vector<1x1x16xf32>,
        %mul3A_1151 = arith.constant 4 : i32
        %mul3A_1152 = arith.muli %scan3A_961, %mul3A_1151 : i32
        %add3A_1153 = arith.constant 2 : i32
        %add3A_1154 = arith.addi %mul3A_1152, %add3A_1153 : i32
        %get3A_1155 = arith.constant 0 : i32
        %get3A_1156 = arith.index_cast %get3A_1155 : i32 to index
        %get3A_1157 = arith.index_cast %add3A_1154 : i32 to index
        %get3A_1158 = arith.constant 16 : index
        %get3A_1159 = tpu.vector_load %arg7[%get3A_1156, %get3A_1157, %get3A_1158] {strides = array<i32>} : memref<2x128x128xf32, #tpu.memory_space<vmem>>, vector<1x1x16xf32>,
        %get3A_1160 = vector.shape_cast %get3A_1159 : vector<1x1x16xf32> to vector<16xf32>
        %mul3A_1161 = arith.constant 4 : i32
        %mul3A_1162 = arith.muli %scan3A_961, %mul3A_1161 : i32
        %add3A_1163 = arith.constant 2 : i32
        %add3A_1164 = arith.addi %mul3A_1162, %add3A_1163 : i32
        %swap3A_1165 = arith.constant 0 : i32
        %swap3A_1166 = arith.index_cast %swap3A_1165 : i32 to index
        %swap3A_1167 = arith.index_cast %add3A_1164 : i32 to index
        %swap3A_1168 = arith.constant 16 : index
        %swap3A_1169 = tpu.vector_load %arg8[%swap3A_1166, %swap3A_1167, %swap3A_1168] {strides = array<i32>} : memref<2x128x64xf32, #tpu.memory_space<vmem>>, vector<1x1x16xf32>,
        %swap3A_1170 = vector.shape_cast %swap3A_1169 : vector<1x1x16xf32> to vector<16xf32>
        %swap3A_1171 = vector.shape_cast %get3A_1160 : vector<16xf32> to vector<1x1x16xf32>
        tpu.vector_store %arg8[%swap3A_1166, %swap3A_1167, %swap3A_1168], %swap3A_1171 {strides = array<i32>} : memref<2x128x64xf32, #tpu.memory_space<vmem>>, vector<1x1x16xf32>,
        %mul3A_1172 = arith.constant 4 : i32
        %mul3A_1173 = arith.muli %scan3A_961, %mul3A_1172 : i32
        %add3A_1174 = arith.constant 2 : i32
        %add3A_1175 = arith.addi %mul3A_1173, %add3A_1174 : i32
        %get3A_1176 = arith.constant 0 : i32
        %get3A_1177 = arith.index_cast %get3A_1176 : i32 to index
        %get3A_1178 = arith.index_cast %add3A_1175 : i32 to index
        %get3A_1179 = arith.constant 32 : index
        %get3A_1180 = tpu.vector_load %arg7[%get3A_1177, %get3A_1178, %get3A_1179] {strides = array<i32>} : memref<2x128x128xf32, #tpu.memory_space<vmem>>, vector<1x1x16xf32>,
        %get3A_1181 = vector.shape_cast %get3A_1180 : vector<1x1x16xf32> to vector<16xf32>
        %mul3A_1182 = arith.constant 4 : i32
        %mul3A_1183 = arith.muli %scan3A_961, %mul3A_1182 : i32
        %add3A_1184 = arith.constant 2 : i32
        %add3A_1185 = arith.addi %mul3A_1183, %add3A_1184 : i32
        %swap3A_1186 = arith.constant 0 : i32
        %swap3A_1187 = arith.index_cast %swap3A_1186 : i32 to index
        %swap3A_1188 = arith.index_cast %add3A_1185 : i32 to index
        %swap3A_1189 = arith.constant 32 : index
        %swap3A_1190 = tpu.vector_load %arg8[%swap3A_1187, %swap3A_1188, %swap3A_1189] {strides = array<i32>} : memref<2x128x64xf32, #tpu.memory_space<vmem>>, vector<1x1x16xf32>,
        %swap3A_1191 = vector.shape_cast %swap3A_1190 : vector<1x1x16xf32> to vector<16xf32>
        %swap3A_1192 = vector.shape_cast %get3A_1181 : vector<16xf32> to vector<1x1x16xf32>
        tpu.vector_store %arg8[%swap3A_1187, %swap3A_1188, %swap3A_1189], %swap3A_1192 {strides = array<i32>} : memref<2x128x64xf32, #tpu.memory_space<vmem>>, vector<1x1x16xf32>,
        %mul3A_1193 = arith.constant 4 : i32
        %mul3A_1194 = arith.muli %scan3A_961, %mul3A_1193 : i32
        %add3A_1195 = arith.constant 2 : i32
        %add3A_1196 = arith.addi %mul3A_1194, %add3A_1195 : i32
        %get3A_1197 = arith.constant 0 : i32
        %get3A_1198 = arith.index_cast %get3A_1197 : i32 to index
        %get3A_1199 = arith.index_cast %add3A_1196 : i32 to index
        %get3A_1200 = arith.constant 48 : index
        %get3A_1201 = tpu.vector_load %arg7[%get3A_1198, %get3A_1199, %get3A_1200] {strides = array<i32>} : memref<2x128x128xf32, #tpu.memory_space<vmem>>, vector<1x1x16xf32>,
        %get3A_1202 = vector.shape_cast %get3A_1201 : vector<1x1x16xf32> to vector<16xf32>
        %mul3A_1203 = arith.constant 4 : i32
        %mul3A_1204 = arith.muli %scan3A_961, %mul3A_1203 : i32
        %add3A_1205 = arith.constant 2 : i32
        %add3A_1206 = arith.addi %mul3A_1204, %add3A_1205 : i32
        %swap3A_1207 = arith.constant 0 : i32
        %swap3A_1208 = arith.index_cast %swap3A_1207 : i32 to index
        %swap3A_1209 = arith.index_cast %add3A_1206 : i32 to index
        %swap3A_1210 = arith.constant 48 : index
        %swap3A_1211 = tpu.vector_load %arg8[%swap3A_1208, %swap3A_1209, %swap3A_1210] {strides = array<i32>} : memref<2x128x64xf32, #tpu.memory_space<vmem>>, vector<1x1x16xf32>,
        %swap3A_1212 = vector.shape_cast %swap3A_1211 : vector<1x1x16xf32> to vector<16xf32>
        %swap3A_1213 = vector.shape_cast %get3A_1202 : vector<16xf32> to vector<1x1x16xf32>
        tpu.vector_store %arg8[%swap3A_1208, %swap3A_1209, %swap3A_1210], %swap3A_1213 {strides = array<i32>} : memref<2x128x64xf32, #tpu.memory_space<vmem>>, vector<1x1x16xf32>,
        %mul3A_1214 = arith.constant 4 : i32
        %mul3A_1215 = arith.muli %scan3A_961, %mul3A_1214 : i32
        %add3A_1216 = arith.constant 3 : i32
        %add3A_1217 = arith.addi %mul3A_1215, %add3A_1216 : i32
        %get3A_1218 = arith.constant 0 : i32
        %get3A_1219 = arith.index_cast %get3A_1218 : i32 to index
        %get3A_1220 = arith.index_cast %add3A_1217 : i32 to index
        %get3A_1221 = arith.constant 0 : index
        %get3A_1222 = tpu.vector_load %arg7[%get3A_1219, %get3A_1220, %get3A_1221] {strides = array<i32>} : memref<2x128x128xf32, #tpu.memory_space<vmem>>, vector<1x1x16xf32>,
        %get3A_1223 = vector.shape_cast %get3A_1222 : vector<1x1x16xf32> to vector<16xf32>
        %mul3A_1224 = arith.constant 4 : i32
        %mul3A_1225 = arith.muli %scan3A_961, %mul3A_1224 : i32
        %add3A_1226 = arith.constant 3 : i32
        %add3A_1227 = arith.addi %mul3A_1225, %add3A_1226 : i32
        %swap3A_1228 = arith.constant 0 : i32
        %swap3A_1229 = arith.index_cast %swap3A_1228 : i32 to index
        %swap3A_1230 = arith.index_cast %add3A_1227 : i32 to index
        %swap3A_1231 = arith.constant 0 : index
        %swap3A_1232 = tpu.vector_load %arg8[%swap3A_1229, %swap3A_1230, %swap3A_1231] {strides = array<i32>} : memref<2x128x64xf32, #tpu.memory_space<vmem>>, vector<1x1x16xf32>,
        %swap3A_1233 = vector.shape_cast %swap3A_1232 : vector<1x1x16xf32> to vector<16xf32>
        %swap3A_1234 = vector.shape_cast %get3A_1223 : vector<16xf32> to vector<1x1x16xf32>
        tpu.vector_store %arg8[%swap3A_1229, %swap3A_1230, %swap3A_1231], %swap3A_1234 {strides = array<i32>} : memref<2x128x64xf32, #tpu.memory_space<vmem>>, vector<1x1x16xf32>,
        %mul3A_1235 = arith.constant 4 : i32
        %mul3A_1236 = arith.muli %scan3A_961, %mul3A_1235 : i32
        %add3A_1237 = arith.constant 3 : i32
        %add3A_1238 = arith.addi %mul3A_1236, %add3A_1237 : i32
        %get3A_1239 = arith.constant 0 : i32
        %get3A_1240 = arith.index_cast %get3A_1239 : i32 to index
        %get3A_1241 = arith.index_cast %add3A_1238 : i32 to index
        %get3A_1242 = arith.constant 16 : index
        %get3A_1243 = tpu.vector_load %arg7[%get3A_1240, %get3A_1241, %get3A_1242] {strides = array<i32>} : memref<2x128x128xf32, #tpu.memory_space<vmem>>, vector<1x1x16xf32>,
        %get3A_1244 = vector.shape_cast %get3A_1243 : vector<1x1x16xf32> to vector<16xf32>
        %mul3A_1245 = arith.constant 4 : i32
        %mul3A_1246 = arith.muli %scan3A_961, %mul3A_1245 : i32
        %add3A_1247 = arith.constant 3 : i32
        %add3A_1248 = arith.addi %mul3A_1246, %add3A_1247 : i32
        %swap3A_1249 = arith.constant 0 : i32
        %swap3A_1250 = arith.index_cast %swap3A_1249 : i32 to index
        %swap3A_1251 = arith.index_cast %add3A_1248 : i32 to index
        %swap3A_1252 = arith.constant 16 : index
        %swap3A_1253 = tpu.vector_load %arg8[%swap3A_1250, %swap3A_1251, %swap3A_1252] {strides = array<i32>} : memref<2x128x64xf32, #tpu.memory_space<vmem>>, vector<1x1x16xf32>,
        %swap3A_1254 = vector.shape_cast %swap3A_1253 : vector<1x1x16xf32> to vector<16xf32>
        %swap3A_1255 = vector.shape_cast %get3A_1244 : vector<16xf32> to vector<1x1x16xf32>
        tpu.vector_store %arg8[%swap3A_1250, %swap3A_1251, %swap3A_1252], %swap3A_1255 {strides = array<i32>} : memref<2x128x64xf32, #tpu.memory_space<vmem>>, vector<1x1x16xf32>,
        %mul3A_1256 = arith.constant 4 : i32
        %mul3A_1257 = arith.muli %scan3A_961, %mul3A_1256 : i32
        %add3A_1258 = arith.constant 3 : i32
        %add3A_1259 = arith.addi %mul3A_1257, %add3A_1258 : i32
        %get3A_1260 = arith.constant 0 : i32
        %get3A_1261 = arith.index_cast %get3A_1260 : i32 to index
        %get3A_1262 = arith.index_cast %add3A_1259 : i32 to index
        %get3A_1263 = arith.constant 32 : index
        %get3A_1264 = tpu.vector_load %arg7[%get3A_1261, %get3A_1262, %get3A_1263] {strides = array<i32>} : memref<2x128x128xf32, #tpu.memory_space<vmem>>, vector<1x1x16xf32>,
        %get3A_1265 = vector.shape_cast %get3A_1264 : vector<1x1x16xf32> to vector<16xf32>
        %mul3A_1266 = arith.constant 4 : i32
        %mul3A_1267 = arith.muli %scan3A_961, %mul3A_1266 : i32
        %add3A_1268 = arith.constant 3 : i32
        %add3A_1269 = arith.addi %mul3A_1267, %add3A_1268 : i32
        %swap3A_1270 = arith.constant 0 : i32
        %swap3A_1271 = arith.index_cast %swap3A_1270 : i32 to index
        %swap3A_1272 = arith.index_cast %add3A_1269 : i32 to index
        %swap3A_1273 = arith.constant 32 : index
        %swap3A_1274 = tpu.vector_load %arg8[%swap3A_1271, %swap3A_1272, %swap3A_1273] {strides = array<i32>} : memref<2x128x64xf32, #tpu.memory_space<vmem>>, vector<1x1x16xf32>,
        %swap3A_1275 = vector.shape_cast %swap3A_1274 : vector<1x1x16xf32> to vector<16xf32>
        %swap3A_1276 = vector.shape_cast %get3A_1265 : vector<16xf32> to vector<1x1x16xf32>
        tpu.vector_store %arg8[%swap3A_1271, %swap3A_1272, %swap3A_1273], %swap3A_1276 {strides = array<i32>} : memref<2x128x64xf32, #tpu.memory_space<vmem>>, vector<1x1x16xf32>,
        %mul3A_1277 = arith.constant 4 : i32
        %mul3A_1278 = arith.muli %scan3A_961, %mul3A_1277 : i32
        %add3A_1279 = arith.constant 3 : i32
        %add3A_1280 = arith.addi %mul3A_1278, %add3A_1279 : i32
        %get3A_1281 = arith.constant 0 : i32
        %get3A_1282 = arith.index_cast %get3A_1281 : i32 to index
        %get3A_1283 = arith.index_cast %add3A_1280 : i32 to index
        %get3A_1284 = arith.constant 48 : index
        %get3A_1285 = tpu.vector_load %arg7[%get3A_1282, %get3A_1283, %get3A_1284] {strides = array<i32>} : memref<2x128x128xf32, #tpu.memory_space<vmem>>, vector<1x1x16xf32>,
        %get3A_1286 = vector.shape_cast %get3A_1285 : vector<1x1x16xf32> to vector<16xf32>
        %mul3A_1287 = arith.constant 4 : i32
        %mul3A_1288 = arith.muli %scan3A_961, %mul3A_1287 : i32
        %add3A_1289 = arith.constant 3 : i32
        %add3A_1290 = arith.addi %mul3A_1288, %add3A_1289 : i32
        %swap3A_1291 = arith.constant 0 : i32
        %swap3A_1292 = arith.index_cast %swap3A_1291 : i32 to index
        %swap3A_1293 = arith.index_cast %add3A_1290 : i32 to index
        %swap3A_1294 = arith.constant 48 : index
        %swap3A_1295 = tpu.vector_load %arg8[%swap3A_1292, %swap3A_1293, %swap3A_1294] {strides = array<i32>} : memref<2x128x64xf32, #tpu.memory_space<vmem>>, vector<1x1x16xf32>,
        %swap3A_1296 = vector.shape_cast %swap3A_1295 : vector<1x1x16xf32> to vector<16xf32>
        %swap3A_1297 = vector.shape_cast %get3A_1286 : vector<16xf32> to vector<1x1x16xf32>
        tpu.vector_store %arg8[%swap3A_1292, %swap3A_1293, %swap3A_1294], %swap3A_1297 {strides = array<i32>} : memref<2x128x64xf32, #tpu.memory_space<vmem>>, vector<1x1x16xf32>,
      }
      %scan3A_713 = arith.constant 32 : i32
      %mul3A_714 = arith.constant 128 : i32
      %mul3A_715 = arith.muli %mul3A_506, %mul3A_714 : i32
      %add3A_716 = arith.addi %mul3A_2, %mul3A_715 : i32
      %dma_start3A_717 = arith.constant 0 : i32
      %dma_start3A_718 = arith.constant 0 : i32
      %dma_start3A_719 = arith.constant 0 : i32
      %dma_start3A_720 = tpu.memref_slice %arg8[%dma_start3A_717, %dma_start3A_718, %dma_start3A_719] : memref<2x128x64xf32, #tpu.memory_space<vmem>> -> memref<1x128x64xf32, #tpu.memory_space<vmem>>
      %dma_start3A_721 = tpu.memref_squeeze %dma_start3A_720 : memref<1x128x64xf32, #tpu.memory_space<vmem>> -> memref<128x64xf32, #tpu.memory_space<vmem>>
      %dma_start3A_722 = arith.constant 0 : i32
      %dma_start3A_723 = tpu.memref_slice %arg4[%add3A_716, %dma_start3A_722] : memref<4194304x64xf32, #tpu.memory_space<hbm>> -> memref<128x64xf32, #tpu.memory_space<hbm>>
      %dma_start3A_724 = arith.constant 0 : i32
      %dma_start3A_725 = tpu.memref_slice %arg4[%add3A_716, %dma_start3A_724] : memref<4194304x64xf32, #tpu.memory_space<hbm>> -> memref<128x64xf32, #tpu.memory_space<hbm>>
      %dma_start3A_726 = arith.constant 0 : i32
      %dma_start3A_727 = arith.constant 0 : i32
      %dma_start3A_728 = tpu.memref_slice %arg8[%dma_start3A_717, %dma_start3A_726, %dma_start3A_727] : memref<2x128x64xf32, #tpu.memory_space<vmem>> -> memref<1x128x64xf32, #tpu.memory_space<vmem>>
      %dma_start3A_729 = tpu.memref_squeeze %dma_start3A_728 : memref<1x128x64xf32, #tpu.memory_space<vmem>> -> memref<128x64xf32, #tpu.memory_space<vmem>>
      tpu.enqueue_dma source(%dma_start3A_729 : memref<128x64xf32, #tpu.memory_space<vmem>>) target(%dma_start3A_725 : memref<128x64xf32, #tpu.memory_space<hbm>>) target_semaphore(%arg13 : memref<!tpu.dma_semaphore, #tpu.memory_space<semaphore_mem>>)
      %mul3A_730 = arith.constant 2 : i32
      %mul3A_731 = arith.muli %mul3A_730, %scan3A_504 : i32
      %add3A_732 = arith.constant 1 : i32
      %add3A_733 = arith.addi %mul3A_731, %add3A_732 : i32
      %dma_wait3A_734 = arith.constant 0 : i32
      %dma_wait3A_735 = arith.constant 0 : i32
      %dma_wait3A_736 = tpu.memref_slice %arg5[%dma_wait3A_734, %dma_wait3A_735] : memref<2x128xi32, #tpu.memory_space<vmem>> -> memref<1x128xi32, #tpu.memory_space<vmem>>
      %dma_wait3A_737 = tpu.memref_squeeze %dma_wait3A_736 : memref<1x128xi32, #tpu.memory_space<vmem>> -> memref<128xi32, #tpu.memory_space<vmem>>
      %dma_wait3A_738 = tpu.memref_slice %arg2[%mul3A_2] : memref<4194304xi32, #tpu.memory_space<hbm>> -> memref<128xi32, #tpu.memory_space<hbm>>
      %dma_wait3A_739 = arith.constant 0 : i32
      %dma_wait3A_740 = tpu.memref_slice %arg5[%dma_wait3A_734, %dma_wait3A_739] : memref<2x128xi32, #tpu.memory_space<vmem>> -> memref<1x128xi32, #tpu.memory_space<vmem>>
      %dma_wait3A_741 = tpu.memref_squeeze %dma_wait3A_740 : memref<1x128xi32, #tpu.memory_space<vmem>> -> memref<128xi32, #tpu.memory_space<vmem>>
      %dma_wait3A_742 = tpu.memref_slice %arg2[%mul3A_2] : memref<4194304xi32, #tpu.memory_space<hbm>> -> memref<128xi32, #tpu.memory_space<hbm>>
      tpu.wait_dma2 semaphore(%arg9 : memref<!tpu.dma_semaphore, #tpu.memory_space<semaphore_mem>>) src(%dma_wait3A_742 : memref<128xi32, #tpu.memory_space<hbm>>) dst(%dma_wait3A_741 : memref<128xi32, #tpu.memory_space<vmem>>)
      %get3A_743 = arith.constant 0 : i32
      %get3A_744 = arith.index_cast %get3A_743 : i32 to index
      %get3A_745 = arith.constant 0 : index
      %get3A_746 = tpu.vector_load %arg5[%get3A_744, %get3A_745] {strides = array<i32>} : memref<2x128xi32, #tpu.memory_space<vmem>>, vector<1x16xi32>,
      %get3A_747 = vector.shape_cast %get3A_746 : vector<1x16xi32> to vector<16xi32>
      %max3A_748 = arith.constant -1024 : i32
      %max3A_749 = vector.broadcast %max3A_748 : i32 to vector<16xi32>
      %max3A_750 = arith.maxsi %get3A_747, %max3A_749 : vector<16xi32>
      %min3A_751 = arith.constant 1024 : i32
      %min3A_752 = vector.broadcast %min3A_751 : i32 to vector<16xi32>
      %min3A_753 = arith.minsi %max3A_750, %min3A_752 : vector<16xi32>
      %add3A_754 = arith.constant 1024 : i32
      %add3A_755 = vector.broadcast %add3A_754 : i32 to vector<16xi32>
      %add3A_756 = arith.addi %min3A_753, %add3A_755 : vector<16xi32>
      %swap3A_757 = arith.constant 0 : i32
      %swap3A_758 = arith.index_cast %swap3A_757 : i32 to index
      %swap3A_759 = arith.constant 0 : index
      %swap3A_760 = tpu.vector_load %arg6[%swap3A_758, %swap3A_759] {strides = array<i32>} : memref<2x128xi32, #tpu.memory_space<vmem>>, vector<1x16xi32>,
      %swap3A_761 = vector.shape_cast %swap3A_760 : vector<1x16xi32> to vector<16xi32>
      %swap3A_762 = vector.shape_cast %add3A_756 : vector<16xi32> to vector<1x16xi32>
      tpu.vector_store %arg6[%swap3A_758, %swap3A_759], %swap3A_762 {strides = array<i32>} : memref<2x128xi32, #tpu.memory_space<vmem>>, vector<1x16xi32>,
      %get3A_763 = arith.constant 0 : i32
      %get3A_764 = arith.index_cast %get3A_763 : i32 to index
      %get3A_765 = arith.constant 16 : index
      %get3A_766 = tpu.vector_load %arg5[%get3A_764, %get3A_765] {strides = array<i32>} : memref<2x128xi32, #tpu.memory_space<vmem>>, vector<1x16xi32>,
      %get3A_767 = vector.shape_cast %get3A_766 : vector<1x16xi32> to vector<16xi32>
      %max3A_768 = arith.constant -1024 : i32
      %max3A_769 = vector.broadcast %max3A_768 : i32 to vector<16xi32>
      %max3A_770 = arith.maxsi %get3A_767, %max3A_769 : vector<16xi32>
      %min3A_771 = arith.constant 1024 : i32
      %min3A_772 = vector.broadcast %min3A_771 : i32 to vector<16xi32>
      %min3A_773 = arith.minsi %max3A_770, %min3A_772 : vector<16xi32>
      %add3A_774 = arith.constant 1024 : i32
      %add3A_775 = vector.broadcast %add3A_774 : i32 to vector<16xi32>
      %add3A_776 = arith.addi %min3A_773, %add3A_775 : vector<16xi32>
      %swap3A_777 = arith.constant 0 : i32
      %swap3A_778 = arith.index_cast %swap3A_777 : i32 to index
      %swap3A_779 = arith.constant 16 : index
      %swap3A_780 = tpu.vector_load %arg6[%swap3A_778, %swap3A_779] {strides = array<i32>} : memref<2x128xi32, #tpu.memory_space<vmem>>, vector<1x16xi32>,
      %swap3A_781 = vector.shape_cast %swap3A_780 : vector<1x16xi32> to vector<16xi32>
      %swap3A_782 = vector.shape_cast %add3A_776 : vector<16xi32> to vector<1x16xi32>
      tpu.vector_store %arg6[%swap3A_778, %swap3A_779], %swap3A_782 {strides = array<i32>} : memref<2x128xi32, #tpu.memory_space<vmem>>, vector<1x16xi32>,
      %get3A_783 = arith.constant 0 : i32
      %get3A_784 = arith.index_cast %get3A_783 : i32 to index
      %get3A_785 = arith.constant 32 : index
      %get3A_786 = tpu.vector_load %arg5[%get3A_784, %get3A_785] {strides = array<i32>} : memref<2x128xi32, #tpu.memory_space<vmem>>, vector<1x16xi32>,
      %get3A_787 = vector.shape_cast %get3A_786 : vector<1x16xi32> to vector<16xi32>
      %max3A_788 = arith.constant -1024 : i32
      %max3A_789 = vector.broadcast %max3A_788 : i32 to vector<16xi32>
      %max3A_790 = arith.maxsi %get3A_787, %max3A_789 : vector<16xi32>
      %min3A_791 = arith.constant 1024 : i32
      %min3A_792 = vector.broadcast %min3A_791 : i32 to vector<16xi32>
      %min3A_793 = arith.minsi %max3A_790, %min3A_792 : vector<16xi32>
      %add3A_794 = arith.constant 1024 : i32
      %add3A_795 = vector.broadcast %add3A_794 : i32 to vector<16xi32>
      %add3A_796 = arith.addi %min3A_793, %add3A_795 : vector<16xi32>
      %swap3A_797 = arith.constant 0 : i32
      %swap3A_798 = arith.index_cast %swap3A_797 : i32 to index
      %swap3A_799 = arith.constant 32 : index
      %swap3A_800 = tpu.vector_load %arg6[%swap3A_798, %swap3A_799] {strides = array<i32>} : memref<2x128xi32, #tpu.memory_space<vmem>>, vector<1x16xi32>,
      %swap3A_801 = vector.shape_cast %swap3A_800 : vector<1x16xi32> to vector<16xi32>
      %swap3A_802 = vector.shape_cast %add3A_796 : vector<16xi32> to vector<1x16xi32>
      tpu.vector_store %arg6[%swap3A_798, %swap3A_799], %swap3A_802 {strides = array<i32>} : memref<2x128xi32, #tpu.memory_space<vmem>>, vector<1x16xi32>,
      %get3A_803 = arith.constant 0 : i32
      %get3A_804 = arith.index_cast %get3A_803 : i32 to index
      %get3A_805 = arith.constant 48 : index
      %get3A_806 = tpu.vector_load %arg5[%get3A_804, %get3A_805] {strides = array<i32>} : memref<2x128xi32, #tpu.memory_space<vmem>>, vector<1x16xi32>,
      %get3A_807 = vector.shape_cast %get3A_806 : vector<1x16xi32> to vector<16xi32>
      %max3A_808 = arith.constant -1024 : i32
      %max3A_809 = vector.broadcast %max3A_808 : i32 to vector<16xi32>
      %max3A_810 = arith.maxsi %get3A_807, %max3A_809 : vector<16xi32>
      %min3A_811 = arith.constant 1024 : i32
      %min3A_812 = vector.broadcast %min3A_811 : i32 to vector<16xi32>
      %min3A_813 = arith.minsi %max3A_810, %min3A_812 : vector<16xi32>
      %add3A_814 = arith.constant 1024 : i32
      %add3A_815 = vector.broadcast %add3A_814 : i32 to vector<16xi32>
      %add3A_816 = arith.addi %min3A_813, %add3A_815 : vector<16xi32>
      %swap3A_817 = arith.constant 0 : i32
      %swap3A_818 = arith.index_cast %swap3A_817 : i32 to index
      %swap3A_819 = arith.constant 48 : index
      %swap3A_820 = tpu.vector_load %arg6[%swap3A_818, %swap3A_819] {strides = array<i32>} : memref<2x128xi32, #tpu.memory_space<vmem>>, vector<1x16xi32>,
      %swap3A_821 = vector.shape_cast %swap3A_820 : vector<1x16xi32> to vector<16xi32>
      %swap3A_822 = vector.shape_cast %add3A_816 : vector<16xi32> to vector<1x16xi32>
      tpu.vector_store %arg6[%swap3A_818, %swap3A_819], %swap3A_822 {strides = array<i32>} : memref<2x128xi32, #tpu.memory_space<vmem>>, vector<1x16xi32>,
      %get3A_823 = arith.constant 0 : i32
      %get3A_824 = arith.index_cast %get3A_823 : i32 to index
      %get3A_825 = arith.constant 64 : index
      %get3A_826 = tpu.vector_load %arg5[%get3A_824, %get3A_825] {strides = array<i32>} : memref<2x128xi32, #tpu.memory_space<vmem>>, vector<1x16xi32>,
      %get3A_827 = vector.shape_cast %get3A_826 : vector<1x16xi32> to vector<16xi32>
      %max3A_828 = arith.constant -1024 : i32
      %max3A_829 = vector.broadcast %max3A_828 : i32 to vector<16xi32>
      %max3A_830 = arith.maxsi %get3A_827, %max3A_829 : vector<16xi32>
      %min3A_831 = arith.constant 1024 : i32
      %min3A_832 = vector.broadcast %min3A_831 : i32 to vector<16xi32>
      %min3A_833 = arith.minsi %max3A_830, %min3A_832 : vector<16xi32>
      %add3A_834 = arith.constant 1024 : i32
      %add3A_835 = vector.broadcast %add3A_834 : i32 to vector<16xi32>
      %add3A_836 = arith.addi %min3A_833, %add3A_835 : vector<16xi32>
      %swap3A_837 = arith.constant 0 : i32
      %swap3A_838 = arith.index_cast %swap3A_837 : i32 to index
      %swap3A_839 = arith.constant 64 : index
      %swap3A_840 = tpu.vector_load %arg6[%swap3A_838, %swap3A_839] {strides = array<i32>} : memref<2x128xi32, #tpu.memory_space<vmem>>, vector<1x16xi32>,
      %swap3A_841 = vector.shape_cast %swap3A_840 : vector<1x16xi32> to vector<16xi32>
      %swap3A_842 = vector.shape_cast %add3A_836 : vector<16xi32> to vector<1x16xi32>
      tpu.vector_store %arg6[%swap3A_838, %swap3A_839], %swap3A_842 {strides = array<i32>} : memref<2x128xi32, #tpu.memory_space<vmem>>, vector<1x16xi32>,
      %get3A_843 = arith.constant 0 : i32
      %get3A_844 = arith.index_cast %get3A_843 : i32 to index
      %get3A_845 = arith.constant 80 : index
      %get3A_846 = tpu.vector_load %arg5[%get3A_844, %get3A_845] {strides = array<i32>} : memref<2x128xi32, #tpu.memory_space<vmem>>, vector<1x16xi32>,
      %get3A_847 = vector.shape_cast %get3A_846 : vector<1x16xi32> to vector<16xi32>
      %max3A_848 = arith.constant -1024 : i32
      %max3A_849 = vector.broadcast %max3A_848 : i32 to vector<16xi32>
      %max3A_850 = arith.maxsi %get3A_847, %max3A_849 : vector<16xi32>
      %min3A_851 = arith.constant 1024 : i32
      %min3A_852 = vector.broadcast %min3A_851 : i32 to vector<16xi32>
      %min3A_853 = arith.minsi %max3A_850, %min3A_852 : vector<16xi32>
      %add3A_854 = arith.constant 1024 : i32
      %add3A_855 = vector.broadcast %add3A_854 : i32 to vector<16xi32>
      %add3A_856 = arith.addi %min3A_853, %add3A_855 : vector<16xi32>
      %swap3A_857 = arith.constant 0 : i32
      %swap3A_858 = arith.index_cast %swap3A_857 : i32 to index
      %swap3A_859 = arith.constant 80 : index
      %swap3A_860 = tpu.vector_load %arg6[%swap3A_858, %swap3A_859] {strides = array<i32>} : memref<2x128xi32, #tpu.memory_space<vmem>>, vector<1x16xi32>,
      %swap3A_861 = vector.shape_cast %swap3A_860 : vector<1x16xi32> to vector<16xi32>
      %swap3A_862 = vector.shape_cast %add3A_856 : vector<16xi32> to vector<1x16xi32>
      tpu.vector_store %arg6[%swap3A_858, %swap3A_859], %swap3A_862 {strides = array<i32>} : memref<2x128xi32, #tpu.memory_space<vmem>>, vector<1x16xi32>,
      %get3A_863 = arith.constant 0 : i32
      %get3A_864 = arith.index_cast %get3A_863 : i32 to index
      %get3A_865 = arith.constant 96 : index
      %get3A_866 = tpu.vector_load %arg5[%get3A_864, %get3A_865] {strides = array<i32>} : memref<2x128xi32, #tpu.memory_space<vmem>>, vector<1x16xi32>,
      %get3A_867 = vector.shape_cast %get3A_866 : vector<1x16xi32> to vector<16xi32>
      %max3A_868 = arith.constant -1024 : i32
      %max3A_869 = vector.broadcast %max3A_868 : i32 to vector<16xi32>
      %max3A_870 = arith.maxsi %get3A_867, %max3A_869 : vector<16xi32>
      %min3A_871 = arith.constant 1024 : i32
      %min3A_872 = vector.broadcast %min3A_871 : i32 to vector<16xi32>
      %min3A_873 = arith.minsi %max3A_870, %min3A_872 : vector<16xi32>
      %add3A_874 = arith.constant 1024 : i32
      %add3A_875 = vector.broadcast %add3A_874 : i32 to vector<16xi32>
      %add3A_876 = arith.addi %min3A_873, %add3A_875 : vector<16xi32>
      %swap3A_877 = arith.constant 0 : i32
      %swap3A_878 = arith.index_cast %swap3A_877 : i32 to index
      %swap3A_879 = arith.constant 96 : index
      %swap3A_880 = tpu.vector_load %arg6[%swap3A_878, %swap3A_879] {strides = array<i32>} : memref<2x128xi32, #tpu.memory_space<vmem>>, vector<1x16xi32>,
      %swap3A_881 = vector.shape_cast %swap3A_880 : vector<1x16xi32> to vector<16xi32>
      %swap3A_882 = vector.shape_cast %add3A_876 : vector<16xi32> to vector<1x16xi32>
      tpu.vector_store %arg6[%swap3A_878, %swap3A_879], %swap3A_882 {strides = array<i32>} : memref<2x128xi32, #tpu.memory_space<vmem>>, vector<1x16xi32>,
      %get3A_883 = arith.constant 0 : i32
      %get3A_884 = arith.index_cast %get3A_883 : i32 to index
      %get3A_885 = arith.constant 112 : index
      %get3A_886 = tpu.vector_load %arg5[%get3A_884, %get3A_885] {strides = array<i32>} : memref<2x128xi32, #tpu.memory_space<vmem>>, vector<1x16xi32>,
      %get3A_887 = vector.shape_cast %get3A_886 : vector<1x16xi32> to vector<16xi32>
      %max3A_888 = arith.constant -1024 : i32
      %max3A_889 = vector.broadcast %max3A_888 : i32 to vector<16xi32>
      %max3A_890 = arith.maxsi %get3A_887, %max3A_889 : vector<16xi32>
      %min3A_891 = arith.constant 1024 : i32
      %min3A_892 = vector.broadcast %min3A_891 : i32 to vector<16xi32>
      %min3A_893 = arith.minsi %max3A_890, %min3A_892 : vector<16xi32>
      %add3A_894 = arith.constant 1024 : i32
      %add3A_895 = vector.broadcast %add3A_894 : i32 to vector<16xi32>
      %add3A_896 = arith.addi %min3A_893, %add3A_895 : vector<16xi32>
      %swap3A_897 = arith.constant 0 : i32
      %swap3A_898 = arith.index_cast %swap3A_897 : i32 to index
      %swap3A_899 = arith.constant 112 : index
      %swap3A_900 = tpu.vector_load %arg6[%swap3A_898, %swap3A_899] {strides = array<i32>} : memref<2x128xi32, #tpu.memory_space<vmem>>, vector<1x16xi32>,
      %swap3A_901 = vector.shape_cast %swap3A_900 : vector<1x16xi32> to vector<16xi32>
      %swap3A_902 = vector.shape_cast %add3A_896 : vector<16xi32> to vector<1x16xi32>
      tpu.vector_store %arg6[%swap3A_898, %swap3A_899], %swap3A_902 {strides = array<i32>} : memref<2x128xi32, #tpu.memory_space<vmem>>, vector<1x16xi32>,
      %dma_start3A_903 = arith.constant 0 : i32
      %dma_start3A_904 = arith.constant 0 : i32
      %dma_start3A_905 = arith.constant 0 : i32
      %dma_start3A_906 = arith.constant 0 : i32
      %dma_start3A_907 = tpu.memref_slice %arg7[%dma_start3A_904, %dma_start3A_905, %dma_start3A_906] : memref<2x128x128xf32, #tpu.memory_space<vmem>> -> memref<1x128x128xf32, #tpu.memory_space<vmem>>
      %dma_start3A_908 = tpu.memref_squeeze %dma_start3A_907 : memref<1x128x128xf32, #tpu.memory_space<vmem>> -> memref<128x128xf32, #tpu.memory_space<vmem>>
      %dma_start3A_909 = arith.constant 0 : i32
      %dma_start3A_910 = tpu.memref_slice %arg6[%dma_start3A_903, %dma_start3A_909] : memref<2x128xi32, #tpu.memory_space<vmem>> -> memref<1x128xi32, #tpu.memory_space<vmem>>
      %dma_start3A_911 = tpu.memref_squeeze %dma_start3A_910 : memref<1x128xi32, #tpu.memory_space<vmem>> -> memref<128xi32, #tpu.memory_space<vmem>>
      %dma_start3A_912 = arith.constant 0 : i32
      %dma_start3A_913 = arith.constant 0 : i32
      %dma_start3A_914 = tpu.memref_slice %arg3[%dma_start3A_912, %dma_start3A_913] : memref<2049x128xf32, #tpu.memory_space<hbm>> -> memref<2049x128xf32, #tpu.memory_space<hbm>>
      tpu.enqueue_indirect_dma source(%dma_start3A_914 : memref<2049x128xf32, #tpu.memory_space<hbm>>) target(%dma_start3A_908 : memref<128x128xf32, #tpu.memory_space<vmem>>) offsets(%dma_start3A_911 : memref<128xi32, #tpu.memory_space<vmem>>) semaphore(%arg11 : memref<!tpu.dma_semaphore, #tpu.memory_space<semaphore_mem>>)
      %add3A_915 = arith.constant 2 : i32
      %add3A_916 = arith.addi %add3A_733, %add3A_915 : i32
      %lt3A_917 = arith.constant 1024 : i32
      %lt3A_918 = arith.cmpi slt, %add3A_916, %lt3A_917 : i32
      %convert_element_type3A_919 = arith.extui %lt3A_918 : i1 to i32
      %cond3A_920 = arith.constant 0 : i32
      %cond3A_921 = arith.cmpi ne, %convert_element_type3A_919, %cond3A_920 : i32
      scf.if %cond3A_921 {
        %add3A_961 = arith.constant 2 : i32
        %add3A_962 = arith.addi %add3A_733, %add3A_961 : i32
        %mul3A_963 = arith.constant 128 : i32
        %mul3A_964 = arith.muli %add3A_962, %mul3A_963 : i32
        %add3A_965 = arith.addi %mul3A_2, %mul3A_964 : i32
        %dma_start3A_966 = arith.constant 1 : i32
        %dma_start3A_967 = arith.constant 0 : i32
        %dma_start3A_968 = tpu.memref_slice %arg5[%dma_start3A_966, %dma_start3A_967] : memref<2x128xi32, #tpu.memory_space<vmem>> -> memref<1x128xi32, #tpu.memory_space<vmem>>
        %dma_start3A_969 = tpu.memref_squeeze %dma_start3A_968 : memref<1x128xi32, #tpu.memory_space<vmem>> -> memref<128xi32, #tpu.memory_space<vmem>>
        %dma_start3A_970 = tpu.memref_slice %arg2[%add3A_965] : memref<4194304xi32, #tpu.memory_space<hbm>> -> memref<128xi32, #tpu.memory_space<hbm>>
        %dma_start3A_971 = arith.constant 0 : i32
        %dma_start3A_972 = tpu.memref_slice %arg5[%dma_start3A_966, %dma_start3A_971] : memref<2x128xi32, #tpu.memory_space<vmem>> -> memref<1x128xi32, #tpu.memory_space<vmem>>
        %dma_start3A_973 = tpu.memref_squeeze %dma_start3A_972 : memref<1x128xi32, #tpu.memory_space<vmem>> -> memref<128xi32, #tpu.memory_space<vmem>>
        %dma_start3A_974 = tpu.memref_slice %arg2[%add3A_965] : memref<4194304xi32, #tpu.memory_space<hbm>> -> memref<128xi32, #tpu.memory_space<hbm>>
        tpu.enqueue_dma source(%dma_start3A_974 : memref<128xi32, #tpu.memory_space<hbm>>) target(%dma_start3A_973 : memref<128xi32, #tpu.memory_space<vmem>>) target_semaphore(%arg10 : memref<!tpu.dma_semaphore, #tpu.memory_space<semaphore_mem>>)
      } else {
      }
      %dma_wait3A_922 = arith.constant 1 : i32
      %dma_wait3A_923 = arith.constant 1 : i32
      %dma_wait3A_924 = arith.constant 0 : i32
      %dma_wait3A_925 = arith.constant 0 : i32
      %dma_wait3A_926 = tpu.memref_slice %arg7[%dma_wait3A_923, %dma_wait3A_924, %dma_wait3A_925] : memref<2x128x128xf32, #tpu.memory_space<vmem>> -> memref<1x128x128xf32, #tpu.memory_space<vmem>>
      %dma_wait3A_927 = tpu.memref_squeeze %dma_wait3A_926 : memref<1x128x128xf32, #tpu.memory_space<vmem>> -> memref<128x128xf32, #tpu.memory_space<vmem>>
      %dma_wait3A_928 = arith.constant 0 : i32
      %dma_wait3A_929 = tpu.memref_slice %arg6[%dma_wait3A_922, %dma_wait3A_928] : memref<2x128xi32, #tpu.memory_space<vmem>> -> memref<1x128xi32, #tpu.memory_space<vmem>>
      %dma_wait3A_930 = tpu.memref_squeeze %dma_wait3A_929 : memref<1x128xi32, #tpu.memory_space<vmem>> -> memref<128xi32, #tpu.memory_space<vmem>>
      %dma_wait3A_931 = arith.constant 0 : i32
      %dma_wait3A_932 = arith.constant 0 : i32
      %dma_wait3A_933 = tpu.memref_slice %arg3[%dma_wait3A_931, %dma_wait3A_932] : memref<2049x128xf32, #tpu.memory_space<hbm>> -> memref<2049x128xf32, #tpu.memory_space<hbm>>
      tpu.wait_indirect_dma semaphore(%arg12 : memref<!tpu.dma_semaphore, #tpu.memory_space<semaphore_mem>>) src(%dma_wait3A_933 : memref<2049x128xf32, #tpu.memory_space<hbm>>) dst(%dma_wait3A_927 : memref<128x128xf32, #tpu.memory_space<vmem>>)
      %ge3A_934 = arith.constant 2 : i32
      %ge3A_935 = arith.cmpi sge, %add3A_733, %ge3A_934 : i32
      %convert_element_type3A_936 = arith.extui %ge3A_935 : i1 to i32
      %cond3A_937 = arith.constant 0 : i32
      %cond3A_938 = arith.cmpi ne, %convert_element_type3A_936, %cond3A_937 : i32
      scf.if %cond3A_938 {
        %dma_wait3A_961 = arith.constant 1 : i32
        %dma_wait3A_962 = arith.constant 0 : i32
        %dma_wait3A_963 = arith.constant 0 : i32
        %dma_wait3A_964 = tpu.memref_slice %arg8[%dma_wait3A_961, %dma_wait3A_962, %dma_wait3A_963] : memref<2x128x64xf32, #tpu.memory_space<vmem>> -> memref<1x128x64xf32, #tpu.memory_space<vmem>>
        %dma_wait3A_965 = tpu.memref_squeeze %dma_wait3A_964 : memref<1x128x64xf32, #tpu.memory_space<vmem>> -> memref<128x64xf32, #tpu.memory_space<vmem>>
        %dma_wait3A_966 = arith.constant 0 : i32
        %dma_wait3A_967 = tpu.memref_slice %arg4[%mul3A_2, %dma_wait3A_966] : memref<4194304x64xf32, #tpu.memory_space<hbm>> -> memref<128x64xf32, #tpu.memory_space<hbm>>
        %dma_wait3A_968 = arith.constant 0 : i32
        %dma_wait3A_969 = tpu.memref_slice %arg4[%mul3A_2, %dma_wait3A_968] : memref<4194304x64xf32, #tpu.memory_space<hbm>> -> memref<128x64xf32, #tpu.memory_space<hbm>>
        %dma_wait3A_970 = arith.constant 0 : i32
        %dma_wait3A_971 = arith.constant 0 : i32
        %dma_wait3A_972 = tpu.memref_slice %arg8[%dma_wait3A_961, %dma_wait3A_970, %dma_wait3A_971] : memref<2x128x64xf32, #tpu.memory_space<vmem>> -> memref<1x128x64xf32, #tpu.memory_space<vmem>>
        %dma_wait3A_973 = tpu.memref_squeeze %dma_wait3A_972 : memref<1x128x64xf32, #tpu.memory_space<vmem>> -> memref<128x64xf32, #tpu.memory_space<vmem>>
        tpu.wait_dma2 semaphore(%arg14 : memref<!tpu.dma_semaphore, #tpu.memory_space<semaphore_mem>>) src(%dma_wait3A_973 : memref<128x64xf32, #tpu.memory_space<vmem>>) dst(%dma_wait3A_969 : memref<128x64xf32, #tpu.memory_space<hbm>>)
      } else {
      }
      %scan3A_939 = arith.constant 0 : i32
      %scan3A_940 = arith.constant 0 : i32
      %scan3A_941 = arith.constant 32 : i32
      %scan3A_942 = arith.addi %scan3A_940, %scan3A_941 : i32
      %scan3A_943 = arith.constant 1 : i32
      scf.for %scan3A_961 = %scan3A_940 to %scan3A_942 step %scan3A_943  : i32 {
        %mul3A_962 = arith.constant 4 : i32
        %mul3A_963 = arith.muli %scan3A_961, %mul3A_962 : i32
        %add3A_964 = arith.constant 0 : i32
        %add3A_965 = arith.addi %mul3A_963, %add3A_964 : i32
        %get3A_966 = arith.constant 1 : i32
        %get3A_967 = arith.index_cast %get3A_966 : i32 to index
        %get3A_968 = arith.index_cast %add3A_965 : i32 to index
        %get3A_969 = arith.constant 0 : index
        %get3A_970 = tpu.vector_load %arg7[%get3A_967, %get3A_968, %get3A_969] {strides = array<i32>} : memref<2x128x128xf32, #tpu.memory_space<vmem>>, vector<1x1x16xf32>,
        %get3A_971 = vector.shape_cast %get3A_970 : vector<1x1x16xf32> to vector<16xf32>
        %mul3A_972 = arith.constant 4 : i32
        %mul3A_973 = arith.muli %scan3A_961, %mul3A_972 : i32
        %add3A_974 = arith.constant 0 : i32
        %add3A_975 = arith.addi %mul3A_973, %add3A_974 : i32
        %swap3A_976 = arith.constant 1 : i32
        %swap3A_977 = arith.index_cast %swap3A_976 : i32 to index
        %swap3A_978 = arith.index_cast %add3A_975 : i32 to index
        %swap3A_979 = arith.constant 0 : index
        %swap3A_980 = tpu.vector_load %arg8[%swap3A_977, %swap3A_978, %swap3A_979] {strides = array<i32>} : memref<2x128x64xf32, #tpu.memory_space<vmem>>, vector<1x1x16xf32>,
        %swap3A_981 = vector.shape_cast %swap3A_980 : vector<1x1x16xf32> to vector<16xf32>
        %swap3A_982 = vector.shape_cast %get3A_971 : vector<16xf32> to vector<1x1x16xf32>
        tpu.vector_store %arg8[%swap3A_977, %swap3A_978, %swap3A_979], %swap3A_982 {strides = array<i32>} : memref<2x128x64xf32, #tpu.memory_space<vmem>>, vector<1x1x16xf32>,
        %mul3A_983 = arith.constant 4 : i32
        %mul3A_984 = arith.muli %scan3A_961, %mul3A_983 : i32
        %add3A_985 = arith.constant 0 : i32
        %add3A_986 = arith.addi %mul3A_984, %add3A_985 : i32
        %get3A_987 = arith.constant 1 : i32
        %get3A_988 = arith.index_cast %get3A_987 : i32 to index
        %get3A_989 = arith.index_cast %add3A_986 : i32 to index
        %get3A_990 = arith.constant 16 : index
        %get3A_991 = tpu.vector_load %arg7[%get3A_988, %get3A_989, %get3A_990] {strides = array<i32>} : memref<2x128x128xf32, #tpu.memory_space<vmem>>, vector<1x1x16xf32>,
        %get3A_992 = vector.shape_cast %get3A_991 : vector<1x1x16xf32> to vector<16xf32>
        %mul3A_993 = arith.constant 4 : i32
        %mul3A_994 = arith.muli %scan3A_961, %mul3A_993 : i32
        %add3A_995 = arith.constant 0 : i32
        %add3A_996 = arith.addi %mul3A_994, %add3A_995 : i32
        %swap3A_997 = arith.constant 1 : i32
        %swap3A_998 = arith.index_cast %swap3A_997 : i32 to index
        %swap3A_999 = arith.index_cast %add3A_996 : i32 to index
        %swap3A_1000 = arith.constant 16 : index
        %swap3A_1001 = tpu.vector_load %arg8[%swap3A_998, %swap3A_999, %swap3A_1000] {strides = array<i32>} : memref<2x128x64xf32, #tpu.memory_space<vmem>>, vector<1x1x16xf32>,
        %swap3A_1002 = vector.shape_cast %swap3A_1001 : vector<1x1x16xf32> to vector<16xf32>
        %swap3A_1003 = vector.shape_cast %get3A_992 : vector<16xf32> to vector<1x1x16xf32>
        tpu.vector_store %arg8[%swap3A_998, %swap3A_999, %swap3A_1000], %swap3A_1003 {strides = array<i32>} : memref<2x128x64xf32, #tpu.memory_space<vmem>>, vector<1x1x16xf32>,
        %mul3A_1004 = arith.constant 4 : i32
        %mul3A_1005 = arith.muli %scan3A_961, %mul3A_1004 : i32
        %add3A_1006 = arith.constant 0 : i32
        %add3A_1007 = arith.addi %mul3A_1005, %add3A_1006 : i32
        %get3A_1008 = arith.constant 1 : i32
        %get3A_1009 = arith.index_cast %get3A_1008 : i32 to index
        %get3A_1010 = arith.index_cast %add3A_1007 : i32 to index
        %get3A_1011 = arith.constant 32 : index
        %get3A_1012 = tpu.vector_load %arg7[%get3A_1009, %get3A_1010, %get3A_1011] {strides = array<i32>} : memref<2x128x128xf32, #tpu.memory_space<vmem>>, vector<1x1x16xf32>,
        %get3A_1013 = vector.shape_cast %get3A_1012 : vector<1x1x16xf32> to vector<16xf32>
        %mul3A_1014 = arith.constant 4 : i32
        %mul3A_1015 = arith.muli %scan3A_961, %mul3A_1014 : i32
        %add3A_1016 = arith.constant 0 : i32
        %add3A_1017 = arith.addi %mul3A_1015, %add3A_1016 : i32
        %swap3A_1018 = arith.constant 1 : i32
        %swap3A_1019 = arith.index_cast %swap3A_1018 : i32 to index
        %swap3A_1020 = arith.index_cast %add3A_1017 : i32 to index
        %swap3A_1021 = arith.constant 32 : index
        %swap3A_1022 = tpu.vector_load %arg8[%swap3A_1019, %swap3A_1020, %swap3A_1021] {strides = array<i32>} : memref<2x128x64xf32, #tpu.memory_space<vmem>>, vector<1x1x16xf32>,
        %swap3A_1023 = vector.shape_cast %swap3A_1022 : vector<1x1x16xf32> to vector<16xf32>
        %swap3A_1024 = vector.shape_cast %get3A_1013 : vector<16xf32> to vector<1x1x16xf32>
        tpu.vector_store %arg8[%swap3A_1019, %swap3A_1020, %swap3A_1021], %swap3A_1024 {strides = array<i32>} : memref<2x128x64xf32, #tpu.memory_space<vmem>>, vector<1x1x16xf32>,
        %mul3A_1025 = arith.constant 4 : i32
        %mul3A_1026 = arith.muli %scan3A_961, %mul3A_1025 : i32
        %add3A_1027 = arith.constant 0 : i32
        %add3A_1028 = arith.addi %mul3A_1026, %add3A_1027 : i32
        %get3A_1029 = arith.constant 1 : i32
        %get3A_1030 = arith.index_cast %get3A_1029 : i32 to index
        %get3A_1031 = arith.index_cast %add3A_1028 : i32 to index
        %get3A_1032 = arith.constant 48 : index
        %get3A_1033 = tpu.vector_load %arg7[%get3A_1030, %get3A_1031, %get3A_1032] {strides = array<i32>} : memref<2x128x128xf32, #tpu.memory_space<vmem>>, vector<1x1x16xf32>,
        %get3A_1034 = vector.shape_cast %get3A_1033 : vector<1x1x16xf32> to vector<16xf32>
        %mul3A_1035 = arith.constant 4 : i32
        %mul3A_1036 = arith.muli %scan3A_961, %mul3A_1035 : i32
        %add3A_1037 = arith.constant 0 : i32
        %add3A_1038 = arith.addi %mul3A_1036, %add3A_1037 : i32
        %swap3A_1039 = arith.constant 1 : i32
        %swap3A_1040 = arith.index_cast %swap3A_1039 : i32 to index
        %swap3A_1041 = arith.index_cast %add3A_1038 : i32 to index
        %swap3A_1042 = arith.constant 48 : index
        %swap3A_1043 = tpu.vector_load %arg8[%swap3A_1040, %swap3A_1041, %swap3A_1042] {strides = array<i32>} : memref<2x128x64xf32, #tpu.memory_space<vmem>>, vector<1x1x16xf32>,
        %swap3A_1044 = vector.shape_cast %swap3A_1043 : vector<1x1x16xf32> to vector<16xf32>
        %swap3A_1045 = vector.shape_cast %get3A_1034 : vector<16xf32> to vector<1x1x16xf32>
        tpu.vector_store %arg8[%swap3A_1040, %swap3A_1041, %swap3A_1042], %swap3A_1045 {strides = array<i32>} : memref<2x128x64xf32, #tpu.memory_space<vmem>>, vector<1x1x16xf32>,
        %mul3A_1046 = arith.constant 4 : i32
        %mul3A_1047 = arith.muli %scan3A_961, %mul3A_1046 : i32
        %add3A_1048 = arith.constant 1 : i32
        %add3A_1049 = arith.addi %mul3A_1047, %add3A_1048 : i32
        %get3A_1050 = arith.constant 1 : i32
        %get3A_1051 = arith.index_cast %get3A_1050 : i32 to index
        %get3A_1052 = arith.index_cast %add3A_1049 : i32 to index
        %get3A_1053 = arith.constant 0 : index
        %get3A_1054 = tpu.vector_load %arg7[%get3A_1051, %get3A_1052, %get3A_1053] {strides = array<i32>} : memref<2x128x128xf32, #tpu.memory_space<vmem>>, vector<1x1x16xf32>,
        %get3A_1055 = vector.shape_cast %get3A_1054 : vector<1x1x16xf32> to vector<16xf32>
        %mul3A_1056 = arith.constant 4 : i32
        %mul3A_1057 = arith.muli %scan3A_961, %mul3A_1056 : i32
        %add3A_1058 = arith.constant 1 : i32
        %add3A_1059 = arith.addi %mul3A_1057, %add3A_1058 : i32
        %swap3A_1060 = arith.constant 1 : i32
        %swap3A_1061 = arith.index_cast %swap3A_1060 : i32 to index
        %swap3A_1062 = arith.index_cast %add3A_1059 : i32 to index
        %swap3A_1063 = arith.constant 0 : index
        %swap3A_1064 = tpu.vector_load %arg8[%swap3A_1061, %swap3A_1062, %swap3A_1063] {strides = array<i32>} : memref<2x128x64xf32, #tpu.memory_space<vmem>>, vector<1x1x16xf32>,
        %swap3A_1065 = vector.shape_cast %swap3A_1064 : vector<1x1x16xf32> to vector<16xf32>
        %swap3A_1066 = vector.shape_cast %get3A_1055 : vector<16xf32> to vector<1x1x16xf32>
        tpu.vector_store %arg8[%swap3A_1061, %swap3A_1062, %swap3A_1063], %swap3A_1066 {strides = array<i32>} : memref<2x128x64xf32, #tpu.memory_space<vmem>>, vector<1x1x16xf32>,
        %mul3A_1067 = arith.constant 4 : i32
        %mul3A_1068 = arith.muli %scan3A_961, %mul3A_1067 : i32
        %add3A_1069 = arith.constant 1 : i32
        %add3A_1070 = arith.addi %mul3A_1068, %add3A_1069 : i32
        %get3A_1071 = arith.constant 1 : i32
        %get3A_1072 = arith.index_cast %get3A_1071 : i32 to index
        %get3A_1073 = arith.index_cast %add3A_1070 : i32 to index
        %get3A_1074 = arith.constant 16 : index
        %get3A_1075 = tpu.vector_load %arg7[%get3A_1072, %get3A_1073, %get3A_1074] {strides = array<i32>} : memref<2x128x128xf32, #tpu.memory_space<vmem>>, vector<1x1x16xf32>,
        %get3A_1076 = vector.shape_cast %get3A_1075 : vector<1x1x16xf32> to vector<16xf32>
        %mul3A_1077 = arith.constant 4 : i32
        %mul3A_1078 = arith.muli %scan3A_961, %mul3A_1077 : i32
        %add3A_1079 = arith.constant 1 : i32
        %add3A_1080 = arith.addi %mul3A_1078, %add3A_1079 : i32
        %swap3A_1081 = arith.constant 1 : i32
        %swap3A_1082 = arith.index_cast %swap3A_1081 : i32 to index
        %swap3A_1083 = arith.index_cast %add3A_1080 : i32 to index
        %swap3A_1084 = arith.constant 16 : index
        %swap3A_1085 = tpu.vector_load %arg8[%swap3A_1082, %swap3A_1083, %swap3A_1084] {strides = array<i32>} : memref<2x128x64xf32, #tpu.memory_space<vmem>>, vector<1x1x16xf32>,
        %swap3A_1086 = vector.shape_cast %swap3A_1085 : vector<1x1x16xf32> to vector<16xf32>
        %swap3A_1087 = vector.shape_cast %get3A_1076 : vector<16xf32> to vector<1x1x16xf32>
        tpu.vector_store %arg8[%swap3A_1082, %swap3A_1083, %swap3A_1084], %swap3A_1087 {strides = array<i32>} : memref<2x128x64xf32, #tpu.memory_space<vmem>>, vector<1x1x16xf32>,
        %mul3A_1088 = arith.constant 4 : i32
        %mul3A_1089 = arith.muli %scan3A_961, %mul3A_1088 : i32
        %add3A_1090 = arith.constant 1 : i32
        %add3A_1091 = arith.addi %mul3A_1089, %add3A_1090 : i32
        %get3A_1092 = arith.constant 1 : i32
        %get3A_1093 = arith.index_cast %get3A_1092 : i32 to index
        %get3A_1094 = arith.index_cast %add3A_1091 : i32 to index
        %get3A_1095 = arith.constant 32 : index
        %get3A_1096 = tpu.vector_load %arg7[%get3A_1093, %get3A_1094, %get3A_1095] {strides = array<i32>} : memref<2x128x128xf32, #tpu.memory_space<vmem>>, vector<1x1x16xf32>,
        %get3A_1097 = vector.shape_cast %get3A_1096 : vector<1x1x16xf32> to vector<16xf32>
        %mul3A_1098 = arith.constant 4 : i32
        %mul3A_1099 = arith.muli %scan3A_961, %mul3A_1098 : i32
        %add3A_1100 = arith.constant 1 : i32
        %add3A_1101 = arith.addi %mul3A_1099, %add3A_1100 : i32
        %swap3A_1102 = arith.constant 1 : i32
        %swap3A_1103 = arith.index_cast %swap3A_1102 : i32 to index
        %swap3A_1104 = arith.index_cast %add3A_1101 : i32 to index
        %swap3A_1105 = arith.constant 32 : index
        %swap3A_1106 = tpu.vector_load %arg8[%swap3A_1103, %swap3A_1104, %swap3A_1105] {strides = array<i32>} : memref<2x128x64xf32, #tpu.memory_space<vmem>>, vector<1x1x16xf32>,
        %swap3A_1107 = vector.shape_cast %swap3A_1106 : vector<1x1x16xf32> to vector<16xf32>
        %swap3A_1108 = vector.shape_cast %get3A_1097 : vector<16xf32> to vector<1x1x16xf32>
        tpu.vector_store %arg8[%swap3A_1103, %swap3A_1104, %swap3A_1105], %swap3A_1108 {strides = array<i32>} : memref<2x128x64xf32, #tpu.memory_space<vmem>>, vector<1x1x16xf32>,
        %mul3A_1109 = arith.constant 4 : i32
        %mul3A_1110 = arith.muli %scan3A_961, %mul3A_1109 : i32
        %add3A_1111 = arith.constant 1 : i32
        %add3A_1112 = arith.addi %mul3A_1110, %add3A_1111 : i32
        %get3A_1113 = arith.constant 1 : i32
        %get3A_1114 = arith.index_cast %get3A_1113 : i32 to index
        %get3A_1115 = arith.index_cast %add3A_1112 : i32 to index
        %get3A_1116 = arith.constant 48 : index
        %get3A_1117 = tpu.vector_load %arg7[%get3A_1114, %get3A_1115, %get3A_1116] {strides = array<i32>} : memref<2x128x128xf32, #tpu.memory_space<vmem>>, vector<1x1x16xf32>,
        %get3A_1118 = vector.shape_cast %get3A_1117 : vector<1x1x16xf32> to vector<16xf32>
        %mul3A_1119 = arith.constant 4 : i32
        %mul3A_1120 = arith.muli %scan3A_961, %mul3A_1119 : i32
        %add3A_1121 = arith.constant 1 : i32
        %add3A_1122 = arith.addi %mul3A_1120, %add3A_1121 : i32
        %swap3A_1123 = arith.constant 1 : i32
        %swap3A_1124 = arith.index_cast %swap3A_1123 : i32 to index
        %swap3A_1125 = arith.index_cast %add3A_1122 : i32 to index
        %swap3A_1126 = arith.constant 48 : index
        %swap3A_1127 = tpu.vector_load %arg8[%swap3A_1124, %swap3A_1125, %swap3A_1126] {strides = array<i32>} : memref<2x128x64xf32, #tpu.memory_space<vmem>>, vector<1x1x16xf32>,
        %swap3A_1128 = vector.shape_cast %swap3A_1127 : vector<1x1x16xf32> to vector<16xf32>
        %swap3A_1129 = vector.shape_cast %get3A_1118 : vector<16xf32> to vector<1x1x16xf32>
        tpu.vector_store %arg8[%swap3A_1124, %swap3A_1125, %swap3A_1126], %swap3A_1129 {strides = array<i32>} : memref<2x128x64xf32, #tpu.memory_space<vmem>>, vector<1x1x16xf32>,
        %mul3A_1130 = arith.constant 4 : i32
        %mul3A_1131 = arith.muli %scan3A_961, %mul3A_1130 : i32
        %add3A_1132 = arith.constant 2 : i32
        %add3A_1133 = arith.addi %mul3A_1131, %add3A_1132 : i32
        %get3A_1134 = arith.constant 1 : i32
        %get3A_1135 = arith.index_cast %get3A_1134 : i32 to index
        %get3A_1136 = arith.index_cast %add3A_1133 : i32 to index
        %get3A_1137 = arith.constant 0 : index
        %get3A_1138 = tpu.vector_load %arg7[%get3A_1135, %get3A_1136, %get3A_1137] {strides = array<i32>} : memref<2x128x128xf32, #tpu.memory_space<vmem>>, vector<1x1x16xf32>,
        %get3A_1139 = vector.shape_cast %get3A_1138 : vector<1x1x16xf32> to vector<16xf32>
        %mul3A_1140 = arith.constant 4 : i32
        %mul3A_1141 = arith.muli %scan3A_961, %mul3A_1140 : i32
        %add3A_1142 = arith.constant 2 : i32
        %add3A_1143 = arith.addi %mul3A_1141, %add3A_1142 : i32
        %swap3A_1144 = arith.constant 1 : i32
        %swap3A_1145 = arith.index_cast %swap3A_1144 : i32 to index
        %swap3A_1146 = arith.index_cast %add3A_1143 : i32 to index
        %swap3A_1147 = arith.constant 0 : index
        %swap3A_1148 = tpu.vector_load %arg8[%swap3A_1145, %swap3A_1146, %swap3A_1147] {strides = array<i32>} : memref<2x128x64xf32, #tpu.memory_space<vmem>>, vector<1x1x16xf32>,
        %swap3A_1149 = vector.shape_cast %swap3A_1148 : vector<1x1x16xf32> to vector<16xf32>
        %swap3A_1150 = vector.shape_cast %get3A_1139 : vector<16xf32> to vector<1x1x16xf32>
        tpu.vector_store %arg8[%swap3A_1145, %swap3A_1146, %swap3A_1147], %swap3A_1150 {strides = array<i32>} : memref<2x128x64xf32, #tpu.memory_space<vmem>>, vector<1x1x16xf32>,
        %mul3A_1151 = arith.constant 4 : i32
        %mul3A_1152 = arith.muli %scan3A_961, %mul3A_1151 : i32
        %add3A_1153 = arith.constant 2 : i32
        %add3A_1154 = arith.addi %mul3A_1152, %add3A_1153 : i32
        %get3A_1155 = arith.constant 1 : i32
        %get3A_1156 = arith.index_cast %get3A_1155 : i32 to index
        %get3A_1157 = arith.index_cast %add3A_1154 : i32 to index
        %get3A_1158 = arith.constant 16 : index
        %get3A_1159 = tpu.vector_load %arg7[%get3A_1156, %get3A_1157, %get3A_1158] {strides = array<i32>} : memref<2x128x128xf32, #tpu.memory_space<vmem>>, vector<1x1x16xf32>,
        %get3A_1160 = vector.shape_cast %get3A_1159 : vector<1x1x16xf32> to vector<16xf32>
        %mul3A_1161 = arith.constant 4 : i32
        %mul3A_1162 = arith.muli %scan3A_961, %mul3A_1161 : i32
        %add3A_1163 = arith.constant 2 : i32
        %add3A_1164 = arith.addi %mul3A_1162, %add3A_1163 : i32
        %swap3A_1165 = arith.constant 1 : i32
        %swap3A_1166 = arith.index_cast %swap3A_1165 : i32 to index
        %swap3A_1167 = arith.index_cast %add3A_1164 : i32 to index
        %swap3A_1168 = arith.constant 16 : index
        %swap3A_1169 = tpu.vector_load %arg8[%swap3A_1166, %swap3A_1167, %swap3A_1168] {strides = array<i32>} : memref<2x128x64xf32, #tpu.memory_space<vmem>>, vector<1x1x16xf32>,
        %swap3A_1170 = vector.shape_cast %swap3A_1169 : vector<1x1x16xf32> to vector<16xf32>
        %swap3A_1171 = vector.shape_cast %get3A_1160 : vector<16xf32> to vector<1x1x16xf32>
        tpu.vector_store %arg8[%swap3A_1166, %swap3A_1167, %swap3A_1168], %swap3A_1171 {strides = array<i32>} : memref<2x128x64xf32, #tpu.memory_space<vmem>>, vector<1x1x16xf32>,
        %mul3A_1172 = arith.constant 4 : i32
        %mul3A_1173 = arith.muli %scan3A_961, %mul3A_1172 : i32
        %add3A_1174 = arith.constant 2 : i32
        %add3A_1175 = arith.addi %mul3A_1173, %add3A_1174 : i32
        %get3A_1176 = arith.constant 1 : i32
        %get3A_1177 = arith.index_cast %get3A_1176 : i32 to index
        %get3A_1178 = arith.index_cast %add3A_1175 : i32 to index
        %get3A_1179 = arith.constant 32 : index
        %get3A_1180 = tpu.vector_load %arg7[%get3A_1177, %get3A_1178, %get3A_1179] {strides = array<i32>} : memref<2x128x128xf32, #tpu.memory_space<vmem>>, vector<1x1x16xf32>,
        %get3A_1181 = vector.shape_cast %get3A_1180 : vector<1x1x16xf32> to vector<16xf32>
        %mul3A_1182 = arith.constant 4 : i32
        %mul3A_1183 = arith.muli %scan3A_961, %mul3A_1182 : i32
        %add3A_1184 = arith.constant 2 : i32
        %add3A_1185 = arith.addi %mul3A_1183, %add3A_1184 : i32
        %swap3A_1186 = arith.constant 1 : i32
        %swap3A_1187 = arith.index_cast %swap3A_1186 : i32 to index
        %swap3A_1188 = arith.index_cast %add3A_1185 : i32 to index
        %swap3A_1189 = arith.constant 32 : index
        %swap3A_1190 = tpu.vector_load %arg8[%swap3A_1187, %swap3A_1188, %swap3A_1189] {strides = array<i32>} : memref<2x128x64xf32, #tpu.memory_space<vmem>>, vector<1x1x16xf32>,
        %swap3A_1191 = vector.shape_cast %swap3A_1190 : vector<1x1x16xf32> to vector<16xf32>
        %swap3A_1192 = vector.shape_cast %get3A_1181 : vector<16xf32> to vector<1x1x16xf32>
        tpu.vector_store %arg8[%swap3A_1187, %swap3A_1188, %swap3A_1189], %swap3A_1192 {strides = array<i32>} : memref<2x128x64xf32, #tpu.memory_space<vmem>>, vector<1x1x16xf32>,
        %mul3A_1193 = arith.constant 4 : i32
        %mul3A_1194 = arith.muli %scan3A_961, %mul3A_1193 : i32
        %add3A_1195 = arith.constant 2 : i32
        %add3A_1196 = arith.addi %mul3A_1194, %add3A_1195 : i32
        %get3A_1197 = arith.constant 1 : i32
        %get3A_1198 = arith.index_cast %get3A_1197 : i32 to index
        %get3A_1199 = arith.index_cast %add3A_1196 : i32 to index
        %get3A_1200 = arith.constant 48 : index
        %get3A_1201 = tpu.vector_load %arg7[%get3A_1198, %get3A_1199, %get3A_1200] {strides = array<i32>} : memref<2x128x128xf32, #tpu.memory_space<vmem>>, vector<1x1x16xf32>,
        %get3A_1202 = vector.shape_cast %get3A_1201 : vector<1x1x16xf32> to vector<16xf32>
        %mul3A_1203 = arith.constant 4 : i32
        %mul3A_1204 = arith.muli %scan3A_961, %mul3A_1203 : i32
        %add3A_1205 = arith.constant 2 : i32
        %add3A_1206 = arith.addi %mul3A_1204, %add3A_1205 : i32
        %swap3A_1207 = arith.constant 1 : i32
        %swap3A_1208 = arith.index_cast %swap3A_1207 : i32 to index
        %swap3A_1209 = arith.index_cast %add3A_1206 : i32 to index
        %swap3A_1210 = arith.constant 48 : index
        %swap3A_1211 = tpu.vector_load %arg8[%swap3A_1208, %swap3A_1209, %swap3A_1210] {strides = array<i32>} : memref<2x128x64xf32, #tpu.memory_space<vmem>>, vector<1x1x16xf32>,
        %swap3A_1212 = vector.shape_cast %swap3A_1211 : vector<1x1x16xf32> to vector<16xf32>
        %swap3A_1213 = vector.shape_cast %get3A_1202 : vector<16xf32> to vector<1x1x16xf32>
        tpu.vector_store %arg8[%swap3A_1208, %swap3A_1209, %swap3A_1210], %swap3A_1213 {strides = array<i32>} : memref<2x128x64xf32, #tpu.memory_space<vmem>>, vector<1x1x16xf32>,
        %mul3A_1214 = arith.constant 4 : i32
        %mul3A_1215 = arith.muli %scan3A_961, %mul3A_1214 : i32
        %add3A_1216 = arith.constant 3 : i32
        %add3A_1217 = arith.addi %mul3A_1215, %add3A_1216 : i32
        %get3A_1218 = arith.constant 1 : i32
        %get3A_1219 = arith.index_cast %get3A_1218 : i32 to index
        %get3A_1220 = arith.index_cast %add3A_1217 : i32 to index
        %get3A_1221 = arith.constant 0 : index
        %get3A_1222 = tpu.vector_load %arg7[%get3A_1219, %get3A_1220, %get3A_1221] {strides = array<i32>} : memref<2x128x128xf32, #tpu.memory_space<vmem>>, vector<1x1x16xf32>,
        %get3A_1223 = vector.shape_cast %get3A_1222 : vector<1x1x16xf32> to vector<16xf32>
        %mul3A_1224 = arith.constant 4 : i32
        %mul3A_1225 = arith.muli %scan3A_961, %mul3A_1224 : i32
        %add3A_1226 = arith.constant 3 : i32
        %add3A_1227 = arith.addi %mul3A_1225, %add3A_1226 : i32
        %swap3A_1228 = arith.constant 1 : i32
        %swap3A_1229 = arith.index_cast %swap3A_1228 : i32 to index
        %swap3A_1230 = arith.index_cast %add3A_1227 : i32 to index
        %swap3A_1231 = arith.constant 0 : index
        %swap3A_1232 = tpu.vector_load %arg8[%swap3A_1229, %swap3A_1230, %swap3A_1231] {strides = array<i32>} : memref<2x128x64xf32, #tpu.memory_space<vmem>>, vector<1x1x16xf32>,
        %swap3A_1233 = vector.shape_cast %swap3A_1232 : vector<1x1x16xf32> to vector<16xf32>
        %swap3A_1234 = vector.shape_cast %get3A_1223 : vector<16xf32> to vector<1x1x16xf32>
        tpu.vector_store %arg8[%swap3A_1229, %swap3A_1230, %swap3A_1231], %swap3A_1234 {strides = array<i32>} : memref<2x128x64xf32, #tpu.memory_space<vmem>>, vector<1x1x16xf32>,
        %mul3A_1235 = arith.constant 4 : i32
        %mul3A_1236 = arith.muli %scan3A_961, %mul3A_1235 : i32
        %add3A_1237 = arith.constant 3 : i32
        %add3A_1238 = arith.addi %mul3A_1236, %add3A_1237 : i32
        %get3A_1239 = arith.constant 1 : i32
        %get3A_1240 = arith.index_cast %get3A_1239 : i32 to index
        %get3A_1241 = arith.index_cast %add3A_1238 : i32 to index
        %get3A_1242 = arith.constant 16 : index
        %get3A_1243 = tpu.vector_load %arg7[%get3A_1240, %get3A_1241, %get3A_1242] {strides = array<i32>} : memref<2x128x128xf32, #tpu.memory_space<vmem>>, vector<1x1x16xf32>,
        %get3A_1244 = vector.shape_cast %get3A_1243 : vector<1x1x16xf32> to vector<16xf32>
        %mul3A_1245 = arith.constant 4 : i32
        %mul3A_1246 = arith.muli %scan3A_961, %mul3A_1245 : i32
        %add3A_1247 = arith.constant 3 : i32
        %add3A_1248 = arith.addi %mul3A_1246, %add3A_1247 : i32
        %swap3A_1249 = arith.constant 1 : i32
        %swap3A_1250 = arith.index_cast %swap3A_1249 : i32 to index
        %swap3A_1251 = arith.index_cast %add3A_1248 : i32 to index
        %swap3A_1252 = arith.constant 16 : index
        %swap3A_1253 = tpu.vector_load %arg8[%swap3A_1250, %swap3A_1251, %swap3A_1252] {strides = array<i32>} : memref<2x128x64xf32, #tpu.memory_space<vmem>>, vector<1x1x16xf32>,
        %swap3A_1254 = vector.shape_cast %swap3A_1253 : vector<1x1x16xf32> to vector<16xf32>
        %swap3A_1255 = vector.shape_cast %get3A_1244 : vector<16xf32> to vector<1x1x16xf32>
        tpu.vector_store %arg8[%swap3A_1250, %swap3A_1251, %swap3A_1252], %swap3A_1255 {strides = array<i32>} : memref<2x128x64xf32, #tpu.memory_space<vmem>>, vector<1x1x16xf32>,
        %mul3A_1256 = arith.constant 4 : i32
        %mul3A_1257 = arith.muli %scan3A_961, %mul3A_1256 : i32
        %add3A_1258 = arith.constant 3 : i32
        %add3A_1259 = arith.addi %mul3A_1257, %add3A_1258 : i32
        %get3A_1260 = arith.constant 1 : i32
        %get3A_1261 = arith.index_cast %get3A_1260 : i32 to index
        %get3A_1262 = arith.index_cast %add3A_1259 : i32 to index
        %get3A_1263 = arith.constant 32 : index
        %get3A_1264 = tpu.vector_load %arg7[%get3A_1261, %get3A_1262, %get3A_1263] {strides = array<i32>} : memref<2x128x128xf32, #tpu.memory_space<vmem>>, vector<1x1x16xf32>,
        %get3A_1265 = vector.shape_cast %get3A_1264 : vector<1x1x16xf32> to vector<16xf32>
        %mul3A_1266 = arith.constant 4 : i32
        %mul3A_1267 = arith.muli %scan3A_961, %mul3A_1266 : i32
        %add3A_1268 = arith.constant 3 : i32
        %add3A_1269 = arith.addi %mul3A_1267, %add3A_1268 : i32
        %swap3A_1270 = arith.constant 1 : i32
        %swap3A_1271 = arith.index_cast %swap3A_1270 : i32 to index
        %swap3A_1272 = arith.index_cast %add3A_1269 : i32 to index
        %swap3A_1273 = arith.constant 32 : index
        %swap3A_1274 = tpu.vector_load %arg8[%swap3A_1271, %swap3A_1272, %swap3A_1273] {strides = array<i32>} : memref<2x128x64xf32, #tpu.memory_space<vmem>>, vector<1x1x16xf32>,
        %swap3A_1275 = vector.shape_cast %swap3A_1274 : vector<1x1x16xf32> to vector<16xf32>
        %swap3A_1276 = vector.shape_cast %get3A_1265 : vector<16xf32> to vector<1x1x16xf32>
        tpu.vector_store %arg8[%swap3A_1271, %swap3A_1272, %swap3A_1273], %swap3A_1276 {strides = array<i32>} : memref<2x128x64xf32, #tpu.memory_space<vmem>>, vector<1x1x16xf32>,
        %mul3A_1277 = arith.constant 4 : i32
        %mul3A_1278 = arith.muli %scan3A_961, %mul3A_1277 : i32
        %add3A_1279 = arith.constant 3 : i32
        %add3A_1280 = arith.addi %mul3A_1278, %add3A_1279 : i32
        %get3A_1281 = arith.constant 1 : i32
        %get3A_1282 = arith.index_cast %get3A_1281 : i32 to index
        %get3A_1283 = arith.index_cast %add3A_1280 : i32 to index
        %get3A_1284 = arith.constant 48 : index
        %get3A_1285 = tpu.vector_load %arg7[%get3A_1282, %get3A_1283, %get3A_1284] {strides = array<i32>} : memref<2x128x128xf32, #tpu.memory_space<vmem>>, vector<1x1x16xf32>,
        %get3A_1286 = vector.shape_cast %get3A_1285 : vector<1x1x16xf32> to vector<16xf32>
        %mul3A_1287 = arith.constant 4 : i32
        %mul3A_1288 = arith.muli %scan3A_961, %mul3A_1287 : i32
        %add3A_1289 = arith.constant 3 : i32
        %add3A_1290 = arith.addi %mul3A_1288, %add3A_1289 : i32
        %swap3A_1291 = arith.constant 1 : i32
        %swap3A_1292 = arith.index_cast %swap3A_1291 : i32 to index
        %swap3A_1293 = arith.index_cast %add3A_1290 : i32 to index
        %swap3A_1294 = arith.constant 48 : index
        %swap3A_1295 = tpu.vector_load %arg8[%swap3A_1292, %swap3A_1293, %swap3A_1294] {strides = array<i32>} : memref<2x128x64xf32, #tpu.memory_space<vmem>>, vector<1x1x16xf32>,
        %swap3A_1296 = vector.shape_cast %swap3A_1295 : vector<1x1x16xf32> to vector<16xf32>
        %swap3A_1297 = vector.shape_cast %get3A_1286 : vector<16xf32> to vector<1x1x16xf32>
        tpu.vector_store %arg8[%swap3A_1292, %swap3A_1293, %swap3A_1294], %swap3A_1297 {strides = array<i32>} : memref<2x128x64xf32, #tpu.memory_space<vmem>>, vector<1x1x16xf32>,
      }
      %scan3A_944 = arith.constant 32 : i32
      %mul3A_945 = arith.constant 128 : i32
      %mul3A_946 = arith.muli %add3A_733, %mul3A_945 : i32
      %add3A_947 = arith.addi %mul3A_2, %mul3A_946 : i32
      %dma_start3A_948 = arith.constant 1 : i32
      %dma_start3A_949 = arith.constant 0 : i32
      %dma_start3A_950 = arith.constant 0 : i32
      %dma_start3A_951 = tpu.memref_slice %arg8[%dma_start3A_948, %dma_start3A_949, %dma_start3A_950] : memref<2x128x64xf32, #tpu.memory_space<vmem>> -> memref<1x128x64xf32, #tpu.memory_space<vmem>>
      %dma_start3A_952 = tpu.memref_squeeze %dma_start3A_951 : memref<1x128x64xf32, #tpu.memory_space<vmem>> -> memref<128x64xf32, #tpu.memory_space<vmem>>
      %dma_start3A_953 = arith.constant 0 : i32
      %dma_start3A_954 = tpu.memref_slice %arg4[%add3A_947, %dma_start3A_953] : memref<4194304x64xf32, #tpu.memory_space<hbm>> -> memref<128x64xf32, #tpu.memory_space<hbm>>
      %dma_start3A_955 = arith.constant 0 : i32
      %dma_start3A_956 = tpu.memref_slice %arg4[%add3A_947, %dma_start3A_955] : memref<4194304x64xf32, #tpu.memory_space<hbm>> -> memref<128x64xf32, #tpu.memory_space<hbm>>
      %dma_start3A_957 = arith.constant 0 : i32
      %dma_start3A_958 = arith.constant 0 : i32
      %dma_start3A_959 = tpu.memref_slice %arg8[%dma_start3A_948, %dma_start3A_957, %dma_start3A_958] : memref<2x128x64xf32, #tpu.memory_space<vmem>> -> memref<1x128x64xf32, #tpu.memory_space<vmem>>
      %dma_start3A_960 = tpu.memref_squeeze %dma_start3A_959 : memref<1x128x64xf32, #tpu.memory_space<vmem>> -> memref<128x64xf32, #tpu.memory_space<vmem>>
      tpu.enqueue_dma source(%dma_start3A_960 : memref<128x64xf32, #tpu.memory_space<vmem>>) target(%dma_start3A_956 : memref<128x64xf32, #tpu.memory_space<hbm>>) target_semaphore(%arg14 : memref<!tpu.dma_semaphore, #tpu.memory_space<semaphore_mem>>)
    }
    %scan3A_204 = arith.constant 511 : i32
    %dma_wait3A_205 = arith.constant 1 : i32
    %dma_wait3A_206 = arith.constant 0 : i32
    %dma_wait3A_207 = tpu.memref_slice %arg5[%dma_wait3A_205, %dma_wait3A_206] : memref<2x128xi32, #tpu.memory_space<vmem>> -> memref<1x128xi32, #tpu.memory_space<vmem>>
    %dma_wait3A_208 = tpu.memref_squeeze %dma_wait3A_207 : memref<1x128xi32, #tpu.memory_space<vmem>> -> memref<128xi32, #tpu.memory_space<vmem>>
    %dma_wait3A_209 = tpu.memref_slice %arg2[%mul3A_2] : memref<4194304xi32, #tpu.memory_space<hbm>> -> memref<128xi32, #tpu.memory_space<hbm>>
    %dma_wait3A_210 = arith.constant 0 : i32
    %dma_wait3A_211 = tpu.memref_slice %arg5[%dma_wait3A_205, %dma_wait3A_210] : memref<2x128xi32, #tpu.memory_space<vmem>> -> memref<1x128xi32, #tpu.memory_space<vmem>>
    %dma_wait3A_212 = tpu.memref_squeeze %dma_wait3A_211 : memref<1x128xi32, #tpu.memory_space<vmem>> -> memref<128xi32, #tpu.memory_space<vmem>>
    %dma_wait3A_213 = tpu.memref_slice %arg2[%mul3A_2] : memref<4194304xi32, #tpu.memory_space<hbm>> -> memref<128xi32, #tpu.memory_space<hbm>>
    tpu.wait_dma2 semaphore(%arg10 : memref<!tpu.dma_semaphore, #tpu.memory_space<semaphore_mem>>) src(%dma_wait3A_213 : memref<128xi32, #tpu.memory_space<hbm>>) dst(%dma_wait3A_212 : memref<128xi32, #tpu.memory_space<vmem>>)
    %get3A_214 = arith.constant 1 : i32
    %get3A_215 = arith.index_cast %get3A_214 : i32 to index
    %get3A_216 = arith.constant 0 : index
    %get3A_217 = tpu.vector_load %arg5[%get3A_215, %get3A_216] {strides = array<i32>} : memref<2x128xi32, #tpu.memory_space<vmem>>, vector<1x16xi32>,
    %get3A_218 = vector.shape_cast %get3A_217 : vector<1x16xi32> to vector<16xi32>
    %max3A_219 = arith.constant -1024 : i32
    %max3A_220 = vector.broadcast %max3A_219 : i32 to vector<16xi32>
    %max3A_221 = arith.maxsi %get3A_218, %max3A_220 : vector<16xi32>
    %min3A_222 = arith.constant 1024 : i32
    %min3A_223 = vector.broadcast %min3A_222 : i32 to vector<16xi32>
    %min3A_224 = arith.minsi %max3A_221, %min3A_223 : vector<16xi32>
    %add3A_225 = arith.constant 1024 : i32
    %add3A_226 = vector.broadcast %add3A_225 : i32 to vector<16xi32>
    %add3A_227 = arith.addi %min3A_224, %add3A_226 : vector<16xi32>
    %swap3A_228 = arith.constant 1 : i32
    %swap3A_229 = arith.index_cast %swap3A_228 : i32 to index
    %swap3A_230 = arith.constant 0 : index
    %swap3A_231 = tpu.vector_load %arg6[%swap3A_229, %swap3A_230] {strides = array<i32>} : memref<2x128xi32, #tpu.memory_space<vmem>>, vector<1x16xi32>,
    %swap3A_232 = vector.shape_cast %swap3A_231 : vector<1x16xi32> to vector<16xi32>
    %swap3A_233 = vector.shape_cast %add3A_227 : vector<16xi32> to vector<1x16xi32>
    tpu.vector_store %arg6[%swap3A_229, %swap3A_230], %swap3A_233 {strides = array<i32>} : memref<2x128xi32, #tpu.memory_space<vmem>>, vector<1x16xi32>,
    %get3A_234 = arith.constant 1 : i32
    %get3A_235 = arith.index_cast %get3A_234 : i32 to index
    %get3A_236 = arith.constant 16 : index
    %get3A_237 = tpu.vector_load %arg5[%get3A_235, %get3A_236] {strides = array<i32>} : memref<2x128xi32, #tpu.memory_space<vmem>>, vector<1x16xi32>,
    %get3A_238 = vector.shape_cast %get3A_237 : vector<1x16xi32> to vector<16xi32>
    %max3A_239 = arith.constant -1024 : i32
    %max3A_240 = vector.broadcast %max3A_239 : i32 to vector<16xi32>
    %max3A_241 = arith.maxsi %get3A_238, %max3A_240 : vector<16xi32>
    %min3A_242 = arith.constant 1024 : i32
    %min3A_243 = vector.broadcast %min3A_242 : i32 to vector<16xi32>
    %min3A_244 = arith.minsi %max3A_241, %min3A_243 : vector<16xi32>
    %add3A_245 = arith.constant 1024 : i32
    %add3A_246 = vector.broadcast %add3A_245 : i32 to vector<16xi32>
    %add3A_247 = arith.addi %min3A_244, %add3A_246 : vector<16xi32>
    %swap3A_248 = arith.constant 1 : i32
    %swap3A_249 = arith.index_cast %swap3A_248 : i32 to index
    %swap3A_250 = arith.constant 16 : index
    %swap3A_251 = tpu.vector_load %arg6[%swap3A_249, %swap3A_250] {strides = array<i32>} : memref<2x128xi32, #tpu.memory_space<vmem>>, vector<1x16xi32>,
    %swap3A_252 = vector.shape_cast %swap3A_251 : vector<1x16xi32> to vector<16xi32>
    %swap3A_253 = vector.shape_cast %add3A_247 : vector<16xi32> to vector<1x16xi32>
    tpu.vector_store %arg6[%swap3A_249, %swap3A_250], %swap3A_253 {strides = array<i32>} : memref<2x128xi32, #tpu.memory_space<vmem>>, vector<1x16xi32>,
    %get3A_254 = arith.constant 1 : i32
    %get3A_255 = arith.index_cast %get3A_254 : i32 to index
    %get3A_256 = arith.constant 32 : index
    %get3A_257 = tpu.vector_load %arg5[%get3A_255, %get3A_256] {strides = array<i32>} : memref<2x128xi32, #tpu.memory_space<vmem>>, vector<1x16xi32>,
    %get3A_258 = vector.shape_cast %get3A_257 : vector<1x16xi32> to vector<16xi32>
    %max3A_259 = arith.constant -1024 : i32
    %max3A_260 = vector.broadcast %max3A_259 : i32 to vector<16xi32>
    %max3A_261 = arith.maxsi %get3A_258, %max3A_260 : vector<16xi32>
    %min3A_262 = arith.constant 1024 : i32
    %min3A_263 = vector.broadcast %min3A_262 : i32 to vector<16xi32>
    %min3A_264 = arith.minsi %max3A_261, %min3A_263 : vector<16xi32>
    %add3A_265 = arith.constant 1024 : i32
    %add3A_266 = vector.broadcast %add3A_265 : i32 to vector<16xi32>
    %add3A_267 = arith.addi %min3A_264, %add3A_266 : vector<16xi32>
    %swap3A_268 = arith.constant 1 : i32
    %swap3A_269 = arith.index_cast %swap3A_268 : i32 to index
    %swap3A_270 = arith.constant 32 : index
    %swap3A_271 = tpu.vector_load %arg6[%swap3A_269, %swap3A_270] {strides = array<i32>} : memref<2x128xi32, #tpu.memory_space<vmem>>, vector<1x16xi32>,
    %swap3A_272 = vector.shape_cast %swap3A_271 : vector<1x16xi32> to vector<16xi32>
    %swap3A_273 = vector.shape_cast %add3A_267 : vector<16xi32> to vector<1x16xi32>
    tpu.vector_store %arg6[%swap3A_269, %swap3A_270], %swap3A_273 {strides = array<i32>} : memref<2x128xi32, #tpu.memory_space<vmem>>, vector<1x16xi32>,
    %get3A_274 = arith.constant 1 : i32
    %get3A_275 = arith.index_cast %get3A_274 : i32 to index
    %get3A_276 = arith.constant 48 : index
    %get3A_277 = tpu.vector_load %arg5[%get3A_275, %get3A_276] {strides = array<i32>} : memref<2x128xi32, #tpu.memory_space<vmem>>, vector<1x16xi32>,
    %get3A_278 = vector.shape_cast %get3A_277 : vector<1x16xi32> to vector<16xi32>
    %max3A_279 = arith.constant -1024 : i32
    %max3A_280 = vector.broadcast %max3A_279 : i32 to vector<16xi32>
    %max3A_281 = arith.maxsi %get3A_278, %max3A_280 : vector<16xi32>
    %min3A_282 = arith.constant 1024 : i32
    %min3A_283 = vector.broadcast %min3A_282 : i32 to vector<16xi32>
    %min3A_284 = arith.minsi %max3A_281, %min3A_283 : vector<16xi32>
    %add3A_285 = arith.constant 1024 : i32
    %add3A_286 = vector.broadcast %add3A_285 : i32 to vector<16xi32>
    %add3A_287 = arith.addi %min3A_284, %add3A_286 : vector<16xi32>
    %swap3A_288 = arith.constant 1 : i32
    %swap3A_289 = arith.index_cast %swap3A_288 : i32 to index
    %swap3A_290 = arith.constant 48 : index
    %swap3A_291 = tpu.vector_load %arg6[%swap3A_289, %swap3A_290] {strides = array<i32>} : memref<2x128xi32, #tpu.memory_space<vmem>>, vector<1x16xi32>,
    %swap3A_292 = vector.shape_cast %swap3A_291 : vector<1x16xi32> to vector<16xi32>
    %swap3A_293 = vector.shape_cast %add3A_287 : vector<16xi32> to vector<1x16xi32>
    tpu.vector_store %arg6[%swap3A_289, %swap3A_290], %swap3A_293 {strides = array<i32>} : memref<2x128xi32, #tpu.memory_space<vmem>>, vector<1x16xi32>,
    %get3A_294 = arith.constant 1 : i32
    %get3A_295 = arith.index_cast %get3A_294 : i32 to index
    %get3A_296 = arith.constant 64 : index
    %get3A_297 = tpu.vector_load %arg5[%get3A_295, %get3A_296] {strides = array<i32>} : memref<2x128xi32, #tpu.memory_space<vmem>>, vector<1x16xi32>,
    %get3A_298 = vector.shape_cast %get3A_297 : vector<1x16xi32> to vector<16xi32>
    %max3A_299 = arith.constant -1024 : i32
    %max3A_300 = vector.broadcast %max3A_299 : i32 to vector<16xi32>
    %max3A_301 = arith.maxsi %get3A_298, %max3A_300 : vector<16xi32>
    %min3A_302 = arith.constant 1024 : i32
    %min3A_303 = vector.broadcast %min3A_302 : i32 to vector<16xi32>
    %min3A_304 = arith.minsi %max3A_301, %min3A_303 : vector<16xi32>
    %add3A_305 = arith.constant 1024 : i32
    %add3A_306 = vector.broadcast %add3A_305 : i32 to vector<16xi32>
    %add3A_307 = arith.addi %min3A_304, %add3A_306 : vector<16xi32>
    %swap3A_308 = arith.constant 1 : i32
    %swap3A_309 = arith.index_cast %swap3A_308 : i32 to index
    %swap3A_310 = arith.constant 64 : index
    %swap3A_311 = tpu.vector_load %arg6[%swap3A_309, %swap3A_310] {strides = array<i32>} : memref<2x128xi32, #tpu.memory_space<vmem>>, vector<1x16xi32>,
    %swap3A_312 = vector.shape_cast %swap3A_311 : vector<1x16xi32> to vector<16xi32>
    %swap3A_313 = vector.shape_cast %add3A_307 : vector<16xi32> to vector<1x16xi32>
    tpu.vector_store %arg6[%swap3A_309, %swap3A_310], %swap3A_313 {strides = array<i32>} : memref<2x128xi32, #tpu.memory_space<vmem>>, vector<1x16xi32>,
    %get3A_314 = arith.constant 1 : i32
    %get3A_315 = arith.index_cast %get3A_314 : i32 to index
    %get3A_316 = arith.constant 80 : index
    %get3A_317 = tpu.vector_load %arg5[%get3A_315, %get3A_316] {strides = array<i32>} : memref<2x128xi32, #tpu.memory_space<vmem>>, vector<1x16xi32>,
    %get3A_318 = vector.shape_cast %get3A_317 : vector<1x16xi32> to vector<16xi32>
    %max3A_319 = arith.constant -1024 : i32
    %max3A_320 = vector.broadcast %max3A_319 : i32 to vector<16xi32>
    %max3A_321 = arith.maxsi %get3A_318, %max3A_320 : vector<16xi32>
    %min3A_322 = arith.constant 1024 : i32
    %min3A_323 = vector.broadcast %min3A_322 : i32 to vector<16xi32>
    %min3A_324 = arith.minsi %max3A_321, %min3A_323 : vector<16xi32>
    %add3A_325 = arith.constant 1024 : i32
    %add3A_326 = vector.broadcast %add3A_325 : i32 to vector<16xi32>
    %add3A_327 = arith.addi %min3A_324, %add3A_326 : vector<16xi32>
    %swap3A_328 = arith.constant 1 : i32
    %swap3A_329 = arith.index_cast %swap3A_328 : i32 to index
    %swap3A_330 = arith.constant 80 : index
    %swap3A_331 = tpu.vector_load %arg6[%swap3A_329, %swap3A_330] {strides = array<i32>} : memref<2x128xi32, #tpu.memory_space<vmem>>, vector<1x16xi32>,
    %swap3A_332 = vector.shape_cast %swap3A_331 : vector<1x16xi32> to vector<16xi32>
    %swap3A_333 = vector.shape_cast %add3A_327 : vector<16xi32> to vector<1x16xi32>
    tpu.vector_store %arg6[%swap3A_329, %swap3A_330], %swap3A_333 {strides = array<i32>} : memref<2x128xi32, #tpu.memory_space<vmem>>, vector<1x16xi32>,
    %get3A_334 = arith.constant 1 : i32
    %get3A_335 = arith.index_cast %get3A_334 : i32 to index
    %get3A_336 = arith.constant 96 : index
    %get3A_337 = tpu.vector_load %arg5[%get3A_335, %get3A_336] {strides = array<i32>} : memref<2x128xi32, #tpu.memory_space<vmem>>, vector<1x16xi32>,
    %get3A_338 = vector.shape_cast %get3A_337 : vector<1x16xi32> to vector<16xi32>
    %max3A_339 = arith.constant -1024 : i32
    %max3A_340 = vector.broadcast %max3A_339 : i32 to vector<16xi32>
    %max3A_341 = arith.maxsi %get3A_338, %max3A_340 : vector<16xi32>
    %min3A_342 = arith.constant 1024 : i32
    %min3A_343 = vector.broadcast %min3A_342 : i32 to vector<16xi32>
    %min3A_344 = arith.minsi %max3A_341, %min3A_343 : vector<16xi32>
    %add3A_345 = arith.constant 1024 : i32
    %add3A_346 = vector.broadcast %add3A_345 : i32 to vector<16xi32>
    %add3A_347 = arith.addi %min3A_344, %add3A_346 : vector<16xi32>
    %swap3A_348 = arith.constant 1 : i32
    %swap3A_349 = arith.index_cast %swap3A_348 : i32 to index
    %swap3A_350 = arith.constant 96 : index
    %swap3A_351 = tpu.vector_load %arg6[%swap3A_349, %swap3A_350] {strides = array<i32>} : memref<2x128xi32, #tpu.memory_space<vmem>>, vector<1x16xi32>,
    %swap3A_352 = vector.shape_cast %swap3A_351 : vector<1x16xi32> to vector<16xi32>
    %swap3A_353 = vector.shape_cast %add3A_347 : vector<16xi32> to vector<1x16xi32>
    tpu.vector_store %arg6[%swap3A_349, %swap3A_350], %swap3A_353 {strides = array<i32>} : memref<2x128xi32, #tpu.memory_space<vmem>>, vector<1x16xi32>,
    %get3A_354 = arith.constant 1 : i32
    %get3A_355 = arith.index_cast %get3A_354 : i32 to index
    %get3A_356 = arith.constant 112 : index
    %get3A_357 = tpu.vector_load %arg5[%get3A_355, %get3A_356] {strides = array<i32>} : memref<2x128xi32, #tpu.memory_space<vmem>>, vector<1x16xi32>,
    %get3A_358 = vector.shape_cast %get3A_357 : vector<1x16xi32> to vector<16xi32>
    %max3A_359 = arith.constant -1024 : i32
    %max3A_360 = vector.broadcast %max3A_359 : i32 to vector<16xi32>
    %max3A_361 = arith.maxsi %get3A_358, %max3A_360 : vector<16xi32>
    %min3A_362 = arith.constant 1024 : i32
    %min3A_363 = vector.broadcast %min3A_362 : i32 to vector<16xi32>
    %min3A_364 = arith.minsi %max3A_361, %min3A_363 : vector<16xi32>
    %add3A_365 = arith.constant 1024 : i32
    %add3A_366 = vector.broadcast %add3A_365 : i32 to vector<16xi32>
    %add3A_367 = arith.addi %min3A_364, %add3A_366 : vector<16xi32>
    %swap3A_368 = arith.constant 1 : i32
    %swap3A_369 = arith.index_cast %swap3A_368 : i32 to index
    %swap3A_370 = arith.constant 112 : index
    %swap3A_371 = tpu.vector_load %arg6[%swap3A_369, %swap3A_370] {strides = array<i32>} : memref<2x128xi32, #tpu.memory_space<vmem>>, vector<1x16xi32>,
    %swap3A_372 = vector.shape_cast %swap3A_371 : vector<1x16xi32> to vector<16xi32>
    %swap3A_373 = vector.shape_cast %add3A_367 : vector<16xi32> to vector<1x16xi32>
    tpu.vector_store %arg6[%swap3A_369, %swap3A_370], %swap3A_373 {strides = array<i32>} : memref<2x128xi32, #tpu.memory_space<vmem>>, vector<1x16xi32>,
    %dma_start3A_374 = arith.constant 1 : i32
    %dma_start3A_375 = arith.constant 1 : i32
    %dma_start3A_376 = arith.constant 0 : i32
    %dma_start3A_377 = arith.constant 0 : i32
    %dma_start3A_378 = tpu.memref_slice %arg7[%dma_start3A_375, %dma_start3A_376, %dma_start3A_377] : memref<2x128x128xf32, #tpu.memory_space<vmem>> -> memref<1x128x128xf32, #tpu.memory_space<vmem>>
    %dma_start3A_379 = tpu.memref_squeeze %dma_start3A_378 : memref<1x128x128xf32, #tpu.memory_space<vmem>> -> memref<128x128xf32, #tpu.memory_space<vmem>>
    %dma_start3A_380 = arith.constant 0 : i32
    %dma_start3A_381 = tpu.memref_slice %arg6[%dma_start3A_374, %dma_start3A_380] : memref<2x128xi32, #tpu.memory_space<vmem>> -> memref<1x128xi32, #tpu.memory_space<vmem>>
    %dma_start3A_382 = tpu.memref_squeeze %dma_start3A_381 : memref<1x128xi32, #tpu.memory_space<vmem>> -> memref<128xi32, #tpu.memory_space<vmem>>
    %dma_start3A_383 = arith.constant 0 : i32
    %dma_start3A_384 = arith.constant 0 : i32
    %dma_start3A_385 = tpu.memref_slice %arg3[%dma_start3A_383, %dma_start3A_384] : memref<2049x128xf32, #tpu.memory_space<hbm>> -> memref<2049x128xf32, #tpu.memory_space<hbm>>
    tpu.enqueue_indirect_dma source(%dma_start3A_385 : memref<2049x128xf32, #tpu.memory_space<hbm>>) target(%dma_start3A_379 : memref<128x128xf32, #tpu.memory_space<vmem>>) offsets(%dma_start3A_382 : memref<128xi32, #tpu.memory_space<vmem>>) semaphore(%arg12 : memref<!tpu.dma_semaphore, #tpu.memory_space<semaphore_mem>>)
    %dma_wait3A_386 = arith.constant 0 : i32
    %dma_wait3A_387 = arith.constant 0 : i32
    %dma_wait3A_388 = arith.constant 0 : i32
    %dma_wait3A_389 = arith.constant 0 : i32
    %dma_wait3A_390 = tpu.memref_slice %arg7[%dma_wait3A_387, %dma_wait3A_388, %dma_wait3A_389] : memref<2x128x128xf32, #tpu.memory_space<vmem>> -> memref<1x128x128xf32, #tpu.memory_space<vmem>>
    %dma_wait3A_391 = tpu.memref_squeeze %dma_wait3A_390 : memref<1x128x128xf32, #tpu.memory_space<vmem>> -> memref<128x128xf32, #tpu.memory_space<vmem>>
    %dma_wait3A_392 = arith.constant 0 : i32
    %dma_wait3A_393 = tpu.memref_slice %arg6[%dma_wait3A_386, %dma_wait3A_392] : memref<2x128xi32, #tpu.memory_space<vmem>> -> memref<1x128xi32, #tpu.memory_space<vmem>>
    %dma_wait3A_394 = tpu.memref_squeeze %dma_wait3A_393 : memref<1x128xi32, #tpu.memory_space<vmem>> -> memref<128xi32, #tpu.memory_space<vmem>>
    %dma_wait3A_395 = arith.constant 0 : i32
    %dma_wait3A_396 = arith.constant 0 : i32
    %dma_wait3A_397 = tpu.memref_slice %arg3[%dma_wait3A_395, %dma_wait3A_396] : memref<2049x128xf32, #tpu.memory_space<hbm>> -> memref<2049x128xf32, #tpu.memory_space<hbm>>
    tpu.wait_indirect_dma semaphore(%arg11 : memref<!tpu.dma_semaphore, #tpu.memory_space<semaphore_mem>>) src(%dma_wait3A_397 : memref<2049x128xf32, #tpu.memory_space<hbm>>) dst(%dma_wait3A_391 : memref<128x128xf32, #tpu.memory_space<vmem>>)
    %dma_wait3A_398 = arith.constant 0 : i32
    %dma_wait3A_399 = arith.constant 0 : i32
    %dma_wait3A_400 = arith.constant 0 : i32
    %dma_wait3A_401 = tpu.memref_slice %arg8[%dma_wait3A_398, %dma_wait3A_399, %dma_wait3A_400] : memref<2x128x64xf32, #tpu.memory_space<vmem>> -> memref<1x128x64xf32, #tpu.memory_space<vmem>>
    %dma_wait3A_402 = tpu.memref_squeeze %dma_wait3A_401 : memref<1x128x64xf32, #tpu.memory_space<vmem>> -> memref<128x64xf32, #tpu.memory_space<vmem>>
    %dma_wait3A_403 = arith.constant 0 : i32
    %dma_wait3A_404 = tpu.memref_slice %arg4[%mul3A_2, %dma_wait3A_403] : memref<4194304x64xf32, #tpu.memory_space<hbm>> -> memref<128x64xf32, #tpu.memory_space<hbm>>
    %dma_wait3A_405 = arith.constant 0 : i32
    %dma_wait3A_406 = tpu.memref_slice %arg4[%mul3A_2, %dma_wait3A_405] : memref<4194304x64xf32, #tpu.memory_space<hbm>> -> memref<128x64xf32, #tpu.memory_space<hbm>>
    %dma_wait3A_407 = arith.constant 0 : i32
    %dma_wait3A_408 = arith.constant 0 : i32
    %dma_wait3A_409 = tpu.memref_slice %arg8[%dma_wait3A_398, %dma_wait3A_407, %dma_wait3A_408] : memref<2x128x64xf32, #tpu.memory_space<vmem>> -> memref<1x128x64xf32, #tpu.memory_space<vmem>>
    %dma_wait3A_410 = tpu.memref_squeeze %dma_wait3A_409 : memref<1x128x64xf32, #tpu.memory_space<vmem>> -> memref<128x64xf32, #tpu.memory_space<vmem>>
    tpu.wait_dma2 semaphore(%arg13 : memref<!tpu.dma_semaphore, #tpu.memory_space<semaphore_mem>>) src(%dma_wait3A_410 : memref<128x64xf32, #tpu.memory_space<vmem>>) dst(%dma_wait3A_406 : memref<128x64xf32, #tpu.memory_space<hbm>>)
    %scan3A_411 = arith.constant 0 : i32
    %scan3A_412 = arith.constant 0 : i32
    %scan3A_413 = arith.constant 32 : i32
    %scan3A_414 = arith.addi %scan3A_412, %scan3A_413 : i32
    %scan3A_415 = arith.constant 1 : i32
    scf.for %scan3A_504 = %scan3A_412 to %scan3A_414 step %scan3A_415  : i32 {
      %mul3A_505 = arith.constant 4 : i32
      %mul3A_506 = arith.muli %scan3A_504, %mul3A_505 : i32
      %add3A_507 = arith.constant 0 : i32
      %add3A_508 = arith.addi %mul3A_506, %add3A_507 : i32
      %get3A_509 = arith.constant 0 : i32
      %get3A_510 = arith.index_cast %get3A_509 : i32 to index
      %get3A_511 = arith.index_cast %add3A_508 : i32 to index
      %get3A_512 = arith.constant 0 : index
      %get3A_513 = tpu.vector_load %arg7[%get3A_510, %get3A_511, %get3A_512] {strides = array<i32>} : memref<2x128x128xf32, #tpu.memory_space<vmem>>, vector<1x1x16xf32>,
      %get3A_514 = vector.shape_cast %get3A_513 : vector<1x1x16xf32> to vector<16xf32>
      %mul3A_515 = arith.constant 4 : i32
      %mul3A_516 = arith.muli %scan3A_504, %mul3A_515 : i32
      %add3A_517 = arith.constant 0 : i32
      %add3A_518 = arith.addi %mul3A_516, %add3A_517 : i32
      %swap3A_519 = arith.constant 0 : i32
      %swap3A_520 = arith.index_cast %swap3A_519 : i32 to index
      %swap3A_521 = arith.index_cast %add3A_518 : i32 to index
      %swap3A_522 = arith.constant 0 : index
      %swap3A_523 = tpu.vector_load %arg8[%swap3A_520, %swap3A_521, %swap3A_522] {strides = array<i32>} : memref<2x128x64xf32, #tpu.memory_space<vmem>>, vector<1x1x16xf32>,
      %swap3A_524 = vector.shape_cast %swap3A_523 : vector<1x1x16xf32> to vector<16xf32>
      %swap3A_525 = vector.shape_cast %get3A_514 : vector<16xf32> to vector<1x1x16xf32>
      tpu.vector_store %arg8[%swap3A_520, %swap3A_521, %swap3A_522], %swap3A_525 {strides = array<i32>} : memref<2x128x64xf32, #tpu.memory_space<vmem>>, vector<1x1x16xf32>,
      %mul3A_526 = arith.constant 4 : i32
      %mul3A_527 = arith.muli %scan3A_504, %mul3A_526 : i32
      %add3A_528 = arith.constant 0 : i32
      %add3A_529 = arith.addi %mul3A_527, %add3A_528 : i32
      %get3A_530 = arith.constant 0 : i32
      %get3A_531 = arith.index_cast %get3A_530 : i32 to index
      %get3A_532 = arith.index_cast %add3A_529 : i32 to index
      %get3A_533 = arith.constant 16 : index
      %get3A_534 = tpu.vector_load %arg7[%get3A_531, %get3A_532, %get3A_533] {strides = array<i32>} : memref<2x128x128xf32, #tpu.memory_space<vmem>>, vector<1x1x16xf32>,
      %get3A_535 = vector.shape_cast %get3A_534 : vector<1x1x16xf32> to vector<16xf32>
      %mul3A_536 = arith.constant 4 : i32
      %mul3A_537 = arith.muli %scan3A_504, %mul3A_536 : i32
      %add3A_538 = arith.constant 0 : i32
      %add3A_539 = arith.addi %mul3A_537, %add3A_538 : i32
      %swap3A_540 = arith.constant 0 : i32
      %swap3A_541 = arith.index_cast %swap3A_540 : i32 to index
      %swap3A_542 = arith.index_cast %add3A_539 : i32 to index
      %swap3A_543 = arith.constant 16 : index
      %swap3A_544 = tpu.vector_load %arg8[%swap3A_541, %swap3A_542, %swap3A_543] {strides = array<i32>} : memref<2x128x64xf32, #tpu.memory_space<vmem>>, vector<1x1x16xf32>,
      %swap3A_545 = vector.shape_cast %swap3A_544 : vector<1x1x16xf32> to vector<16xf32>
      %swap3A_546 = vector.shape_cast %get3A_535 : vector<16xf32> to vector<1x1x16xf32>
      tpu.vector_store %arg8[%swap3A_541, %swap3A_542, %swap3A_543], %swap3A_546 {strides = array<i32>} : memref<2x128x64xf32, #tpu.memory_space<vmem>>, vector<1x1x16xf32>,
      %mul3A_547 = arith.constant 4 : i32
      %mul3A_548 = arith.muli %scan3A_504, %mul3A_547 : i32
      %add3A_549 = arith.constant 0 : i32
      %add3A_550 = arith.addi %mul3A_548, %add3A_549 : i32
      %get3A_551 = arith.constant 0 : i32
      %get3A_552 = arith.index_cast %get3A_551 : i32 to index
      %get3A_553 = arith.index_cast %add3A_550 : i32 to index
      %get3A_554 = arith.constant 32 : index
      %get3A_555 = tpu.vector_load %arg7[%get3A_552, %get3A_553, %get3A_554] {strides = array<i32>} : memref<2x128x128xf32, #tpu.memory_space<vmem>>, vector<1x1x16xf32>,
      %get3A_556 = vector.shape_cast %get3A_555 : vector<1x1x16xf32> to vector<16xf32>
      %mul3A_557 = arith.constant 4 : i32
      %mul3A_558 = arith.muli %scan3A_504, %mul3A_557 : i32
      %add3A_559 = arith.constant 0 : i32
      %add3A_560 = arith.addi %mul3A_558, %add3A_559 : i32
      %swap3A_561 = arith.constant 0 : i32
      %swap3A_562 = arith.index_cast %swap3A_561 : i32 to index
      %swap3A_563 = arith.index_cast %add3A_560 : i32 to index
      %swap3A_564 = arith.constant 32 : index
      %swap3A_565 = tpu.vector_load %arg8[%swap3A_562, %swap3A_563, %swap3A_564] {strides = array<i32>} : memref<2x128x64xf32, #tpu.memory_space<vmem>>, vector<1x1x16xf32>,
      %swap3A_566 = vector.shape_cast %swap3A_565 : vector<1x1x16xf32> to vector<16xf32>
      %swap3A_567 = vector.shape_cast %get3A_556 : vector<16xf32> to vector<1x1x16xf32>
      tpu.vector_store %arg8[%swap3A_562, %swap3A_563, %swap3A_564], %swap3A_567 {strides = array<i32>} : memref<2x128x64xf32, #tpu.memory_space<vmem>>, vector<1x1x16xf32>,
      %mul3A_568 = arith.constant 4 : i32
      %mul3A_569 = arith.muli %scan3A_504, %mul3A_568 : i32
      %add3A_570 = arith.constant 0 : i32
      %add3A_571 = arith.addi %mul3A_569, %add3A_570 : i32
      %get3A_572 = arith.constant 0 : i32
      %get3A_573 = arith.index_cast %get3A_572 : i32 to index
      %get3A_574 = arith.index_cast %add3A_571 : i32 to index
      %get3A_575 = arith.constant 48 : index
      %get3A_576 = tpu.vector_load %arg7[%get3A_573, %get3A_574, %get3A_575] {strides = array<i32>} : memref<2x128x128xf32, #tpu.memory_space<vmem>>, vector<1x1x16xf32>,
      %get3A_577 = vector.shape_cast %get3A_576 : vector<1x1x16xf32> to vector<16xf32>
      %mul3A_578 = arith.constant 4 : i32
      %mul3A_579 = arith.muli %scan3A_504, %mul3A_578 : i32
      %add3A_580 = arith.constant 0 : i32
      %add3A_581 = arith.addi %mul3A_579, %add3A_580 : i32
      %swap3A_582 = arith.constant 0 : i32
      %swap3A_583 = arith.index_cast %swap3A_582 : i32 to index
      %swap3A_584 = arith.index_cast %add3A_581 : i32 to index
      %swap3A_585 = arith.constant 48 : index
      %swap3A_586 = tpu.vector_load %arg8[%swap3A_583, %swap3A_584, %swap3A_585] {strides = array<i32>} : memref<2x128x64xf32, #tpu.memory_space<vmem>>, vector<1x1x16xf32>,
      %swap3A_587 = vector.shape_cast %swap3A_586 : vector<1x1x16xf32> to vector<16xf32>
      %swap3A_588 = vector.shape_cast %get3A_577 : vector<16xf32> to vector<1x1x16xf32>
      tpu.vector_store %arg8[%swap3A_583, %swap3A_584, %swap3A_585], %swap3A_588 {strides = array<i32>} : memref<2x128x64xf32, #tpu.memory_space<vmem>>, vector<1x1x16xf32>,
      %mul3A_589 = arith.constant 4 : i32
      %mul3A_590 = arith.muli %scan3A_504, %mul3A_589 : i32
      %add3A_591 = arith.constant 1 : i32
      %add3A_592 = arith.addi %mul3A_590, %add3A_591 : i32
      %get3A_593 = arith.constant 0 : i32
      %get3A_594 = arith.index_cast %get3A_593 : i32 to index
      %get3A_595 = arith.index_cast %add3A_592 : i32 to index
      %get3A_596 = arith.constant 0 : index
      %get3A_597 = tpu.vector_load %arg7[%get3A_594, %get3A_595, %get3A_596] {strides = array<i32>} : memref<2x128x128xf32, #tpu.memory_space<vmem>>, vector<1x1x16xf32>,
      %get3A_598 = vector.shape_cast %get3A_597 : vector<1x1x16xf32> to vector<16xf32>
      %mul3A_599 = arith.constant 4 : i32
      %mul3A_600 = arith.muli %scan3A_504, %mul3A_599 : i32
      %add3A_601 = arith.constant 1 : i32
      %add3A_602 = arith.addi %mul3A_600, %add3A_601 : i32
      %swap3A_603 = arith.constant 0 : i32
      %swap3A_604 = arith.index_cast %swap3A_603 : i32 to index
      %swap3A_605 = arith.index_cast %add3A_602 : i32 to index
      %swap3A_606 = arith.constant 0 : index
      %swap3A_607 = tpu.vector_load %arg8[%swap3A_604, %swap3A_605, %swap3A_606] {strides = array<i32>} : memref<2x128x64xf32, #tpu.memory_space<vmem>>, vector<1x1x16xf32>,
      %swap3A_608 = vector.shape_cast %swap3A_607 : vector<1x1x16xf32> to vector<16xf32>
      %swap3A_609 = vector.shape_cast %get3A_598 : vector<16xf32> to vector<1x1x16xf32>
      tpu.vector_store %arg8[%swap3A_604, %swap3A_605, %swap3A_606], %swap3A_609 {strides = array<i32>} : memref<2x128x64xf32, #tpu.memory_space<vmem>>, vector<1x1x16xf32>,
      %mul3A_610 = arith.constant 4 : i32
      %mul3A_611 = arith.muli %scan3A_504, %mul3A_610 : i32
      %add3A_612 = arith.constant 1 : i32
      %add3A_613 = arith.addi %mul3A_611, %add3A_612 : i32
      %get3A_614 = arith.constant 0 : i32
      %get3A_615 = arith.index_cast %get3A_614 : i32 to index
      %get3A_616 = arith.index_cast %add3A_613 : i32 to index
      %get3A_617 = arith.constant 16 : index
      %get3A_618 = tpu.vector_load %arg7[%get3A_615, %get3A_616, %get3A_617] {strides = array<i32>} : memref<2x128x128xf32, #tpu.memory_space<vmem>>, vector<1x1x16xf32>,
      %get3A_619 = vector.shape_cast %get3A_618 : vector<1x1x16xf32> to vector<16xf32>
      %mul3A_620 = arith.constant 4 : i32
      %mul3A_621 = arith.muli %scan3A_504, %mul3A_620 : i32
      %add3A_622 = arith.constant 1 : i32
      %add3A_623 = arith.addi %mul3A_621, %add3A_622 : i32
      %swap3A_624 = arith.constant 0 : i32
      %swap3A_625 = arith.index_cast %swap3A_624 : i32 to index
      %swap3A_626 = arith.index_cast %add3A_623 : i32 to index
      %swap3A_627 = arith.constant 16 : index
      %swap3A_628 = tpu.vector_load %arg8[%swap3A_625, %swap3A_626, %swap3A_627] {strides = array<i32>} : memref<2x128x64xf32, #tpu.memory_space<vmem>>, vector<1x1x16xf32>,
      %swap3A_629 = vector.shape_cast %swap3A_628 : vector<1x1x16xf32> to vector<16xf32>
      %swap3A_630 = vector.shape_cast %get3A_619 : vector<16xf32> to vector<1x1x16xf32>
      tpu.vector_store %arg8[%swap3A_625, %swap3A_626, %swap3A_627], %swap3A_630 {strides = array<i32>} : memref<2x128x64xf32, #tpu.memory_space<vmem>>, vector<1x1x16xf32>,
      %mul3A_631 = arith.constant 4 : i32
      %mul3A_632 = arith.muli %scan3A_504, %mul3A_631 : i32
      %add3A_633 = arith.constant 1 : i32
      %add3A_634 = arith.addi %mul3A_632, %add3A_633 : i32
      %get3A_635 = arith.constant 0 : i32
      %get3A_636 = arith.index_cast %get3A_635 : i32 to index
      %get3A_637 = arith.index_cast %add3A_634 : i32 to index
      %get3A_638 = arith.constant 32 : index
      %get3A_639 = tpu.vector_load %arg7[%get3A_636, %get3A_637, %get3A_638] {strides = array<i32>} : memref<2x128x128xf32, #tpu.memory_space<vmem>>, vector<1x1x16xf32>,
      %get3A_640 = vector.shape_cast %get3A_639 : vector<1x1x16xf32> to vector<16xf32>
      %mul3A_641 = arith.constant 4 : i32
      %mul3A_642 = arith.muli %scan3A_504, %mul3A_641 : i32
      %add3A_643 = arith.constant 1 : i32
      %add3A_644 = arith.addi %mul3A_642, %add3A_643 : i32
      %swap3A_645 = arith.constant 0 : i32
      %swap3A_646 = arith.index_cast %swap3A_645 : i32 to index
      %swap3A_647 = arith.index_cast %add3A_644 : i32 to index
      %swap3A_648 = arith.constant 32 : index
      %swap3A_649 = tpu.vector_load %arg8[%swap3A_646, %swap3A_647, %swap3A_648] {strides = array<i32>} : memref<2x128x64xf32, #tpu.memory_space<vmem>>, vector<1x1x16xf32>,
      %swap3A_650 = vector.shape_cast %swap3A_649 : vector<1x1x16xf32> to vector<16xf32>
      %swap3A_651 = vector.shape_cast %get3A_640 : vector<16xf32> to vector<1x1x16xf32>
      tpu.vector_store %arg8[%swap3A_646, %swap3A_647, %swap3A_648], %swap3A_651 {strides = array<i32>} : memref<2x128x64xf32, #tpu.memory_space<vmem>>, vector<1x1x16xf32>,
      %mul3A_652 = arith.constant 4 : i32
      %mul3A_653 = arith.muli %scan3A_504, %mul3A_652 : i32
      %add3A_654 = arith.constant 1 : i32
      %add3A_655 = arith.addi %mul3A_653, %add3A_654 : i32
      %get3A_656 = arith.constant 0 : i32
      %get3A_657 = arith.index_cast %get3A_656 : i32 to index
      %get3A_658 = arith.index_cast %add3A_655 : i32 to index
      %get3A_659 = arith.constant 48 : index
      %get3A_660 = tpu.vector_load %arg7[%get3A_657, %get3A_658, %get3A_659] {strides = array<i32>} : memref<2x128x128xf32, #tpu.memory_space<vmem>>, vector<1x1x16xf32>,
      %get3A_661 = vector.shape_cast %get3A_660 : vector<1x1x16xf32> to vector<16xf32>
      %mul3A_662 = arith.constant 4 : i32
      %mul3A_663 = arith.muli %scan3A_504, %mul3A_662 : i32
      %add3A_664 = arith.constant 1 : i32
      %add3A_665 = arith.addi %mul3A_663, %add3A_664 : i32
      %swap3A_666 = arith.constant 0 : i32
      %swap3A_667 = arith.index_cast %swap3A_666 : i32 to index
      %swap3A_668 = arith.index_cast %add3A_665 : i32 to index
      %swap3A_669 = arith.constant 48 : index
      %swap3A_670 = tpu.vector_load %arg8[%swap3A_667, %swap3A_668, %swap3A_669] {strides = array<i32>} : memref<2x128x64xf32, #tpu.memory_space<vmem>>, vector<1x1x16xf32>,
      %swap3A_671 = vector.shape_cast %swap3A_670 : vector<1x1x16xf32> to vector<16xf32>
      %swap3A_672 = vector.shape_cast %get3A_661 : vector<16xf32> to vector<1x1x16xf32>
      tpu.vector_store %arg8[%swap3A_667, %swap3A_668, %swap3A_669], %swap3A_672 {strides = array<i32>} : memref<2x128x64xf32, #tpu.memory_space<vmem>>, vector<1x1x16xf32>,
      %mul3A_673 = arith.constant 4 : i32
      %mul3A_674 = arith.muli %scan3A_504, %mul3A_673 : i32
      %add3A_675 = arith.constant 2 : i32
      %add3A_676 = arith.addi %mul3A_674, %add3A_675 : i32
      %get3A_677 = arith.constant 0 : i32
      %get3A_678 = arith.index_cast %get3A_677 : i32 to index
      %get3A_679 = arith.index_cast %add3A_676 : i32 to index
      %get3A_680 = arith.constant 0 : index
      %get3A_681 = tpu.vector_load %arg7[%get3A_678, %get3A_679, %get3A_680] {strides = array<i32>} : memref<2x128x128xf32, #tpu.memory_space<vmem>>, vector<1x1x16xf32>,
      %get3A_682 = vector.shape_cast %get3A_681 : vector<1x1x16xf32> to vector<16xf32>
      %mul3A_683 = arith.constant 4 : i32
      %mul3A_684 = arith.muli %scan3A_504, %mul3A_683 : i32
      %add3A_685 = arith.constant 2 : i32
      %add3A_686 = arith.addi %mul3A_684, %add3A_685 : i32
      %swap3A_687 = arith.constant 0 : i32
      %swap3A_688 = arith.index_cast %swap3A_687 : i32 to index
      %swap3A_689 = arith.index_cast %add3A_686 : i32 to index
      %swap3A_690 = arith.constant 0 : index
      %swap3A_691 = tpu.vector_load %arg8[%swap3A_688, %swap3A_689, %swap3A_690] {strides = array<i32>} : memref<2x128x64xf32, #tpu.memory_space<vmem>>, vector<1x1x16xf32>,
      %swap3A_692 = vector.shape_cast %swap3A_691 : vector<1x1x16xf32> to vector<16xf32>
      %swap3A_693 = vector.shape_cast %get3A_682 : vector<16xf32> to vector<1x1x16xf32>
      tpu.vector_store %arg8[%swap3A_688, %swap3A_689, %swap3A_690], %swap3A_693 {strides = array<i32>} : memref<2x128x64xf32, #tpu.memory_space<vmem>>, vector<1x1x16xf32>,
      %mul3A_694 = arith.constant 4 : i32
      %mul3A_695 = arith.muli %scan3A_504, %mul3A_694 : i32
      %add3A_696 = arith.constant 2 : i32
      %add3A_697 = arith.addi %mul3A_695, %add3A_696 : i32
      %get3A_698 = arith.constant 0 : i32
      %get3A_699 = arith.index_cast %get3A_698 : i32 to index
      %get3A_700 = arith.index_cast %add3A_697 : i32 to index
      %get3A_701 = arith.constant 16 : index
      %get3A_702 = tpu.vector_load %arg7[%get3A_699, %get3A_700, %get3A_701] {strides = array<i32>} : memref<2x128x128xf32, #tpu.memory_space<vmem>>, vector<1x1x16xf32>,
      %get3A_703 = vector.shape_cast %get3A_702 : vector<1x1x16xf32> to vector<16xf32>
      %mul3A_704 = arith.constant 4 : i32
      %mul3A_705 = arith.muli %scan3A_504, %mul3A_704 : i32
      %add3A_706 = arith.constant 2 : i32
      %add3A_707 = arith.addi %mul3A_705, %add3A_706 : i32
      %swap3A_708 = arith.constant 0 : i32
      %swap3A_709 = arith.index_cast %swap3A_708 : i32 to index
      %swap3A_710 = arith.index_cast %add3A_707 : i32 to index
      %swap3A_711 = arith.constant 16 : index
      %swap3A_712 = tpu.vector_load %arg8[%swap3A_709, %swap3A_710, %swap3A_711] {strides = array<i32>} : memref<2x128x64xf32, #tpu.memory_space<vmem>>, vector<1x1x16xf32>,
      %swap3A_713 = vector.shape_cast %swap3A_712 : vector<1x1x16xf32> to vector<16xf32>
      %swap3A_714 = vector.shape_cast %get3A_703 : vector<16xf32> to vector<1x1x16xf32>
      tpu.vector_store %arg8[%swap3A_709, %swap3A_710, %swap3A_711], %swap3A_714 {strides = array<i32>} : memref<2x128x64xf32, #tpu.memory_space<vmem>>, vector<1x1x16xf32>,
      %mul3A_715 = arith.constant 4 : i32
      %mul3A_716 = arith.muli %scan3A_504, %mul3A_715 : i32
      %add3A_717 = arith.constant 2 : i32
      %add3A_718 = arith.addi %mul3A_716, %add3A_717 : i32
      %get3A_719 = arith.constant 0 : i32
      %get3A_720 = arith.index_cast %get3A_719 : i32 to index
      %get3A_721 = arith.index_cast %add3A_718 : i32 to index
      %get3A_722 = arith.constant 32 : index
      %get3A_723 = tpu.vector_load %arg7[%get3A_720, %get3A_721, %get3A_722] {strides = array<i32>} : memref<2x128x128xf32, #tpu.memory_space<vmem>>, vector<1x1x16xf32>,
      %get3A_724 = vector.shape_cast %get3A_723 : vector<1x1x16xf32> to vector<16xf32>
      %mul3A_725 = arith.constant 4 : i32
      %mul3A_726 = arith.muli %scan3A_504, %mul3A_725 : i32
      %add3A_727 = arith.constant 2 : i32
      %add3A_728 = arith.addi %mul3A_726, %add3A_727 : i32
      %swap3A_729 = arith.constant 0 : i32
      %swap3A_730 = arith.index_cast %swap3A_729 : i32 to index
      %swap3A_731 = arith.index_cast %add3A_728 : i32 to index
      %swap3A_732 = arith.constant 32 : index
      %swap3A_733 = tpu.vector_load %arg8[%swap3A_730, %swap3A_731, %swap3A_732] {strides = array<i32>} : memref<2x128x64xf32, #tpu.memory_space<vmem>>, vector<1x1x16xf32>,
      %swap3A_734 = vector.shape_cast %swap3A_733 : vector<1x1x16xf32> to vector<16xf32>
      %swap3A_735 = vector.shape_cast %get3A_724 : vector<16xf32> to vector<1x1x16xf32>
      tpu.vector_store %arg8[%swap3A_730, %swap3A_731, %swap3A_732], %swap3A_735 {strides = array<i32>} : memref<2x128x64xf32, #tpu.memory_space<vmem>>, vector<1x1x16xf32>,
      %mul3A_736 = arith.constant 4 : i32
      %mul3A_737 = arith.muli %scan3A_504, %mul3A_736 : i32
      %add3A_738 = arith.constant 2 : i32
      %add3A_739 = arith.addi %mul3A_737, %add3A_738 : i32
      %get3A_740 = arith.constant 0 : i32
      %get3A_741 = arith.index_cast %get3A_740 : i32 to index
      %get3A_742 = arith.index_cast %add3A_739 : i32 to index
      %get3A_743 = arith.constant 48 : index
      %get3A_744 = tpu.vector_load %arg7[%get3A_741, %get3A_742, %get3A_743] {strides = array<i32>} : memref<2x128x128xf32, #tpu.memory_space<vmem>>, vector<1x1x16xf32>,
      %get3A_745 = vector.shape_cast %get3A_744 : vector<1x1x16xf32> to vector<16xf32>
      %mul3A_746 = arith.constant 4 : i32
      %mul3A_747 = arith.muli %scan3A_504, %mul3A_746 : i32
      %add3A_748 = arith.constant 2 : i32
      %add3A_749 = arith.addi %mul3A_747, %add3A_748 : i32
      %swap3A_750 = arith.constant 0 : i32
      %swap3A_751 = arith.index_cast %swap3A_750 : i32 to index
      %swap3A_752 = arith.index_cast %add3A_749 : i32 to index
      %swap3A_753 = arith.constant 48 : index
      %swap3A_754 = tpu.vector_load %arg8[%swap3A_751, %swap3A_752, %swap3A_753] {strides = array<i32>} : memref<2x128x64xf32, #tpu.memory_space<vmem>>, vector<1x1x16xf32>,
      %swap3A_755 = vector.shape_cast %swap3A_754 : vector<1x1x16xf32> to vector<16xf32>
      %swap3A_756 = vector.shape_cast %get3A_745 : vector<16xf32> to vector<1x1x16xf32>
      tpu.vector_store %arg8[%swap3A_751, %swap3A_752, %swap3A_753], %swap3A_756 {strides = array<i32>} : memref<2x128x64xf32, #tpu.memory_space<vmem>>, vector<1x1x16xf32>,
      %mul3A_757 = arith.constant 4 : i32
      %mul3A_758 = arith.muli %scan3A_504, %mul3A_757 : i32
      %add3A_759 = arith.constant 3 : i32
      %add3A_760 = arith.addi %mul3A_758, %add3A_759 : i32
      %get3A_761 = arith.constant 0 : i32
      %get3A_762 = arith.index_cast %get3A_761 : i32 to index
      %get3A_763 = arith.index_cast %add3A_760 : i32 to index
      %get3A_764 = arith.constant 0 : index
      %get3A_765 = tpu.vector_load %arg7[%get3A_762, %get3A_763, %get3A_764] {strides = array<i32>} : memref<2x128x128xf32, #tpu.memory_space<vmem>>, vector<1x1x16xf32>,
      %get3A_766 = vector.shape_cast %get3A_765 : vector<1x1x16xf32> to vector<16xf32>
      %mul3A_767 = arith.constant 4 : i32
      %mul3A_768 = arith.muli %scan3A_504, %mul3A_767 : i32
      %add3A_769 = arith.constant 3 : i32
      %add3A_770 = arith.addi %mul3A_768, %add3A_769 : i32
      %swap3A_771 = arith.constant 0 : i32
      %swap3A_772 = arith.index_cast %swap3A_771 : i32 to index
      %swap3A_773 = arith.index_cast %add3A_770 : i32 to index
      %swap3A_774 = arith.constant 0 : index
      %swap3A_775 = tpu.vector_load %arg8[%swap3A_772, %swap3A_773, %swap3A_774] {strides = array<i32>} : memref<2x128x64xf32, #tpu.memory_space<vmem>>, vector<1x1x16xf32>,
      %swap3A_776 = vector.shape_cast %swap3A_775 : vector<1x1x16xf32> to vector<16xf32>
      %swap3A_777 = vector.shape_cast %get3A_766 : vector<16xf32> to vector<1x1x16xf32>
      tpu.vector_store %arg8[%swap3A_772, %swap3A_773, %swap3A_774], %swap3A_777 {strides = array<i32>} : memref<2x128x64xf32, #tpu.memory_space<vmem>>, vector<1x1x16xf32>,
      %mul3A_778 = arith.constant 4 : i32
      %mul3A_779 = arith.muli %scan3A_504, %mul3A_778 : i32
      %add3A_780 = arith.constant 3 : i32
      %add3A_781 = arith.addi %mul3A_779, %add3A_780 : i32
      %get3A_782 = arith.constant 0 : i32
      %get3A_783 = arith.index_cast %get3A_782 : i32 to index
      %get3A_784 = arith.index_cast %add3A_781 : i32 to index
      %get3A_785 = arith.constant 16 : index
      %get3A_786 = tpu.vector_load %arg7[%get3A_783, %get3A_784, %get3A_785] {strides = array<i32>} : memref<2x128x128xf32, #tpu.memory_space<vmem>>, vector<1x1x16xf32>,
      %get3A_787 = vector.shape_cast %get3A_786 : vector<1x1x16xf32> to vector<16xf32>
      %mul3A_788 = arith.constant 4 : i32
      %mul3A_789 = arith.muli %scan3A_504, %mul3A_788 : i32
      %add3A_790 = arith.constant 3 : i32
      %add3A_791 = arith.addi %mul3A_789, %add3A_790 : i32
      %swap3A_792 = arith.constant 0 : i32
      %swap3A_793 = arith.index_cast %swap3A_792 : i32 to index
      %swap3A_794 = arith.index_cast %add3A_791 : i32 to index
      %swap3A_795 = arith.constant 16 : index
      %swap3A_796 = tpu.vector_load %arg8[%swap3A_793, %swap3A_794, %swap3A_795] {strides = array<i32>} : memref<2x128x64xf32, #tpu.memory_space<vmem>>, vector<1x1x16xf32>,
      %swap3A_797 = vector.shape_cast %swap3A_796 : vector<1x1x16xf32> to vector<16xf32>
      %swap3A_798 = vector.shape_cast %get3A_787 : vector<16xf32> to vector<1x1x16xf32>
      tpu.vector_store %arg8[%swap3A_793, %swap3A_794, %swap3A_795], %swap3A_798 {strides = array<i32>} : memref<2x128x64xf32, #tpu.memory_space<vmem>>, vector<1x1x16xf32>,
      %mul3A_799 = arith.constant 4 : i32
      %mul3A_800 = arith.muli %scan3A_504, %mul3A_799 : i32
      %add3A_801 = arith.constant 3 : i32
      %add3A_802 = arith.addi %mul3A_800, %add3A_801 : i32
      %get3A_803 = arith.constant 0 : i32
      %get3A_804 = arith.index_cast %get3A_803 : i32 to index
      %get3A_805 = arith.index_cast %add3A_802 : i32 to index
      %get3A_806 = arith.constant 32 : index
      %get3A_807 = tpu.vector_load %arg7[%get3A_804, %get3A_805, %get3A_806] {strides = array<i32>} : memref<2x128x128xf32, #tpu.memory_space<vmem>>, vector<1x1x16xf32>,
      %get3A_808 = vector.shape_cast %get3A_807 : vector<1x1x16xf32> to vector<16xf32>
      %mul3A_809 = arith.constant 4 : i32
      %mul3A_810 = arith.muli %scan3A_504, %mul3A_809 : i32
      %add3A_811 = arith.constant 3 : i32
      %add3A_812 = arith.addi %mul3A_810, %add3A_811 : i32
      %swap3A_813 = arith.constant 0 : i32
      %swap3A_814 = arith.index_cast %swap3A_813 : i32 to index
      %swap3A_815 = arith.index_cast %add3A_812 : i32 to index
      %swap3A_816 = arith.constant 32 : index
      %swap3A_817 = tpu.vector_load %arg8[%swap3A_814, %swap3A_815, %swap3A_816] {strides = array<i32>} : memref<2x128x64xf32, #tpu.memory_space<vmem>>, vector<1x1x16xf32>,
      %swap3A_818 = vector.shape_cast %swap3A_817 : vector<1x1x16xf32> to vector<16xf32>
      %swap3A_819 = vector.shape_cast %get3A_808 : vector<16xf32> to vector<1x1x16xf32>
      tpu.vector_store %arg8[%swap3A_814, %swap3A_815, %swap3A_816], %swap3A_819 {strides = array<i32>} : memref<2x128x64xf32, #tpu.memory_space<vmem>>, vector<1x1x16xf32>,
      %mul3A_820 = arith.constant 4 : i32
      %mul3A_821 = arith.muli %scan3A_504, %mul3A_820 : i32
      %add3A_822 = arith.constant 3 : i32
      %add3A_823 = arith.addi %mul3A_821, %add3A_822 : i32
      %get3A_824 = arith.constant 0 : i32
      %get3A_825 = arith.index_cast %get3A_824 : i32 to index
      %get3A_826 = arith.index_cast %add3A_823 : i32 to index
      %get3A_827 = arith.constant 48 : index
      %get3A_828 = tpu.vector_load %arg7[%get3A_825, %get3A_826, %get3A_827] {strides = array<i32>} : memref<2x128x128xf32, #tpu.memory_space<vmem>>, vector<1x1x16xf32>,
      %get3A_829 = vector.shape_cast %get3A_828 : vector<1x1x16xf32> to vector<16xf32>
      %mul3A_830 = arith.constant 4 : i32
      %mul3A_831 = arith.muli %scan3A_504, %mul3A_830 : i32
      %add3A_832 = arith.constant 3 : i32
      %add3A_833 = arith.addi %mul3A_831, %add3A_832 : i32
      %swap3A_834 = arith.constant 0 : i32
      %swap3A_835 = arith.index_cast %swap3A_834 : i32 to index
      %swap3A_836 = arith.index_cast %add3A_833 : i32 to index
      %swap3A_837 = arith.constant 48 : index
      %swap3A_838 = tpu.vector_load %arg8[%swap3A_835, %swap3A_836, %swap3A_837] {strides = array<i32>} : memref<2x128x64xf32, #tpu.memory_space<vmem>>, vector<1x1x16xf32>,
      %swap3A_839 = vector.shape_cast %swap3A_838 : vector<1x1x16xf32> to vector<16xf32>
      %swap3A_840 = vector.shape_cast %get3A_829 : vector<16xf32> to vector<1x1x16xf32>
      tpu.vector_store %arg8[%swap3A_835, %swap3A_836, %swap3A_837], %swap3A_840 {strides = array<i32>} : memref<2x128x64xf32, #tpu.memory_space<vmem>>, vector<1x1x16xf32>,
    }
    %scan3A_416 = arith.constant 32 : i32
    %add3A_417 = arith.constant 130816 : i32
    %add3A_418 = arith.addi %mul3A_2, %add3A_417 : i32
    %dma_start3A_419 = arith.constant 0 : i32
    %dma_start3A_420 = arith.constant 0 : i32
    %dma_start3A_421 = arith.constant 0 : i32
    %dma_start3A_422 = tpu.memref_slice %arg8[%dma_start3A_419, %dma_start3A_420, %dma_start3A_421] : memref<2x128x64xf32, #tpu.memory_space<vmem>> -> memref<1x128x64xf32, #tpu.memory_space<vmem>>
    %dma_start3A_423 = tpu.memref_squeeze %dma_start3A_422 : memref<1x128x64xf32, #tpu.memory_space<vmem>> -> memref<128x64xf32, #tpu.memory_space<vmem>>
    %dma_start3A_424 = arith.constant 0 : i32
    %dma_start3A_425 = tpu.memref_slice %arg4[%add3A_418, %dma_start3A_424] : memref<4194304x64xf32, #tpu.memory_space<hbm>> -> memref<128x64xf32, #tpu.memory_space<hbm>>
    %dma_start3A_426 = arith.constant 0 : i32
    %dma_start3A_427 = tpu.memref_slice %arg4[%add3A_418, %dma_start3A_426] : memref<4194304x64xf32, #tpu.memory_space<hbm>> -> memref<128x64xf32, #tpu.memory_space<hbm>>
    %dma_start3A_428 = arith.constant 0 : i32
    %dma_start3A_429 = arith.constant 0 : i32
    %dma_start3A_430 = tpu.memref_slice %arg8[%dma_start3A_419, %dma_start3A_428, %dma_start3A_429] : memref<2x128x64xf32, #tpu.memory_space<vmem>> -> memref<1x128x64xf32, #tpu.memory_space<vmem>>
    %dma_start3A_431 = tpu.memref_squeeze %dma_start3A_430 : memref<1x128x64xf32, #tpu.memory_space<vmem>> -> memref<128x64xf32, #tpu.memory_space<vmem>>
    tpu.enqueue_dma source(%dma_start3A_431 : memref<128x64xf32, #tpu.memory_space<vmem>>) target(%dma_start3A_427 : memref<128x64xf32, #tpu.memory_space<hbm>>) target_semaphore(%arg13 : memref<!tpu.dma_semaphore, #tpu.memory_space<semaphore_mem>>)
    %dma_wait3A_432 = arith.constant 1 : i32
    %dma_wait3A_433 = arith.constant 1 : i32
    %dma_wait3A_434 = arith.constant 0 : i32
    %dma_wait3A_435 = arith.constant 0 : i32
    %dma_wait3A_436 = tpu.memref_slice %arg7[%dma_wait3A_433, %dma_wait3A_434, %dma_wait3A_435] : memref<2x128x128xf32, #tpu.memory_space<vmem>> -> memref<1x128x128xf32, #tpu.memory_space<vmem>>
    %dma_wait3A_437 = tpu.memref_squeeze %dma_wait3A_436 : memref<1x128x128xf32, #tpu.memory_space<vmem>> -> memref<128x128xf32, #tpu.memory_space<vmem>>
    %dma_wait3A_438 = arith.constant 0 : i32
    %dma_wait3A_439 = tpu.memref_slice %arg6[%dma_wait3A_432, %dma_wait3A_438] : memref<2x128xi32, #tpu.memory_space<vmem>> -> memref<1x128xi32, #tpu.memory_space<vmem>>
    %dma_wait3A_440 = tpu.memref_squeeze %dma_wait3A_439 : memref<1x128xi32, #tpu.memory_space<vmem>> -> memref<128xi32, #tpu.memory_space<vmem>>
    %dma_wait3A_441 = arith.constant 0 : i32
    %dma_wait3A_442 = arith.constant 0 : i32
    %dma_wait3A_443 = tpu.memref_slice %arg3[%dma_wait3A_441, %dma_wait3A_442] : memref<2049x128xf32, #tpu.memory_space<hbm>> -> memref<2049x128xf32, #tpu.memory_space<hbm>>
    tpu.wait_indirect_dma semaphore(%arg12 : memref<!tpu.dma_semaphore, #tpu.memory_space<semaphore_mem>>) src(%dma_wait3A_443 : memref<2049x128xf32, #tpu.memory_space<hbm>>) dst(%dma_wait3A_437 : memref<128x128xf32, #tpu.memory_space<vmem>>)
    %dma_wait3A_444 = arith.constant 1 : i32
    %dma_wait3A_445 = arith.constant 0 : i32
    %dma_wait3A_446 = arith.constant 0 : i32
    %dma_wait3A_447 = tpu.memref_slice %arg8[%dma_wait3A_444, %dma_wait3A_445, %dma_wait3A_446] : memref<2x128x64xf32, #tpu.memory_space<vmem>> -> memref<1x128x64xf32, #tpu.memory_space<vmem>>
    %dma_wait3A_448 = tpu.memref_squeeze %dma_wait3A_447 : memref<1x128x64xf32, #tpu.memory_space<vmem>> -> memref<128x64xf32, #tpu.memory_space<vmem>>
    %dma_wait3A_449 = arith.constant 0 : i32
    %dma_wait3A_450 = tpu.memref_slice %arg4[%mul3A_2, %dma_wait3A_449] : memref<4194304x64xf32, #tpu.memory_space<hbm>> -> memref<128x64xf32, #tpu.memory_space<hbm>>
    %dma_wait3A_451 = arith.constant 0 : i32
    %dma_wait3A_452 = tpu.memref_slice %arg4[%mul3A_2, %dma_wait3A_451] : memref<4194304x64xf32, #tpu.memory_space<hbm>> -> memref<128x64xf32, #tpu.memory_space<hbm>>
    %dma_wait3A_453 = arith.constant 0 : i32
    %dma_wait3A_454 = arith.constant 0 : i32
    %dma_wait3A_455 = tpu.memref_slice %arg8[%dma_wait3A_444, %dma_wait3A_453, %dma_wait3A_454] : memref<2x128x64xf32, #tpu.memory_space<vmem>> -> memref<1x128x64xf32, #tpu.memory_space<vmem>>
    %dma_wait3A_456 = tpu.memref_squeeze %dma_wait3A_455 : memref<1x128x64xf32, #tpu.memory_space<vmem>> -> memref<128x64xf32, #tpu.memory_space<vmem>>
    tpu.wait_dma2 semaphore(%arg14 : memref<!tpu.dma_semaphore, #tpu.memory_space<semaphore_mem>>) src(%dma_wait3A_456 : memref<128x64xf32, #tpu.memory_space<vmem>>) dst(%dma_wait3A_452 : memref<128x64xf32, #tpu.memory_space<hbm>>)
    %scan3A_457 = arith.constant 0 : i32
    %scan3A_458 = arith.constant 0 : i32
    %scan3A_459 = arith.constant 32 : i32
    %scan3A_460 = arith.addi %scan3A_458, %scan3A_459 : i32
    %scan3A_461 = arith.constant 1 : i32
    scf.for %scan3A_504 = %scan3A_458 to %scan3A_460 step %scan3A_461  : i32 {
      %mul3A_505 = arith.constant 4 : i32
      %mul3A_506 = arith.muli %scan3A_504, %mul3A_505 : i32
      %add3A_507 = arith.constant 0 : i32
      %add3A_508 = arith.addi %mul3A_506, %add3A_507 : i32
      %get3A_509 = arith.constant 1 : i32
      %get3A_510 = arith.index_cast %get3A_509 : i32 to index
      %get3A_511 = arith.index_cast %add3A_508 : i32 to index
      %get3A_512 = arith.constant 0 : index
      %get3A_513 = tpu.vector_load %arg7[%get3A_510, %get3A_511, %get3A_512] {strides = array<i32>} : memref<2x128x128xf32, #tpu.memory_space<vmem>>, vector<1x1x16xf32>,
      %get3A_514 = vector.shape_cast %get3A_513 : vector<1x1x16xf32> to vector<16xf32>
      %mul3A_515 = arith.constant 4 : i32
      %mul3A_516 = arith.muli %scan3A_504, %mul3A_515 : i32
      %add3A_517 = arith.constant 0 : i32
      %add3A_518 = arith.addi %mul3A_516, %add3A_517 : i32
      %swap3A_519 = arith.constant 1 : i32
      %swap3A_520 = arith.index_cast %swap3A_519 : i32 to index
      %swap3A_521 = arith.index_cast %add3A_518 : i32 to index
      %swap3A_522 = arith.constant 0 : index
      %swap3A_523 = tpu.vector_load %arg8[%swap3A_520, %swap3A_521, %swap3A_522] {strides = array<i32>} : memref<2x128x64xf32, #tpu.memory_space<vmem>>, vector<1x1x16xf32>,
      %swap3A_524 = vector.shape_cast %swap3A_523 : vector<1x1x16xf32> to vector<16xf32>
      %swap3A_525 = vector.shape_cast %get3A_514 : vector<16xf32> to vector<1x1x16xf32>
      tpu.vector_store %arg8[%swap3A_520, %swap3A_521, %swap3A_522], %swap3A_525 {strides = array<i32>} : memref<2x128x64xf32, #tpu.memory_space<vmem>>, vector<1x1x16xf32>,
      %mul3A_526 = arith.constant 4 : i32
      %mul3A_527 = arith.muli %scan3A_504, %mul3A_526 : i32
      %add3A_528 = arith.constant 0 : i32
      %add3A_529 = arith.addi %mul3A_527, %add3A_528 : i32
      %get3A_530 = arith.constant 1 : i32
      %get3A_531 = arith.index_cast %get3A_530 : i32 to index
      %get3A_532 = arith.index_cast %add3A_529 : i32 to index
      %get3A_533 = arith.constant 16 : index
      %get3A_534 = tpu.vector_load %arg7[%get3A_531, %get3A_532, %get3A_533] {strides = array<i32>} : memref<2x128x128xf32, #tpu.memory_space<vmem>>, vector<1x1x16xf32>,
      %get3A_535 = vector.shape_cast %get3A_534 : vector<1x1x16xf32> to vector<16xf32>
      %mul3A_536 = arith.constant 4 : i32
      %mul3A_537 = arith.muli %scan3A_504, %mul3A_536 : i32
      %add3A_538 = arith.constant 0 : i32
      %add3A_539 = arith.addi %mul3A_537, %add3A_538 : i32
      %swap3A_540 = arith.constant 1 : i32
      %swap3A_541 = arith.index_cast %swap3A_540 : i32 to index
      %swap3A_542 = arith.index_cast %add3A_539 : i32 to index
      %swap3A_543 = arith.constant 16 : index
      %swap3A_544 = tpu.vector_load %arg8[%swap3A_541, %swap3A_542, %swap3A_543] {strides = array<i32>} : memref<2x128x64xf32, #tpu.memory_space<vmem>>, vector<1x1x16xf32>,
      %swap3A_545 = vector.shape_cast %swap3A_544 : vector<1x1x16xf32> to vector<16xf32>
      %swap3A_546 = vector.shape_cast %get3A_535 : vector<16xf32> to vector<1x1x16xf32>
      tpu.vector_store %arg8[%swap3A_541, %swap3A_542, %swap3A_543], %swap3A_546 {strides = array<i32>} : memref<2x128x64xf32, #tpu.memory_space<vmem>>, vector<1x1x16xf32>,
      %mul3A_547 = arith.constant 4 : i32
      %mul3A_548 = arith.muli %scan3A_504, %mul3A_547 : i32
      %add3A_549 = arith.constant 0 : i32
      %add3A_550 = arith.addi %mul3A_548, %add3A_549 : i32
      %get3A_551 = arith.constant 1 : i32
      %get3A_552 = arith.index_cast %get3A_551 : i32 to index
      %get3A_553 = arith.index_cast %add3A_550 : i32 to index
      %get3A_554 = arith.constant 32 : index
      %get3A_555 = tpu.vector_load %arg7[%get3A_552, %get3A_553, %get3A_554] {strides = array<i32>} : memref<2x128x128xf32, #tpu.memory_space<vmem>>, vector<1x1x16xf32>,
      %get3A_556 = vector.shape_cast %get3A_555 : vector<1x1x16xf32> to vector<16xf32>
      %mul3A_557 = arith.constant 4 : i32
      %mul3A_558 = arith.muli %scan3A_504, %mul3A_557 : i32
      %add3A_559 = arith.constant 0 : i32
      %add3A_560 = arith.addi %mul3A_558, %add3A_559 : i32
      %swap3A_561 = arith.constant 1 : i32
      %swap3A_562 = arith.index_cast %swap3A_561 : i32 to index
      %swap3A_563 = arith.index_cast %add3A_560 : i32 to index
      %swap3A_564 = arith.constant 32 : index
      %swap3A_565 = tpu.vector_load %arg8[%swap3A_562, %swap3A_563, %swap3A_564] {strides = array<i32>} : memref<2x128x64xf32, #tpu.memory_space<vmem>>, vector<1x1x16xf32>,
      %swap3A_566 = vector.shape_cast %swap3A_565 : vector<1x1x16xf32> to vector<16xf32>
      %swap3A_567 = vector.shape_cast %get3A_556 : vector<16xf32> to vector<1x1x16xf32>
      tpu.vector_store %arg8[%swap3A_562, %swap3A_563, %swap3A_564], %swap3A_567 {strides = array<i32>} : memref<2x128x64xf32, #tpu.memory_space<vmem>>, vector<1x1x16xf32>,
      %mul3A_568 = arith.constant 4 : i32
      %mul3A_569 = arith.muli %scan3A_504, %mul3A_568 : i32
      %add3A_570 = arith.constant 0 : i32
      %add3A_571 = arith.addi %mul3A_569, %add3A_570 : i32
      %get3A_572 = arith.constant 1 : i32
      %get3A_573 = arith.index_cast %get3A_572 : i32 to index
      %get3A_574 = arith.index_cast %add3A_571 : i32 to index
      %get3A_575 = arith.constant 48 : index
      %get3A_576 = tpu.vector_load %arg7[%get3A_573, %get3A_574, %get3A_575] {strides = array<i32>} : memref<2x128x128xf32, #tpu.memory_space<vmem>>, vector<1x1x16xf32>,
      %get3A_577 = vector.shape_cast %get3A_576 : vector<1x1x16xf32> to vector<16xf32>
      %mul3A_578 = arith.constant 4 : i32
      %mul3A_579 = arith.muli %scan3A_504, %mul3A_578 : i32
      %add3A_580 = arith.constant 0 : i32
      %add3A_581 = arith.addi %mul3A_579, %add3A_580 : i32
      %swap3A_582 = arith.constant 1 : i32
      %swap3A_583 = arith.index_cast %swap3A_582 : i32 to index
      %swap3A_584 = arith.index_cast %add3A_581 : i32 to index
      %swap3A_585 = arith.constant 48 : index
      %swap3A_586 = tpu.vector_load %arg8[%swap3A_583, %swap3A_584, %swap3A_585] {strides = array<i32>} : memref<2x128x64xf32, #tpu.memory_space<vmem>>, vector<1x1x16xf32>,
      %swap3A_587 = vector.shape_cast %swap3A_586 : vector<1x1x16xf32> to vector<16xf32>
      %swap3A_588 = vector.shape_cast %get3A_577 : vector<16xf32> to vector<1x1x16xf32>
      tpu.vector_store %arg8[%swap3A_583, %swap3A_584, %swap3A_585], %swap3A_588 {strides = array<i32>} : memref<2x128x64xf32, #tpu.memory_space<vmem>>, vector<1x1x16xf32>,
      %mul3A_589 = arith.constant 4 : i32
      %mul3A_590 = arith.muli %scan3A_504, %mul3A_589 : i32
      %add3A_591 = arith.constant 1 : i32
      %add3A_592 = arith.addi %mul3A_590, %add3A_591 : i32
      %get3A_593 = arith.constant 1 : i32
      %get3A_594 = arith.index_cast %get3A_593 : i32 to index
      %get3A_595 = arith.index_cast %add3A_592 : i32 to index
      %get3A_596 = arith.constant 0 : index
      %get3A_597 = tpu.vector_load %arg7[%get3A_594, %get3A_595, %get3A_596] {strides = array<i32>} : memref<2x128x128xf32, #tpu.memory_space<vmem>>, vector<1x1x16xf32>,
      %get3A_598 = vector.shape_cast %get3A_597 : vector<1x1x16xf32> to vector<16xf32>
      %mul3A_599 = arith.constant 4 : i32
      %mul3A_600 = arith.muli %scan3A_504, %mul3A_599 : i32
      %add3A_601 = arith.constant 1 : i32
      %add3A_602 = arith.addi %mul3A_600, %add3A_601 : i32
      %swap3A_603 = arith.constant 1 : i32
      %swap3A_604 = arith.index_cast %swap3A_603 : i32 to index
      %swap3A_605 = arith.index_cast %add3A_602 : i32 to index
      %swap3A_606 = arith.constant 0 : index
      %swap3A_607 = tpu.vector_load %arg8[%swap3A_604, %swap3A_605, %swap3A_606] {strides = array<i32>} : memref<2x128x64xf32, #tpu.memory_space<vmem>>, vector<1x1x16xf32>,
      %swap3A_608 = vector.shape_cast %swap3A_607 : vector<1x1x16xf32> to vector<16xf32>
      %swap3A_609 = vector.shape_cast %get3A_598 : vector<16xf32> to vector<1x1x16xf32>
      tpu.vector_store %arg8[%swap3A_604, %swap3A_605, %swap3A_606], %swap3A_609 {strides = array<i32>} : memref<2x128x64xf32, #tpu.memory_space<vmem>>, vector<1x1x16xf32>,
      %mul3A_610 = arith.constant 4 : i32
      %mul3A_611 = arith.muli %scan3A_504, %mul3A_610 : i32
      %add3A_612 = arith.constant 1 : i32
      %add3A_613 = arith.addi %mul3A_611, %add3A_612 : i32
      %get3A_614 = arith.constant 1 : i32
      %get3A_615 = arith.index_cast %get3A_614 : i32 to index
      %get3A_616 = arith.index_cast %add3A_613 : i32 to index
      %get3A_617 = arith.constant 16 : index
      %get3A_618 = tpu.vector_load %arg7[%get3A_615, %get3A_616, %get3A_617] {strides = array<i32>} : memref<2x128x128xf32, #tpu.memory_space<vmem>>, vector<1x1x16xf32>,
      %get3A_619 = vector.shape_cast %get3A_618 : vector<1x1x16xf32> to vector<16xf32>
      %mul3A_620 = arith.constant 4 : i32
      %mul3A_621 = arith.muli %scan3A_504, %mul3A_620 : i32
      %add3A_622 = arith.constant 1 : i32
      %add3A_623 = arith.addi %mul3A_621, %add3A_622 : i32
      %swap3A_624 = arith.constant 1 : i32
      %swap3A_625 = arith.index_cast %swap3A_624 : i32 to index
      %swap3A_626 = arith.index_cast %add3A_623 : i32 to index
      %swap3A_627 = arith.constant 16 : index
      %swap3A_628 = tpu.vector_load %arg8[%swap3A_625, %swap3A_626, %swap3A_627] {strides = array<i32>} : memref<2x128x64xf32, #tpu.memory_space<vmem>>, vector<1x1x16xf32>,
      %swap3A_629 = vector.shape_cast %swap3A_628 : vector<1x1x16xf32> to vector<16xf32>
      %swap3A_630 = vector.shape_cast %get3A_619 : vector<16xf32> to vector<1x1x16xf32>
      tpu.vector_store %arg8[%swap3A_625, %swap3A_626, %swap3A_627], %swap3A_630 {strides = array<i32>} : memref<2x128x64xf32, #tpu.memory_space<vmem>>, vector<1x1x16xf32>,
      %mul3A_631 = arith.constant 4 : i32
      %mul3A_632 = arith.muli %scan3A_504, %mul3A_631 : i32
      %add3A_633 = arith.constant 1 : i32
      %add3A_634 = arith.addi %mul3A_632, %add3A_633 : i32
      %get3A_635 = arith.constant 1 : i32
      %get3A_636 = arith.index_cast %get3A_635 : i32 to index
      %get3A_637 = arith.index_cast %add3A_634 : i32 to index
      %get3A_638 = arith.constant 32 : index
      %get3A_639 = tpu.vector_load %arg7[%get3A_636, %get3A_637, %get3A_638] {strides = array<i32>} : memref<2x128x128xf32, #tpu.memory_space<vmem>>, vector<1x1x16xf32>,
      %get3A_640 = vector.shape_cast %get3A_639 : vector<1x1x16xf32> to vector<16xf32>
      %mul3A_641 = arith.constant 4 : i32
      %mul3A_642 = arith.muli %scan3A_504, %mul3A_641 : i32
      %add3A_643 = arith.constant 1 : i32
      %add3A_644 = arith.addi %mul3A_642, %add3A_643 : i32
      %swap3A_645 = arith.constant 1 : i32
      %swap3A_646 = arith.index_cast %swap3A_645 : i32 to index
      %swap3A_647 = arith.index_cast %add3A_644 : i32 to index
      %swap3A_648 = arith.constant 32 : index
      %swap3A_649 = tpu.vector_load %arg8[%swap3A_646, %swap3A_647, %swap3A_648] {strides = array<i32>} : memref<2x128x64xf32, #tpu.memory_space<vmem>>, vector<1x1x16xf32>,
      %swap3A_650 = vector.shape_cast %swap3A_649 : vector<1x1x16xf32> to vector<16xf32>
      %swap3A_651 = vector.shape_cast %get3A_640 : vector<16xf32> to vector<1x1x16xf32>
      tpu.vector_store %arg8[%swap3A_646, %swap3A_647, %swap3A_648], %swap3A_651 {strides = array<i32>} : memref<2x128x64xf32, #tpu.memory_space<vmem>>, vector<1x1x16xf32>,
      %mul3A_652 = arith.constant 4 : i32
      %mul3A_653 = arith.muli %scan3A_504, %mul3A_652 : i32
      %add3A_654 = arith.constant 1 : i32
      %add3A_655 = arith.addi %mul3A_653, %add3A_654 : i32
      %get3A_656 = arith.constant 1 : i32
      %get3A_657 = arith.index_cast %get3A_656 : i32 to index
      %get3A_658 = arith.index_cast %add3A_655 : i32 to index
      %get3A_659 = arith.constant 48 : index
      %get3A_660 = tpu.vector_load %arg7[%get3A_657, %get3A_658, %get3A_659] {strides = array<i32>} : memref<2x128x128xf32, #tpu.memory_space<vmem>>, vector<1x1x16xf32>,
      %get3A_661 = vector.shape_cast %get3A_660 : vector<1x1x16xf32> to vector<16xf32>
      %mul3A_662 = arith.constant 4 : i32
      %mul3A_663 = arith.muli %scan3A_504, %mul3A_662 : i32
      %add3A_664 = arith.constant 1 : i32
      %add3A_665 = arith.addi %mul3A_663, %add3A_664 : i32
      %swap3A_666 = arith.constant 1 : i32
      %swap3A_667 = arith.index_cast %swap3A_666 : i32 to index
      %swap3A_668 = arith.index_cast %add3A_665 : i32 to index
      %swap3A_669 = arith.constant 48 : index
      %swap3A_670 = tpu.vector_load %arg8[%swap3A_667, %swap3A_668, %swap3A_669] {strides = array<i32>} : memref<2x128x64xf32, #tpu.memory_space<vmem>>, vector<1x1x16xf32>,
      %swap3A_671 = vector.shape_cast %swap3A_670 : vector<1x1x16xf32> to vector<16xf32>
      %swap3A_672 = vector.shape_cast %get3A_661 : vector<16xf32> to vector<1x1x16xf32>
      tpu.vector_store %arg8[%swap3A_667, %swap3A_668, %swap3A_669], %swap3A_672 {strides = array<i32>} : memref<2x128x64xf32, #tpu.memory_space<vmem>>, vector<1x1x16xf32>,
      %mul3A_673 = arith.constant 4 : i32
      %mul3A_674 = arith.muli %scan3A_504, %mul3A_673 : i32
      %add3A_675 = arith.constant 2 : i32
      %add3A_676 = arith.addi %mul3A_674, %add3A_675 : i32
      %get3A_677 = arith.constant 1 : i32
      %get3A_678 = arith.index_cast %get3A_677 : i32 to index
      %get3A_679 = arith.index_cast %add3A_676 : i32 to index
      %get3A_680 = arith.constant 0 : index
      %get3A_681 = tpu.vector_load %arg7[%get3A_678, %get3A_679, %get3A_680] {strides = array<i32>} : memref<2x128x128xf32, #tpu.memory_space<vmem>>, vector<1x1x16xf32>,
      %get3A_682 = vector.shape_cast %get3A_681 : vector<1x1x16xf32> to vector<16xf32>
      %mul3A_683 = arith.constant 4 : i32
      %mul3A_684 = arith.muli %scan3A_504, %mul3A_683 : i32
      %add3A_685 = arith.constant 2 : i32
      %add3A_686 = arith.addi %mul3A_684, %add3A_685 : i32
      %swap3A_687 = arith.constant 1 : i32
      %swap3A_688 = arith.index_cast %swap3A_687 : i32 to index
      %swap3A_689 = arith.index_cast %add3A_686 : i32 to index
      %swap3A_690 = arith.constant 0 : index
      %swap3A_691 = tpu.vector_load %arg8[%swap3A_688, %swap3A_689, %swap3A_690] {strides = array<i32>} : memref<2x128x64xf32, #tpu.memory_space<vmem>>, vector<1x1x16xf32>,
      %swap3A_692 = vector.shape_cast %swap3A_691 : vector<1x1x16xf32> to vector<16xf32>
      %swap3A_693 = vector.shape_cast %get3A_682 : vector<16xf32> to vector<1x1x16xf32>
      tpu.vector_store %arg8[%swap3A_688, %swap3A_689, %swap3A_690], %swap3A_693 {strides = array<i32>} : memref<2x128x64xf32, #tpu.memory_space<vmem>>, vector<1x1x16xf32>,
      %mul3A_694 = arith.constant 4 : i32
      %mul3A_695 = arith.muli %scan3A_504, %mul3A_694 : i32
      %add3A_696 = arith.constant 2 : i32
      %add3A_697 = arith.addi %mul3A_695, %add3A_696 : i32
      %get3A_698 = arith.constant 1 : i32
      %get3A_699 = arith.index_cast %get3A_698 : i32 to index
      %get3A_700 = arith.index_cast %add3A_697 : i32 to index
      %get3A_701 = arith.constant 16 : index
      %get3A_702 = tpu.vector_load %arg7[%get3A_699, %get3A_700, %get3A_701] {strides = array<i32>} : memref<2x128x128xf32, #tpu.memory_space<vmem>>, vector<1x1x16xf32>,
      %get3A_703 = vector.shape_cast %get3A_702 : vector<1x1x16xf32> to vector<16xf32>
      %mul3A_704 = arith.constant 4 : i32
      %mul3A_705 = arith.muli %scan3A_504, %mul3A_704 : i32
      %add3A_706 = arith.constant 2 : i32
      %add3A_707 = arith.addi %mul3A_705, %add3A_706 : i32
      %swap3A_708 = arith.constant 1 : i32
      %swap3A_709 = arith.index_cast %swap3A_708 : i32 to index
      %swap3A_710 = arith.index_cast %add3A_707 : i32 to index
      %swap3A_711 = arith.constant 16 : index
      %swap3A_712 = tpu.vector_load %arg8[%swap3A_709, %swap3A_710, %swap3A_711] {strides = array<i32>} : memref<2x128x64xf32, #tpu.memory_space<vmem>>, vector<1x1x16xf32>,
      %swap3A_713 = vector.shape_cast %swap3A_712 : vector<1x1x16xf32> to vector<16xf32>
      %swap3A_714 = vector.shape_cast %get3A_703 : vector<16xf32> to vector<1x1x16xf32>
      tpu.vector_store %arg8[%swap3A_709, %swap3A_710, %swap3A_711], %swap3A_714 {strides = array<i32>} : memref<2x128x64xf32, #tpu.memory_space<vmem>>, vector<1x1x16xf32>,
      %mul3A_715 = arith.constant 4 : i32
      %mul3A_716 = arith.muli %scan3A_504, %mul3A_715 : i32
      %add3A_717 = arith.constant 2 : i32
      %add3A_718 = arith.addi %mul3A_716, %add3A_717 : i32
      %get3A_719 = arith.constant 1 : i32
      %get3A_720 = arith.index_cast %get3A_719 : i32 to index
      %get3A_721 = arith.index_cast %add3A_718 : i32 to index
      %get3A_722 = arith.constant 32 : index
      %get3A_723 = tpu.vector_load %arg7[%get3A_720, %get3A_721, %get3A_722] {strides = array<i32>} : memref<2x128x128xf32, #tpu.memory_space<vmem>>, vector<1x1x16xf32>,
      %get3A_724 = vector.shape_cast %get3A_723 : vector<1x1x16xf32> to vector<16xf32>
      %mul3A_725 = arith.constant 4 : i32
      %mul3A_726 = arith.muli %scan3A_504, %mul3A_725 : i32
      %add3A_727 = arith.constant 2 : i32
      %add3A_728 = arith.addi %mul3A_726, %add3A_727 : i32
      %swap3A_729 = arith.constant 1 : i32
      %swap3A_730 = arith.index_cast %swap3A_729 : i32 to index
      %swap3A_731 = arith.index_cast %add3A_728 : i32 to index
      %swap3A_732 = arith.constant 32 : index
      %swap3A_733 = tpu.vector_load %arg8[%swap3A_730, %swap3A_731, %swap3A_732] {strides = array<i32>} : memref<2x128x64xf32, #tpu.memory_space<vmem>>, vector<1x1x16xf32>,
      %swap3A_734 = vector.shape_cast %swap3A_733 : vector<1x1x16xf32> to vector<16xf32>
      %swap3A_735 = vector.shape_cast %get3A_724 : vector<16xf32> to vector<1x1x16xf32>
      tpu.vector_store %arg8[%swap3A_730, %swap3A_731, %swap3A_732], %swap3A_735 {strides = array<i32>} : memref<2x128x64xf32, #tpu.memory_space<vmem>>, vector<1x1x16xf32>,
      %mul3A_736 = arith.constant 4 : i32
      %mul3A_737 = arith.muli %scan3A_504, %mul3A_736 : i32
      %add3A_738 = arith.constant 2 : i32
      %add3A_739 = arith.addi %mul3A_737, %add3A_738 : i32
      %get3A_740 = arith.constant 1 : i32
      %get3A_741 = arith.index_cast %get3A_740 : i32 to index
      %get3A_742 = arith.index_cast %add3A_739 : i32 to index
      %get3A_743 = arith.constant 48 : index
      %get3A_744 = tpu.vector_load %arg7[%get3A_741, %get3A_742, %get3A_743] {strides = array<i32>} : memref<2x128x128xf32, #tpu.memory_space<vmem>>, vector<1x1x16xf32>,
      %get3A_745 = vector.shape_cast %get3A_744 : vector<1x1x16xf32> to vector<16xf32>
      %mul3A_746 = arith.constant 4 : i32
      %mul3A_747 = arith.muli %scan3A_504, %mul3A_746 : i32
      %add3A_748 = arith.constant 2 : i32
      %add3A_749 = arith.addi %mul3A_747, %add3A_748 : i32
      %swap3A_750 = arith.constant 1 : i32
      %swap3A_751 = arith.index_cast %swap3A_750 : i32 to index
      %swap3A_752 = arith.index_cast %add3A_749 : i32 to index
      %swap3A_753 = arith.constant 48 : index
      %swap3A_754 = tpu.vector_load %arg8[%swap3A_751, %swap3A_752, %swap3A_753] {strides = array<i32>} : memref<2x128x64xf32, #tpu.memory_space<vmem>>, vector<1x1x16xf32>,
      %swap3A_755 = vector.shape_cast %swap3A_754 : vector<1x1x16xf32> to vector<16xf32>
      %swap3A_756 = vector.shape_cast %get3A_745 : vector<16xf32> to vector<1x1x16xf32>
      tpu.vector_store %arg8[%swap3A_751, %swap3A_752, %swap3A_753], %swap3A_756 {strides = array<i32>} : memref<2x128x64xf32, #tpu.memory_space<vmem>>, vector<1x1x16xf32>,
      %mul3A_757 = arith.constant 4 : i32
      %mul3A_758 = arith.muli %scan3A_504, %mul3A_757 : i32
      %add3A_759 = arith.constant 3 : i32
      %add3A_760 = arith.addi %mul3A_758, %add3A_759 : i32
      %get3A_761 = arith.constant 1 : i32
      %get3A_762 = arith.index_cast %get3A_761 : i32 to index
      %get3A_763 = arith.index_cast %add3A_760 : i32 to index
      %get3A_764 = arith.constant 0 : index
      %get3A_765 = tpu.vector_load %arg7[%get3A_762, %get3A_763, %get3A_764] {strides = array<i32>} : memref<2x128x128xf32, #tpu.memory_space<vmem>>, vector<1x1x16xf32>,
      %get3A_766 = vector.shape_cast %get3A_765 : vector<1x1x16xf32> to vector<16xf32>
      %mul3A_767 = arith.constant 4 : i32
      %mul3A_768 = arith.muli %scan3A_504, %mul3A_767 : i32
      %add3A_769 = arith.constant 3 : i32
      %add3A_770 = arith.addi %mul3A_768, %add3A_769 : i32
      %swap3A_771 = arith.constant 1 : i32
      %swap3A_772 = arith.index_cast %swap3A_771 : i32 to index
      %swap3A_773 = arith.index_cast %add3A_770 : i32 to index
      %swap3A_774 = arith.constant 0 : index
      %swap3A_775 = tpu.vector_load %arg8[%swap3A_772, %swap3A_773, %swap3A_774] {strides = array<i32>} : memref<2x128x64xf32, #tpu.memory_space<vmem>>, vector<1x1x16xf32>,
      %swap3A_776 = vector.shape_cast %swap3A_775 : vector<1x1x16xf32> to vector<16xf32>
      %swap3A_777 = vector.shape_cast %get3A_766 : vector<16xf32> to vector<1x1x16xf32>
      tpu.vector_store %arg8[%swap3A_772, %swap3A_773, %swap3A_774], %swap3A_777 {strides = array<i32>} : memref<2x128x64xf32, #tpu.memory_space<vmem>>, vector<1x1x16xf32>,
      %mul3A_778 = arith.constant 4 : i32
      %mul3A_779 = arith.muli %scan3A_504, %mul3A_778 : i32
      %add3A_780 = arith.constant 3 : i32
      %add3A_781 = arith.addi %mul3A_779, %add3A_780 : i32
      %get3A_782 = arith.constant 1 : i32
      %get3A_783 = arith.index_cast %get3A_782 : i32 to index
      %get3A_784 = arith.index_cast %add3A_781 : i32 to index
      %get3A_785 = arith.constant 16 : index
      %get3A_786 = tpu.vector_load %arg7[%get3A_783, %get3A_784, %get3A_785] {strides = array<i32>} : memref<2x128x128xf32, #tpu.memory_space<vmem>>, vector<1x1x16xf32>,
      %get3A_787 = vector.shape_cast %get3A_786 : vector<1x1x16xf32> to vector<16xf32>
      %mul3A_788 = arith.constant 4 : i32
      %mul3A_789 = arith.muli %scan3A_504, %mul3A_788 : i32
      %add3A_790 = arith.constant 3 : i32
      %add3A_791 = arith.addi %mul3A_789, %add3A_790 : i32
      %swap3A_792 = arith.constant 1 : i32
      %swap3A_793 = arith.index_cast %swap3A_792 : i32 to index
      %swap3A_794 = arith.index_cast %add3A_791 : i32 to index
      %swap3A_795 = arith.constant 16 : index
      %swap3A_796 = tpu.vector_load %arg8[%swap3A_793, %swap3A_794, %swap3A_795] {strides = array<i32>} : memref<2x128x64xf32, #tpu.memory_space<vmem>>, vector<1x1x16xf32>,
      %swap3A_797 = vector.shape_cast %swap3A_796 : vector<1x1x16xf32> to vector<16xf32>
      %swap3A_798 = vector.shape_cast %get3A_787 : vector<16xf32> to vector<1x1x16xf32>
      tpu.vector_store %arg8[%swap3A_793, %swap3A_794, %swap3A_795], %swap3A_798 {strides = array<i32>} : memref<2x128x64xf32, #tpu.memory_space<vmem>>, vector<1x1x16xf32>,
      %mul3A_799 = arith.constant 4 : i32
      %mul3A_800 = arith.muli %scan3A_504, %mul3A_799 : i32
      %add3A_801 = arith.constant 3 : i32
      %add3A_802 = arith.addi %mul3A_800, %add3A_801 : i32
      %get3A_803 = arith.constant 1 : i32
      %get3A_804 = arith.index_cast %get3A_803 : i32 to index
      %get3A_805 = arith.index_cast %add3A_802 : i32 to index
      %get3A_806 = arith.constant 32 : index
      %get3A_807 = tpu.vector_load %arg7[%get3A_804, %get3A_805, %get3A_806] {strides = array<i32>} : memref<2x128x128xf32, #tpu.memory_space<vmem>>, vector<1x1x16xf32>,
      %get3A_808 = vector.shape_cast %get3A_807 : vector<1x1x16xf32> to vector<16xf32>
      %mul3A_809 = arith.constant 4 : i32
      %mul3A_810 = arith.muli %scan3A_504, %mul3A_809 : i32
      %add3A_811 = arith.constant 3 : i32
      %add3A_812 = arith.addi %mul3A_810, %add3A_811 : i32
      %swap3A_813 = arith.constant 1 : i32
      %swap3A_814 = arith.index_cast %swap3A_813 : i32 to index
      %swap3A_815 = arith.index_cast %add3A_812 : i32 to index
      %swap3A_816 = arith.constant 32 : index
      %swap3A_817 = tpu.vector_load %arg8[%swap3A_814, %swap3A_815, %swap3A_816] {strides = array<i32>} : memref<2x128x64xf32, #tpu.memory_space<vmem>>, vector<1x1x16xf32>,
      %swap3A_818 = vector.shape_cast %swap3A_817 : vector<1x1x16xf32> to vector<16xf32>
      %swap3A_819 = vector.shape_cast %get3A_808 : vector<16xf32> to vector<1x1x16xf32>
      tpu.vector_store %arg8[%swap3A_814, %swap3A_815, %swap3A_816], %swap3A_819 {strides = array<i32>} : memref<2x128x64xf32, #tpu.memory_space<vmem>>, vector<1x1x16xf32>,
      %mul3A_820 = arith.constant 4 : i32
      %mul3A_821 = arith.muli %scan3A_504, %mul3A_820 : i32
      %add3A_822 = arith.constant 3 : i32
      %add3A_823 = arith.addi %mul3A_821, %add3A_822 : i32
      %get3A_824 = arith.constant 1 : i32
      %get3A_825 = arith.index_cast %get3A_824 : i32 to index
      %get3A_826 = arith.index_cast %add3A_823 : i32 to index
      %get3A_827 = arith.constant 48 : index
      %get3A_828 = tpu.vector_load %arg7[%get3A_825, %get3A_826, %get3A_827] {strides = array<i32>} : memref<2x128x128xf32, #tpu.memory_space<vmem>>, vector<1x1x16xf32>,
      %get3A_829 = vector.shape_cast %get3A_828 : vector<1x1x16xf32> to vector<16xf32>
      %mul3A_830 = arith.constant 4 : i32
      %mul3A_831 = arith.muli %scan3A_504, %mul3A_830 : i32
      %add3A_832 = arith.constant 3 : i32
      %add3A_833 = arith.addi %mul3A_831, %add3A_832 : i32
      %swap3A_834 = arith.constant 1 : i32
      %swap3A_835 = arith.index_cast %swap3A_834 : i32 to index
      %swap3A_836 = arith.index_cast %add3A_833 : i32 to index
      %swap3A_837 = arith.constant 48 : index
      %swap3A_838 = tpu.vector_load %arg8[%swap3A_835, %swap3A_836, %swap3A_837] {strides = array<i32>} : memref<2x128x64xf32, #tpu.memory_space<vmem>>, vector<1x1x16xf32>,
      %swap3A_839 = vector.shape_cast %swap3A_838 : vector<1x1x16xf32> to vector<16xf32>
      %swap3A_840 = vector.shape_cast %get3A_829 : vector<16xf32> to vector<1x1x16xf32>
      tpu.vector_store %arg8[%swap3A_835, %swap3A_836, %swap3A_837], %swap3A_840 {strides = array<i32>} : memref<2x128x64xf32, #tpu.memory_space<vmem>>, vector<1x1x16xf32>,
    }
    %scan3A_462 = arith.constant 32 : i32
    %add3A_463 = arith.constant 130944 : i32
    %add3A_464 = arith.addi %mul3A_2, %add3A_463 : i32
    %dma_start3A_465 = arith.constant 1 : i32
    %dma_start3A_466 = arith.constant 0 : i32
    %dma_start3A_467 = arith.constant 0 : i32
    %dma_start3A_468 = tpu.memref_slice %arg8[%dma_start3A_465, %dma_start3A_466, %dma_start3A_467] : memref<2x128x64xf32, #tpu.memory_space<vmem>> -> memref<1x128x64xf32, #tpu.memory_space<vmem>>
    %dma_start3A_469 = tpu.memref_squeeze %dma_start3A_468 : memref<1x128x64xf32, #tpu.memory_space<vmem>> -> memref<128x64xf32, #tpu.memory_space<vmem>>
    %dma_start3A_470 = arith.constant 0 : i32
    %dma_start3A_471 = tpu.memref_slice %arg4[%add3A_464, %dma_start3A_470] : memref<4194304x64xf32, #tpu.memory_space<hbm>> -> memref<128x64xf32, #tpu.memory_space<hbm>>
    %dma_start3A_472 = arith.constant 0 : i32
    %dma_start3A_473 = tpu.memref_slice %arg4[%add3A_464, %dma_start3A_472] : memref<4194304x64xf32, #tpu.memory_space<hbm>> -> memref<128x64xf32, #tpu.memory_space<hbm>>
    %dma_start3A_474 = arith.constant 0 : i32
    %dma_start3A_475 = arith.constant 0 : i32
    %dma_start3A_476 = tpu.memref_slice %arg8[%dma_start3A_465, %dma_start3A_474, %dma_start3A_475] : memref<2x128x64xf32, #tpu.memory_space<vmem>> -> memref<1x128x64xf32, #tpu.memory_space<vmem>>
    %dma_start3A_477 = tpu.memref_squeeze %dma_start3A_476 : memref<1x128x64xf32, #tpu.memory_space<vmem>> -> memref<128x64xf32, #tpu.memory_space<vmem>>
    tpu.enqueue_dma source(%dma_start3A_477 : memref<128x64xf32, #tpu.memory_space<vmem>>) target(%dma_start3A_473 : memref<128x64xf32, #tpu.memory_space<hbm>>) target_semaphore(%arg14 : memref<!tpu.dma_semaphore, #tpu.memory_space<semaphore_mem>>)
    %dma_wait3A_478 = arith.constant 0 : i32
    %dma_wait3A_479 = arith.constant 0 : i32
    %dma_wait3A_480 = arith.constant 0 : i32
    %dma_wait3A_481 = tpu.memref_slice %arg8[%dma_wait3A_478, %dma_wait3A_479, %dma_wait3A_480] : memref<2x128x64xf32, #tpu.memory_space<vmem>> -> memref<1x128x64xf32, #tpu.memory_space<vmem>>
    %dma_wait3A_482 = tpu.memref_squeeze %dma_wait3A_481 : memref<1x128x64xf32, #tpu.memory_space<vmem>> -> memref<128x64xf32, #tpu.memory_space<vmem>>
    %dma_wait3A_483 = arith.constant 0 : i32
    %dma_wait3A_484 = tpu.memref_slice %arg4[%mul3A_2, %dma_wait3A_483] : memref<4194304x64xf32, #tpu.memory_space<hbm>> -> memref<128x64xf32, #tpu.memory_space<hbm>>
    %dma_wait3A_485 = arith.constant 0 : i32
    %dma_wait3A_486 = tpu.memref_slice %arg4[%mul3A_2, %dma_wait3A_485] : memref<4194304x64xf32, #tpu.memory_space<hbm>> -> memref<128x64xf32, #tpu.memory_space<hbm>>
    %dma_wait3A_487 = arith.constant 0 : i32
    %dma_wait3A_488 = arith.constant 0 : i32
    %dma_wait3A_489 = tpu.memref_slice %arg8[%dma_wait3A_478, %dma_wait3A_487, %dma_wait3A_488] : memref<2x128x64xf32, #tpu.memory_space<vmem>> -> memref<1x128x64xf32, #tpu.memory_space<vmem>>
    %dma_wait3A_490 = tpu.memref_squeeze %dma_wait3A_489 : memref<1x128x64xf32, #tpu.memory_space<vmem>> -> memref<128x64xf32, #tpu.memory_space<vmem>>
    tpu.wait_dma2 semaphore(%arg13 : memref<!tpu.dma_semaphore, #tpu.memory_space<semaphore_mem>>) src(%dma_wait3A_490 : memref<128x64xf32, #tpu.memory_space<vmem>>) dst(%dma_wait3A_486 : memref<128x64xf32, #tpu.memory_space<hbm>>)
    %dma_wait3A_491 = arith.constant 1 : i32
    %dma_wait3A_492 = arith.constant 0 : i32
    %dma_wait3A_493 = arith.constant 0 : i32
    %dma_wait3A_494 = tpu.memref_slice %arg8[%dma_wait3A_491, %dma_wait3A_492, %dma_wait3A_493] : memref<2x128x64xf32, #tpu.memory_space<vmem>> -> memref<1x128x64xf32, #tpu.memory_space<vmem>>
    %dma_wait3A_495 = tpu.memref_squeeze %dma_wait3A_494 : memref<1x128x64xf32, #tpu.memory_space<vmem>> -> memref<128x64xf32, #tpu.memory_space<vmem>>
    %dma_wait3A_496 = arith.constant 0 : i32
    %dma_wait3A_497 = tpu.memref_slice %arg4[%mul3A_2, %dma_wait3A_496] : memref<4194304x64xf32, #tpu.memory_space<hbm>> -> memref<128x64xf32, #tpu.memory_space<hbm>>
    %dma_wait3A_498 = arith.constant 0 : i32
    %dma_wait3A_499 = tpu.memref_slice %arg4[%mul3A_2, %dma_wait3A_498] : memref<4194304x64xf32, #tpu.memory_space<hbm>> -> memref<128x64xf32, #tpu.memory_space<hbm>>
    %dma_wait3A_500 = arith.constant 0 : i32
    %dma_wait3A_501 = arith.constant 0 : i32
    %dma_wait3A_502 = tpu.memref_slice %arg8[%dma_wait3A_491, %dma_wait3A_500, %dma_wait3A_501] : memref<2x128x64xf32, #tpu.memory_space<vmem>> -> memref<1x128x64xf32, #tpu.memory_space<vmem>>
    %dma_wait3A_503 = tpu.memref_squeeze %dma_wait3A_502 : memref<1x128x64xf32, #tpu.memory_space<vmem>> -> memref<128x64xf32, #tpu.memory_space<vmem>>
    tpu.wait_dma2 semaphore(%arg14 : memref<!tpu.dma_semaphore, #tpu.memory_space<semaphore_mem>>) src(%dma_wait3A_503 : memref<128x64xf32, #tpu.memory_space<vmem>>) dst(%dma_wait3A_499 : memref<128x64xf32, #tpu.memory_space<hbm>>)
    return
  }
}

</mosaic_0001>

<sc_bundles>
// kernel: _sc_gather.3.cloned.1.call-start
scs
__scs_entry_jumppad:
0x0: {  	(pc) =	sbr.rel $0x88, $3  }
0x1: {  	(tag) =	ssettag $0x0;
	lr =	simm.s32 $0x1  }
0x2: {  	[smem:$0x3F9F] =	sst lr;
	_ =	strace $0xD0000000  }
0x3: {  	_ = 	snop  }
0x4: {  	_ = 	snop  }
0x5: {  	_ = 	snop  }
0x6: {  	_ = 	snop  }
0x7: {  	_ = 	snop  }
__scs_overlays_trampoline_lowered:
0x8: {  	[smem:$0x3FAE] =	sst s0  }
0x9: {  	[smem:$0x3FAF] =	sst s1  }
0xa: {  	[smem:$0x3FB0] =	sst s2  }
0xb: {  	[smem:$0x3FB1] =	sst s3  }
0xc: {  	[smem:$0x3FB2] =	sst s4  }
0xd: {  	[smem:$0x3FB3] =	sst s5  }
0xe: {  	[smem:$0x3FB4] =	sst s6  }
0xf: {  	[smem:$0x3FB5] =	sst s7  }
0x10: {  	[smem:$0x3FB6] =	sst s8  }
0x11: {  	[smem:$0x3FB7] =	sst s9;
	s0 =	simm.s32 @!p0 $0x0  }
0x12: {  	s1 =	sld [smem:$0x3F9D];
	s0 =	simm.s32 @p0 $0x1  }
0x13: {  	[smem:$0x3FB8] =	sst s0;
	s0 =	simm.s32 @!p1 $0x0  }
0x14: {  	s2 =	sld [smem:$0x3F9C];
	s0 =	simm.s32 @p1 $0x1  }
0x15: {  	[smem:$0x3FB9] =	sst s0;
	s0 =	simm.s32 @!p2 $0x0  }
0x16: {  	s3 =	sld [smem:$0x3FDB];
	s0 =	simm.s32 @p2 $0x1  }
0x17: {  	s4 =	simm.s32 $0x1BF5;
	[smem:$0x3FBB] =	sst s0  }
0x18: {  	s0 =	sld [smem:$0x3F9E];
	_ =	swait.ge [sflag:s4], $0x0  }
0x19: {  	s7 =	sld [smem:$0x3F9F]  }
0x1a: {  	s8 =	sadd.s32 $0xFFFFE003, lr  }
0x1b: {  	s9 =	sadd.s32 $0xFFFFFEF7, lr;
	s5 =	simm.s32 $0xFFFFFFFF;
	p2 =	slt.u32 s8, $0xFFFFF086  }
0x1c: {  	p1 =	slt.u32 s9, $0xF7A;
	s5 =	simm.s32 @!p2 $0x0  }
0x1d: {  	s5 =	simm.s32 @p1 $0x1;
	p0 =	seq.s32 s7, s2  }
0x1e: {  	s7 =	smul.u32 @!p0 $0xF7A, s2;
	p2 =	seq.s32 @!p0 s5, $0x0  }
0x1f: {  	s9 =	smul.u32 $0xF7A, s1;
	s8 =	simm.s32 @!p0 $0x1BF5;
	p2 =	por !p2, p0  }
0x20: {  	[sflag:s8] =	ssyncset.s32 @!p0 $0xFFFFF086;
	s6 =	sadd.s32 @!p0 s3, s7;
	s7 =	simm.s32 @!p0 $0x108  }
0x21: {  	s3 =	sadd.s32 s3, s9;
	s6 =	sadd.s32 @!p0 $0x88, s6;
	s7 =	simm.s32 @p2 $0x1082  }
0x22: {  	[simem:s7], [sflag:s8] =	dma.local @!p0 [hbm:s6], $0xF7A  }
0x23: {  	s9 =	sor.u32 $0xD0000000, s2;
	s6 =	simm.s32 $0x108;
	_ =	swait.ge @!p0 [sflag:s8], $0x0  }
0x24: {  	s3 =	sadd.s32 $0x88, s3;
	s6 =	simm.s32 @!p1 $0x1082;
	[sflag:s4] =	ssyncset.s32 $0xFFFFF086  }
0x25: {  	[simem:s6], [sflag:s4] =	dma.local [hbm:s3], $0xF7A  }
0x26: {  	[smem:$0x3F9F] =	sst s1;
	(tag) =	ssettag s2;
	_ =	strace s9  }
0x27: {  	s1 =	sld [smem:$0x3FAF]  }
0x28: {  	s2 =	sld [smem:$0x3FB0]  }
0x29: {  	s4 =	sld [smem:$0x3FB2]  }
0x2a: {  	p0 =	seq.s32 s5, $0x0;
	s5 =	sld [smem:$0x3FB3]  }
0x2b: {  	s6 =	sld [smem:$0x3FB4]  }
0x2c: {  	s7 =	sld [smem:$0x3FB5]  }
0x2d: {  	s3 =	simm.s32 $0x108;
	s8 =	sld [smem:$0x3FB6]  }
0x2e: {  	s3 =	simm.s32 @!p0 $0x1082;
	s9 =	sld [smem:$0x3FB7]  }
0x2f: {  	lr =	sadd.s32 s0, s3;
	s0 =	sld [smem:$0x3FAE]  }
0x30: {  	s3 =	sld [smem:$0x3FB1]  }
0x31: {  	[smem:$0x3FBA] =	sst s10  }
0x32: {  	s10 =	sld [smem:$0x3FB8];
	_ =	sdelay $0x3  }
0x33: {  	p0 =	seq.s32 s10, $0x1;
	s10 =	sld [smem:$0x3FBA];
	_ =	sdelay $0x3  }
0x34: {  	[smem:$0x3FBA] =	sst s10  }
0x35: {  	s10 =	sld [smem:$0x3FB9];
	_ =	sdelay $0x3  }
0x36: {  	p1 =	seq.s32 s10, $0x1;
	s10 =	sld [smem:$0x3FBA];
	_ =	sdelay $0x3  }
0x37: {  	[smem:$0x3FBA] =	sst s10  }
0x38: {  	s10 =	sld [smem:$0x3FBB]  }
0x39: {  	_ = 	snop;
	(pc) =	sbr.ind lr, $3  }
0x3a: {  	_ = 	snop  }
0x3b: {  	_ = 	snop  }
0x3c: {  	p2 =	seq.s32 s10, $0x1;
	s10 =	sld [smem:$0x3FBA]  }
0x3d: {  	_ =	shalt  }
0x3e: {  	_ =	shalt  }
0x3f: {  	_ =	shalt  }
0x40: {  	_ =	shalt  }
0x41: {  	_ =	shalt  }
0x42: {  	_ =	shalt  }
0x43: {  	_ =	shalt  }
0x44: {  	_ =	shalt  }
0x45: {  	_ =	shalt  }
0x46: {  	_ =	shalt  }
0x47: {  	_ =	shalt  }
0x48: {  	_ =	shalt  }
0x49: {  	_ =	shalt  }
0x4a: {  	_ =	shalt  }
0x4b: {  	_ =	shalt  }
0x4c: {  	_ =	shalt  }
0x4d: {  	_ =	shalt  }
0x4e: {  	_ =	shalt  }
0x4f: {  	_ =	shalt  }
0x50: {  	_ =	shalt  }
0x51: {  	_ =	shalt  }
0x52: {  	_ =	shalt  }
0x53: {  	_ =	shalt  }
0x54: {  	_ =	shalt  }
0x55: {  	_ =	shalt  }
0x56: {  	_ =	shalt  }
0x57: {  	_ =	shalt  }
0x58: {  	_ =	shalt  }
0x59: {  	_ =	shalt  }
0x5a: {  	_ =	shalt  }
0x5b: {  	_ =	shalt  }
0x5c: {  	_ =	shalt  }
0x5d: {  	_ =	shalt  }
0x5e: {  	_ =	shalt  }
0x5f: {  	_ =	shalt  }
0x60: {  	_ =	shalt  }
0x61: {  	_ =	shalt  }
0x62: {  	_ =	shalt  }
0x63: {  	_ =	shalt  }
0x64: {  	_ =	shalt  }
0x65: {  	_ =	shalt  }
0x66: {  	_ =	shalt  }
0x67: {  	_ =	shalt  }
0x68: {  	_ =	shalt  }
0x69: {  	_ =	shalt  }
0x6a: {  	_ =	shalt  }
0x6b: {  	_ =	shalt  }
0x6c: {  	_ =	shalt  }
0x6d: {  	_ =	shalt  }
0x6e: {  	_ =	shalt  }
0x6f: {  	_ =	shalt  }
0x70: {  	_ =	shalt  }
0x71: {  	_ =	shalt  }
0x72: {  	_ =	shalt  }
0x73: {  	_ =	shalt  }
0x74: {  	_ =	shalt  }
0x75: {  	_ =	shalt  }
0x76: {  	_ =	shalt  }
0x77: {  	_ =	shalt  }
0x78: {  	_ =	shalt  }
0x79: {  	_ =	shalt  }
0x7a: {  	_ =	shalt  }
0x7b: {  	_ =	shalt  }
0x7c: {  	_ =	shalt  }
0x7d: {  	_ =	shalt  }
0x7e: {  	_ =	shalt  }
0x7f: {  	_ =	shalt  }
0x80: {  	_ =	shalt  }
0x81: {  	_ =	shalt  }
0x82: {  	_ =	shalt  }
0x83: {  	_ =	shalt  }
0x84: {  	_ =	shalt  }
0x85: {  	_ =	shalt  }
0x86: {  	_ =	shalt  }
0x87: {  	_ =	shalt  }
.Lfunc_end0:
.L_simem_size_0:
called_computation_lowered:
.L_overlay_start_0:
0x88: {  	s2 =	sld [smem:$0x3FD9]  }
0x89: {  	s3 =	sld [smem:$0x3FFE];
	_ =	sdelay $0x1  }
0x8a: {  	s1 =	srdreg.scid  }
0x8b: {  	s0 =	sand.u32 $0x1, s1  }
0x8c: {  	s17 =	sshll.u32 s0, $0xA;
	s2 =	sadd.s32 s3, s2  }
0x8d: {  	s2 =	sadd.s32 s2, s17  }
0x8e: {  	[smem:$0x3FC6] =	sst s2  }
0x8f: {  	_ = 	snop  }
0x90: {  	s2 =	sld [smem:$0x3FC9]  }
0x91: {  	s18 =	sld [smem:$0x3FC8];
	(tm) =	ssettm $0x1  }
0x92: {  	s4 =	sld [smem:$0x3FFB];
	_ =	sdelay $0x3  }
0x93: {  	_ =	strace s4  }
0x94: {  	s4 =	sld [smem:$0x3FFC];
	_ =	sdelay $0x3  }
0x95: {  	_ =	strace s4  }
0x96: {  	s4 =	sld [smem:$0x3FFD];
	_ =	sdelay $0x3  }
0x97: {  	_ =	strace s4  }
0x98: {  	_ =	strace $0x8FFFFFFF  }
0x99: {  	s19 =	sld [smem:$0x3FDB];
	_ =	sdelay $0x1  }
0x9a: {  	s5 =	simm.s32 $_scs_section_size  }
0x9b: {  	s6 =	simm.s32 $_size__tile_overlayer_lowered;
	s7 =	simm.s32 $_tile_overlayer_lowered  }
0x9c: {  	s22 =	simm.s32 $0x1BFF;
	s21 =	sshll.u32 s7, $0x1;
	s4 =	sadd.s32 s5, s19  }
0x9d: {  	s8 =	simm.s32 $0x0;
	s20 =	sshll.u32 s6, $0x1;
	s6 =	sadd.s32 s21, s4  }
0x9e: {  	[timem:s8], [sflag:s22] =	dma.local [hbm:s6], s20  }
0x9f: {  	_ =	swait.ge [sflag:s22], s20  }
0xa0: {  	s5 =	ssub.s32 $0x0, s20;
	[sflag:s22] =	ssyncset.done $0x0  }
0xa1: {  	[sflag:s22] =	ssyncadd.s32 s5;
	_ =	sdelay $0x1  }
0xa2: {  	s23 =	simm.s32 $0x1B8B  }
0xa3: {  	_ =	swait.ge [sflag:s23], $0x1  }
0xa4: {  	[sflag:s23] =	ssyncset.done $0x0  }
0xa5: {  	s25 =	simm.s32 $0x1B8E;
	s24 =	sld [smem:$0x3FFE];
	[sflag:s23] =	ssyncadd.s32 $0xFFFFFFFF  }
0xa6: {  	s26 =	simm.s32 $execute0_lowered;
	[smem:$0x3FD2] =	sst s25  }
0xa7: {  	s6 =	sshll.u32 s26, $0x1;
	_ =	strace $0x80000046;
	[dreg:$0x1] =	wrdreg $0xFFFFFFFF  }
0xa8: {  	s28 =	simm.s32 $_size_execute0_lowered;
	s4 =	sadd.s32 s4, s6;
	[dreg:$0x0] =	wrdreg $0x0  }
0xa9: {  	s6 =	sshll.u32 s28, $0x1;
	[dreg:$0x2] =	wrdreg s4  }
0xaa: {  	[dreg:$0x3] =	wrdreg s6  }
0xab: {  	[dreg:$0x4] =	wrdreg $0xC0  }
0xac: {  	_ =	task [dreg:s8], $0x5FFFF  }
0xad: {  	[dreg:$0x1] =	wrdreg $0xFFFFFFFF  }
0xae: {  	[dreg:$0x0] =	wrdreg $0x60  }
0xaf: {  	[dreg:$0x2] =	wrdreg s2  }
0xb0: {  	[dreg:$0x3] =	wrdreg s18  }
0xb1: {  	[dreg:$0x4] =	wrdreg s24  }
0xb2: {  	[dreg:$0x5] =	wrdreg $0x9  }
0xb3: {  	_ =	task.clear_ibuf [dreg:s8], $0x6FFFF;
	_ =	strace $0x90000046  }
0xb4: {  	s29 =	simm.s32 $0x9;
	_ =	strace $0x80000048  }
0xb5: {  	_ =	swait.ge [sflag:s29], $0x1  }
0xb6: {  	[sflag:s29] =	ssyncadd.s32 $0xFFFFFFFF  }
0xb7: {  	_ =	strace $0x90000048  }
0xb8: {  	_ =	sfence  }
0xb9: {  	s30 =	sld [smem:$0x0];
	_ =	sdelay $0x2  }
0xba: {  	s31 =	sshll.u32 s1, $0xD;
	s1 =	sshrl.u32 s1, $0x2  }
0xbb: {  	s3 =	sand.u32 $0x4000, s31;
	s1 =	sadd.s32 s1, s30  }
0xbc: {  	s0 =	sor.u32 s3, s0;
	s1 =	sshll.u32 s1, $0x11  }
0xbd: {  	s0 =	sor.u32 s1, s0  }
0xbe: {  	s0 =	sadd.s32 $0x8F2B, s0  }
0xbf: {  	[sflag:s0] =	ssyncadd.remote.s32 $0x1  }
0xc0: {  	_ =	sfence.sel $0xFFFF  }
0xc1: {  	[dreg:$0x0] =	wrdreg $0xFFFFFFFF;
	(pc) =	sbr.abs _section_cstart, $3  }
0xc2: {  	[dreg:$0x1] =	wrdreg $0xFFFFFFFF  }
0xc3: {  	_ =	task.clear_ibuf [dreg:s8], $0x2FFFF;
	_ =	strace $0x9FFFFFFF  }
0xc4: {  	(tm) =	ssettm $0x7FFFFFFF  }
0xc5: {  	_ =	shalt  }
tec
execute0_lowered:
.L_overlay_start_1:
0x0: {  	(tag) =	ssettag $0x1  }
0x1: {  	s1 =	rddreg [dreg:$0x0]  }
0x2: {  	s2 =	rddreg [dreg:$0x1]  }
0x3: {  	s0 =	rddreg [dreg:$0x2];
	s3 =	srdreg.scid;
	s4 =	simm.s32 $0x0  }
0x4: {  	s5 =	stileid.u32;
	s15 =	simm.s32 $0x1;
	s16 =	simm.s32 $0x80  }
0x5: {  	s17 =	simm.s32 $0x100;
	s18 =	simm.s32 $0x200;
	s19 =	simm.s32 $0x2  }
0x6: {  	s20 =	simm.s32 $0x180;
	s21 =	simm.s32 $0x4200;
	s22 =	simm.s32 $0x3  }
0x7: {  	s23 =	simm.s32 $0x8200;
	s24 =	simm.s32 $0x4;
	s25 =	simm.s32 $0xC200  }
0x8: {  	s26 =	simm.s32 $0x5;
	s28 =	simm.s32 $0x6;
	s29 =	simm.s32 $0x0  }
0x9: {  	s3 =	sand.u32 $0x1, s3;
	[smem:$0x7FF] =	sst s4;
	s5 =	sshll.u32 s5, $0x12  }
0xa: {  	s6 =	sshll.u32 s3, $0x11;
	_ =	strace $0x80000047;
	s3 =	ssub.s32 $0x2, s3  }
0xb: {  	s5 =	sor.u32 s6, s5;
	s6 =	sadd.s32 $0x400, s0;
	s30 =	sshrl.u32 s3, $0x1  }
0xc: {  	s7 =	sshrl.u32 s5, $0x3;
	s0 =	ssub.s32 s3, s30;
	s31 =	sshll.u32 s5, $0x4  }
0xd: {  	s9 =	sor.u32 $0x100, s5;
	s11 =	sor.u32 $0x180, s5;
	s7 =	sadd.s32 s1, s7  }
0xe: {  	s10 =	sadd.s32 s6, s31;
	s14 =	smax.u32 s0, $0x1;
	s8 =	sadd.s32 $0x10, s7  }
0xf: {  	s12 =	sadd.s32 $0x1FF000, s10;
	s13 =	sadd.s32 $0x1FF800, s10;
	[dreg:$0x4] =	wrdreg s8  }
.LBB2_1:
0x10: {  	[tilespmem:s4], [sflag:$0x1] =	stream.linear.gather [hbm4b:s7+s4], $0x80, $0x38;
	[tilespmem:$0x10200] =	vst v63  }
0x11: {  	_ =	swait.ge [sflag:s15], $0x80  }
0x12: {  	[sflag:s15] =	ssyncset.done $0x0  }
0x13: {  	[sflag:s15] =	ssyncadd.s32 $0xFFFFFF80  }
0x14: {  	v0 =	vld [tilespmem:$0x0]  }
0x15: {  	v1 =	vld [tilespmem:$0x10]  }
0x16: {  	v2 =	vld [tilespmem:$0x20]  }
0x17: {  	v3 =	vld [tilespmem:$0x30]  }
0x18: {  	v4 =	vld [tilespmem:$0x40]  }
0x19: {  	v5 =	vld [tilespmem:$0x50]  }
0x1a: {  	v6 =	vld [tilespmem:$0x60]  }
0x1b: {  	v7 =	vld [tilespmem:$0x70];
	_ =	sdelay $0x1  }
0x1c: {  	vm0 =	vgt.s32 v0, $0xFFFFFC00  }
0x1d: {  	vm1 =	vgt.s32 v1, $0xFFFFFC00;
	vm5 =	vgt.s32 v2, $0xFFFFFC00;
	vm6 =	vgt.s32 v3, $0xFFFFFC00  }
0x1e: {  	vm8 =	vgt.s32 v4, $0xFFFFFC00;
	vm9 =	vgt.s32 v5, $0xFFFFFC00;
	vm12 =	vgt.s32 v6, $0xFFFFFC00  }
0x1f: {  	vm13 =	vgt.s32 v7, $0xFFFFFC00;
	v0 =	vnsel vm0, $0xFFFFFC00, v0;
	v1 =	vnsel vm1, $0xFFFFFC00, v1  }
0x20: {  	v2 =	vnsel vm5, $0xFFFFFC00, v2;
	v3 =	vnsel vm6, $0xFFFFFC00, v3;
	v4 =	vnsel vm8, $0xFFFFFC00, v4  }
0x21: {  	v5 =	vnsel vm9, $0xFFFFFC00, v5;
	v57 =	vnsel vm12, $0xFFFFFC00, v6;
	vm0 =	vlt.s32 v0, $0x400  }
0x22: {  	v59 =	vnsel vm13, $0xFFFFFC00, v7;
	vm1 =	vlt.s32 v1, $0x400;
	v0 =	vnsel vm0, $0x400, v0  }
0x23: {  	vm7 =	vlt.s32 v2, $0x400;
	v1 =	vnsel vm1, $0x400, v1;
	v0 =	vadd.s32 $0x400, v0  }
0x24: {  	vm10 =	vlt.s32 v4, $0x400;
	v2 =	vnsel vm7, $0x400, v2;
	v52 =	vadd.s32 $0x400, v1;
	[tilespmem:$0x100] =	vst v0  }
0x25: {  	vm11 =	vlt.s32 v5, $0x400;
	v53 =	vnsel vm10, $0x400, v4;
	v54 =	vadd.s32 $0x400, v2;
	[tilespmem:$0x110] =	vst v52  }
0x26: {  	vm14 =	vlt.s32 v57, $0x400;
	v55 =	vnsel vm11, $0x400, v5;
	v58 =	vadd.s32 $0x400, v53;
	[tilespmem:$0x120] =	vst v54  }
0x27: {  	vm0 =	vlt.s32 v3, $0x400;
	v61 =	vnsel vm14, $0x400, v57;
	v60 =	vadd.s32 $0x400, v55;
	[tilespmem:$0x140] =	vst v58  }
0x28: {  	vm15 =	vlt.s32 v59, $0x400;
	v3 =	vnsel vm0, $0x400, v3;
	v63 =	vadd.s32 $0x400, v61;
	[tilespmem:$0x150] =	vst v60  }
0x29: {  	v62 =	vnsel vm15, $0x400, v59;
	v56 =	vadd.s32 $0x400, v3;
	[tilespmem:$0x160] =	vst v63  }
0x2a: {  	v0 =	vadd.s32 $0x400, v62;
	[tilespmem:$0x130] =	vst v56  }
0x2b: {  	[tilespmem:$0x170] =	vst v0  }
0x2c: {  	[tilespmem:s18], [sflag:$0x3] =	stream.indirect.gather [hbm4b:s2+s16], $0x80, s17, s16, $0xb8;
	[tilespmem:$0x10200] =	vst v63  }
0x2d: {  	s30 =	simm.s32 $0x0;
	s0 =	rddreg [dreg:$0x4]  }
0x2e: {  	[tilespmem:s16], [sflag:$0x2] =	stream.linear.gather [hbm4b:s0+s4], $0x80, $0x38;
	[tilespmem:$0x10200] =	vst v63  }
.LBB2_2:
0x2f: {  	_ =	swait.ge [sflag:s19], $0x80  }
0x30: {  	[sflag:s19] =	ssyncset.done $0x0  }
0x31: {  	[sflag:s19] =	ssyncadd.s32 $0xFFFFFF80  }
0x32: {  	v0 =	vld [tilespmem:$0x80]  }
0x33: {  	v1 =	vld [tilespmem:$0x90]  }
0x34: {  	v2 =	vld [tilespmem:$0xA0]  }
0x35: {  	v3 =	vld [tilespmem:$0xB0]  }
0x36: {  	v4 =	vld [tilespmem:$0xC0]  }
0x37: {  	v5 =	vld [tilespmem:$0xD0]  }
0x38: {  	v6 =	vld [tilespmem:$0xE0]  }
0x39: {  	v7 =	vld [tilespmem:$0xF0];
	_ =	sdelay $0x1  }
0x3a: {  	vm0 =	vgt.s32 v0, $0xFFFFFC00  }
0x3b: {  	vm1 =	vgt.s32 v1, $0xFFFFFC00;
	vm5 =	vgt.s32 v2, $0xFFFFFC00;
	vm6 =	vgt.s32 v3, $0xFFFFFC00  }
0x3c: {  	vm8 =	vgt.s32 v4, $0xFFFFFC00;
	vm9 =	vgt.s32 v5, $0xFFFFFC00;
	vm12 =	vgt.s32 v6, $0xFFFFFC00  }
0x3d: {  	vm13 =	vgt.s32 v7, $0xFFFFFC00;
	v0 =	vnsel vm0, $0xFFFFFC00, v0;
	v1 =	vnsel vm1, $0xFFFFFC00, v1  }
0x3e: {  	v2 =	vnsel vm5, $0xFFFFFC00, v2;
	v3 =	vnsel vm6, $0xFFFFFC00, v3;
	v4 =	vnsel vm8, $0xFFFFFC00, v4  }
0x3f: {  	v5 =	vnsel vm9, $0xFFFFFC00, v5;
	vm0 =	vlt.s32 v0, $0x400;
	vm1 =	vlt.s32 v1, $0x400  }
0x40: {  	vm7 =	vlt.s32 v2, $0x400;
	vm10 =	vlt.s32 v4, $0x400;
	v0 =	vnsel vm0, $0x400, v0  }
0x41: {  	vm11 =	vlt.s32 v5, $0x400;
	v1 =	vnsel vm1, $0x400, v1;
	v0 =	vadd.s32 $0x400, v0  }
0x42: {  	v2 =	vnsel vm7, $0x400, v2;
	vm0 =	vlt.s32 v3, $0x400;
	[tilespmem:$0x180] =	vst v0;
	v0 =	vadd.s32 $0x400, v1  }
0x43: {  	v3 =	vnsel vm0, $0x400, v3;
	v1 =	vnsel vm10, $0x400, v4;
	[tilespmem:$0x190] =	vst v0;
	v0 =	vadd.s32 $0x400, v2  }
0x44: {  	v2 =	vnsel vm11, $0x400, v5;
	[tilespmem:$0x1A0] =	vst v0;
	v0 =	vadd.s32 $0x400, v3;
	v3 =	vnsel vm12, $0xFFFFFC00, v6  }
0x45: {  	[tilespmem:$0x1B0] =	vst v0;
	v0 =	vadd.s32 $0x400, v1;
	v1 =	vnsel vm13, $0xFFFFFC00, v7;
	vm14 =	vlt.s32 v3, $0x400  }
0x46: {  	[tilespmem:$0x1C0] =	vst v0;
	v0 =	vadd.s32 $0x400, v2;
	v2 =	vnsel vm14, $0x400, v3;
	vm15 =	vlt.s32 v1, $0x400  }
0x47: {  	s31 =	sshll.u32 s30, $0x8;
	[tilespmem:$0x1D0] =	vst v0;
	v0 =	vadd.s32 $0x400, v2;
	v1 =	vnsel vm15, $0x400, v1  }
0x48: {  	s0 =	sadd.s32 s31, s9;
	[tilespmem:$0x1E0] =	vst v0;
	v0 =	vadd.s32 $0x400, v1  }
0x49: {  	s0 =	sshrl.u32 s0, $0x3;
	[tilespmem:$0x1F0] =	vst v0  }
0x4a: {  	[tilespmem:s21], [sflag:$0x4] =	stream.indirect.gather [hbm4b:s2+s16], $0x80, s20, s16, $0xb8;
	[tilespmem:$0x10200] =	vst v63  }
0x4b: {  	s0 =	sadd.s32 s1, s0  }
0x4c: {  	[tilespmem:s4], [sflag:$0x1] =	stream.linear.gather [hbm4b:s0+s4], $0x80, $0x38;
	[tilespmem:$0x10200] =	vst v63  }
0x4d: {  	_ =	swait.ge [sflag:s22], $0x4000  }
0x4e: {  	p0 =	seq.s32 s30, $0x0;
	[sflag:s22] =	ssyncset.done $0x0  }
0x4f: {  	s0 =	simm.s32 @!p0 $0x5;
	[sflag:s22] =	ssyncadd.s32 $0xFFFFC000  }
0x50: {  	_ =	swait.ge @!p0 [sflag:s0], $0x4000  }
0x51: {  	[sflag:s0] =	ssyncset.done @!p0 $0x0  }
0x52: {  	[sflag:s0] =	ssyncadd.s32 @!p0 $0xFFFFC000;
	s0 =	simm.s32 $0x0  }
0x53: {  	v0 =	vld [tilespmem:s0+$0x3B0]  }
0x54: {  	v1 =	vld [tilespmem:s0+$0x200]  }
0x55: {  	v2 =	vld [tilespmem:s0+$0x210]  }
0x56: {  	v3 =	vld [tilespmem:s0+$0x220]  }
0x57: {  	v4 =	vld [tilespmem:s0+$0x230]  }
0x58: {  	v5 =	vld [tilespmem:s0+$0x280];
	[tilespmem:s0+$0x83B0] =	vst v0  }
0x59: {  	[tilespmem:s0+$0x8200] =	vst v1;
	v0 =	vld [tilespmem:s0+$0x290]  }
0x5a: {  	[tilespmem:s0+$0x8210] =	vst v2;
	v1 =	vld [tilespmem:s0+$0x2A0]  }
0x5b: {  	[tilespmem:s0+$0x8220] =	vst v3;
	v2 =	vld [tilespmem:s0+$0x2B0]  }
0x5c: {  	[tilespmem:s0+$0x8230] =	vst v4;
	v3 =	vld [tilespmem:s0+$0x300]  }
0x5d: {  	[tilespmem:s0+$0x8280] =	vst v5;
	v4 =	vld [tilespmem:s0+$0x310]  }
0x5e: {  	[tilespmem:s0+$0x8290] =	vst v0;
	v0 =	vld [tilespmem:s0+$0x320]  }
0x5f: {  	[tilespmem:s0+$0x82A0] =	vst v1;
	v1 =	vld [tilespmem:s0+$0x330]  }
0x60: {  	[tilespmem:s0+$0x82B0] =	vst v2;
	v2 =	vld [tilespmem:s0+$0x380]  }
0x61: {  	[tilespmem:s0+$0x8300] =	vst v3;
	v3 =	vld [tilespmem:s0+$0x390]  }
0x62: {  	s3 =	simm.s32 $0x200;
	s8 =	simm.s32 $0x1000;
	[tilespmem:s0+$0x8310] =	vst v4;
	v4 =	vld [tilespmem:s0+$0x3A0]  }
.LBB2_3:
0x63: {  	p1 =	sne.s32 s8, $0xF800;
	v5 =	vld [tilespmem:s3+$0x3B0];
	[tilespmem:s0+$0x8320] =	vst v0  }
0x64: {  	v0 =	vld [tilespmem:s3+$0x200];
	[tilespmem:s0+$0x8330] =	vst v1  }
0x65: {  	v1 =	vld [tilespmem:s3+$0x210];
	[tilespmem:s0+$0x8380] =	vst v2  }
0x66: {  	v2 =	vld [tilespmem:s3+$0x220];
	[tilespmem:s0+$0x8390] =	vst v3  }
0x67: {  	v3 =	vld [tilespmem:s3+$0x230];
	[tilespmem:s0+$0x83A0] =	vst v4;
	s0 =	smov.u32 s3  }
0x68: {  	v4 =	vld [tilespmem:s0+$0x280];
	[tilespmem:s0+$0x83B0] =	vst v5  }
0x69: {  	[tilespmem:s0+$0x8200] =	vst v0;
	v0 =	vld [tilespmem:s0+$0x290]  }
0x6a: {  	[tilespmem:s0+$0x8210] =	vst v1;
	v1 =	vld [tilespmem:s0+$0x2A0]  }
0x6b: {  	[tilespmem:s0+$0x8220] =	vst v2;
	v2 =	vld [tilespmem:s0+$0x2B0]  }
0x6c: {  	[tilespmem:s0+$0x8230] =	vst v3;
	v3 =	vld [tilespmem:s0+$0x300]  }
0x6d: {  	[tilespmem:s0+$0x8280] =	vst v4;
	v4 =	vld [tilespmem:s0+$0x310]  }
.Ltmp0:
0x6e: {  	[tilespmem:s0+$0x8290] =	vst v0;
	v0 =	vld [tilespmem:s0+$0x320];
	(pc) =	sbr.rel @p1 .LBB2_3-.Ltmp0, $4  }
0x6f: {  	[tilespmem:s0+$0x82A0] =	vst v1;
	v1 =	vld [tilespmem:s0+$0x330]  }
0x70: {  	[tilespmem:s0+$0x82B0] =	vst v2;
	v2 =	vld [tilespmem:s0+$0x380]  }
0x71: {  	[tilespmem:s0+$0x8300] =	vst v3;
	v3 =	vld [tilespmem:s0+$0x390]  }
0x72: {  	s3 =	sshra.s32 s8, $0x2;
	s8 =	sadd.s32 $0x800, s8;
	[tilespmem:s0+$0x8310] =	vst v4;
	v4 =	vld [tilespmem:s0+$0x3A0]  }
0x73: {  	v5 =	vld [tilespmem:s3+$0x3B0];
	[tilespmem:s0+$0x8320] =	vst v0  }
0x74: {  	v0 =	vld [tilespmem:s3+$0x200];
	[tilespmem:s0+$0x8330] =	vst v1  }
0x75: {  	v1 =	vld [tilespmem:s3+$0x210];
	[tilespmem:s0+$0x8380] =	vst v2  }
0x76: {  	v2 =	vld [tilespmem:s3+$0x220];
	[tilespmem:s0+$0x8390] =	vst v3  }
0x77: {  	v3 =	vld [tilespmem:s3+$0x230];
	[tilespmem:s0+$0x83A0] =	vst v4  }
0x78: {  	v4 =	vld [tilespmem:s3+$0x280];
	[tilespmem:s3+$0x83B0] =	vst v5  }
0x79: {  	[tilespmem:s3+$0x8200] =	vst v0;
	v0 =	vld [tilespmem:s3+$0x290]  }
0x7a: {  	[tilespmem:s3+$0x8210] =	vst v1;
	v1 =	vld [tilespmem:s3+$0x2A0]  }
0x7b: {  	[tilespmem:s3+$0x8220] =	vst v2;
	v2 =	vld [tilespmem:s3+$0x2B0]  }
0x7c: {  	[tilespmem:s3+$0x8230] =	vst v3;
	v3 =	vld [tilespmem:s3+$0x300]  }
0x7d: {  	[tilespmem:s3+$0x8280] =	vst v4;
	v4 =	vld [tilespmem:s3+$0x310]  }
0x7e: {  	[tilespmem:s3+$0x8290] =	vst v0;
	v0 =	vld [tilespmem:s3+$0x320]  }
0x7f: {  	[tilespmem:s3+$0x82A0] =	vst v1;
	v1 =	vld [tilespmem:s3+$0x330]  }
0x80: {  	[tilespmem:s3+$0x82B0] =	vst v2;
	v2 =	vld [tilespmem:s3+$0x380]  }
0x81: {  	[tilespmem:s3+$0x8300] =	vst v3;
	v3 =	vld [tilespmem:s3+$0x390]  }
0x82: {  	[tilespmem:s3+$0x8310] =	vst v4;
	v4 =	vld [tilespmem:s3+$0x3A0]  }
0x83: {  	[tilespmem:s3+$0x8320] =	vst v0  }
0x84: {  	[tilespmem:s3+$0x8330] =	vst v1  }
0x85: {  	[tilespmem:s3+$0x8380] =	vst v2  }
0x86: {  	s8 =	sshll.u32 s30, $0xC;
	[tilespmem:s3+$0x8390] =	vst v3  }
0x87: {  	s0 =	sadd.s32 s8, s10;
	[tilespmem:s3+$0x83A0] =	vst v4  }
0x88: {  	[hbm4b:s0+s4] =	stream.linear.scatter [tilespmem:s23], [sflag:$0x5], $0x4000, $0x38;
	[tilespmem:$0x10200] =	vst v63  }
0x89: {  	_ =	swait.ge [sflag:s15], $0x80  }
0x8a: {  	[sflag:s15] =	ssyncset.done $0x0  }
0x8b: {  	[sflag:s15] =	ssyncadd.s32 $0xFFFFFF80  }
0x8c: {  	v0 =	vld [tilespmem:$0x0]  }
0x8d: {  	v1 =	vld [tilespmem:$0x10]  }
0x8e: {  	v2 =	vld [tilespmem:$0x20]  }
0x8f: {  	v3 =	vld [tilespmem:$0x30]  }
0x90: {  	v4 =	vld [tilespmem:$0x40]  }
0x91: {  	v5 =	vld [tilespmem:$0x50]  }
0x92: {  	v6 =	vld [tilespmem:$0x60]  }
0x93: {  	v7 =	vld [tilespmem:$0x70];
	_ =	sdelay $0x1  }
0x94: {  	vm0 =	vgt.s32 v0, $0xFFFFFC00  }
0x95: {  	vm1 =	vgt.s32 v1, $0xFFFFFC00;
	vm5 =	vgt.s32 v2, $0xFFFFFC00;
	vm6 =	vgt.s32 v3, $0xFFFFFC00  }
0x96: {  	vm8 =	vgt.s32 v4, $0xFFFFFC00;
	vm9 =	vgt.s32 v5, $0xFFFFFC00;
	vm12 =	vgt.s32 v6, $0xFFFFFC00  }
0x97: {  	vm13 =	vgt.s32 v7, $0xFFFFFC00;
	v0 =	vnsel vm0, $0xFFFFFC00, v0;
	v1 =	vnsel vm1, $0xFFFFFC00, v1  }
0x98: {  	v2 =	vnsel vm5, $0xFFFFFC00, v2;
	v3 =	vnsel vm6, $0xFFFFFC00, v3;
	v4 =	vnsel vm8, $0xFFFFFC00, v4  }
0x99: {  	v5 =	vnsel vm9, $0xFFFFFC00, v5;
	vm0 =	vlt.s32 v0, $0x400;
	vm1 =	vlt.s32 v1, $0x400  }
0x9a: {  	vm7 =	vlt.s32 v2, $0x400;
	vm10 =	vlt.s32 v4, $0x400;
	v0 =	vnsel vm0, $0x400, v0  }
0x9b: {  	vm11 =	vlt.s32 v5, $0x400;
	v1 =	vnsel vm1, $0x400, v1;
	v0 =	vadd.s32 $0x400, v0  }
0x9c: {  	v2 =	vnsel vm7, $0x400, v2;
	vm0 =	vlt.s32 v3, $0x400;
	[tilespmem:$0x100] =	vst v0;
	v0 =	vadd.s32 $0x400, v1  }
0x9d: {  	v3 =	vnsel vm0, $0x400, v3;
	v1 =	vnsel vm10, $0x400, v4;
	[tilespmem:$0x110] =	vst v0;
	v0 =	vadd.s32 $0x400, v2  }
0x9e: {  	v2 =	vnsel vm11, $0x400, v5;
	[tilespmem:$0x120] =	vst v0;
	v0 =	vadd.s32 $0x400, v3;
	v3 =	vnsel vm12, $0xFFFFFC00, v6  }
0x9f: {  	[tilespmem:$0x130] =	vst v0;
	v0 =	vadd.s32 $0x400, v1;
	v1 =	vnsel vm13, $0xFFFFFC00, v7;
	vm14 =	vlt.s32 v3, $0x400  }
0xa0: {  	[tilespmem:$0x140] =	vst v0;
	v0 =	vadd.s32 $0x400, v2;
	v2 =	vnsel vm14, $0x400, v3;
	vm15 =	vlt.s32 v1, $0x400  }
0xa1: {  	[tilespmem:$0x150] =	vst v0;
	v0 =	vadd.s32 $0x400, v2;
	v1 =	vnsel vm15, $0x400, v1  }
0xa2: {  	s8 =	sadd.s32 s31, s11;
	[tilespmem:$0x160] =	vst v0;
	v0 =	vadd.s32 $0x400, v1  }
0xa3: {  	s0 =	sshrl.u32 s8, $0x3;
	[tilespmem:$0x170] =	vst v0  }
0xa4: {  	[tilespmem:s18], [sflag:$0x3] =	stream.indirect.gather [hbm4b:s2+s16], $0x80, s17, s16, $0xb8;
	[tilespmem:$0x10200] =	vst v63  }
0xa5: {  	s0 =	sadd.s32 s1, s0  }
0xa6: {  	[tilespmem:s16], [sflag:$0x2] =	stream.linear.gather [hbm4b:s0+s4], $0x80, $0x38;
	[tilespmem:$0x10200] =	vst v63  }
0xa7: {  	_ =	swait.ge [sflag:s24], $0x4000  }
0xa8: {  	[sflag:s24] =	ssyncset.done $0x0  }
0xa9: {  	s0 =	simm.s32 @!p0 $0x6;
	[sflag:s24] =	ssyncadd.s32 $0xFFFFC000  }
0xaa: {  	_ =	swait.ge @!p0 [sflag:s0], $0x4000  }
0xab: {  	[sflag:s0] =	ssyncset.done @!p0 $0x0  }
0xac: {  	[sflag:s0] =	ssyncadd.s32 @!p0 $0xFFFFC000;
	s0 =	simm.s32 $0x0  }
0xad: {  	v0 =	vld [tilespmem:s0+$0x43B0]  }
0xae: {  	v1 =	vld [tilespmem:s0+$0x4200]  }
0xaf: {  	v2 =	vld [tilespmem:s0+$0x4210]  }
0xb0: {  	v3 =	vld [tilespmem:s0+$0x4220]  }
0xb1: {  	v4 =	vld [tilespmem:s0+$0x4230]  }
0xb2: {  	v5 =	vld [tilespmem:s0+$0x4280];
	[tilespmem:s0+$0xC3B0] =	vst v0  }
0xb3: {  	[tilespmem:s0+$0xC200] =	vst v1;
	v0 =	vld [tilespmem:s0+$0x4290]  }
0xb4: {  	[tilespmem:s0+$0xC210] =	vst v2;
	v1 =	vld [tilespmem:s0+$0x42A0]  }
0xb5: {  	[tilespmem:s0+$0xC220] =	vst v3;
	v2 =	vld [tilespmem:s0+$0x42B0]  }
0xb6: {  	[tilespmem:s0+$0xC230] =	vst v4;
	v3 =	vld [tilespmem:s0+$0x4300]  }
0xb7: {  	[tilespmem:s0+$0xC280] =	vst v5;
	v4 =	vld [tilespmem:s0+$0x4310]  }
0xb8: {  	[tilespmem:s0+$0xC290] =	vst v0;
	v0 =	vld [tilespmem:s0+$0x4320]  }
0xb9: {  	[tilespmem:s0+$0xC2A0] =	vst v1;
	v1 =	vld [tilespmem:s0+$0x4330]  }
0xba: {  	[tilespmem:s0+$0xC2B0] =	vst v2;
	v2 =	vld [tilespmem:s0+$0x4380]  }
0xbb: {  	[tilespmem:s0+$0xC300] =	vst v3;
	v3 =	vld [tilespmem:s0+$0x4390]  }
0xbc: {  	s3 =	simm.s32 $0x200;
	s8 =	simm.s32 $0x1000;
	[tilespmem:s0+$0xC310] =	vst v4;
	v4 =	vld [tilespmem:s0+$0x43A0]  }
.LBB2_5:
0xbd: {  	p0 =	sne.s32 s8, $0xF800;
	v5 =	vld [tilespmem:s3+$0x43B0];
	[tilespmem:s0+$0xC320] =	vst v0  }
0xbe: {  	v0 =	vld [tilespmem:s3+$0x4200];
	[tilespmem:s0+$0xC330] =	vst v1  }
0xbf: {  	v1 =	vld [tilespmem:s3+$0x4210];
	[tilespmem:s0+$0xC380] =	vst v2  }
0xc0: {  	v2 =	vld [tilespmem:s3+$0x4220];
	[tilespmem:s0+$0xC390] =	vst v3  }
0xc1: {  	v3 =	vld [tilespmem:s3+$0x4230];
	[tilespmem:s0+$0xC3A0] =	vst v4;
	s0 =	smov.u32 s3  }
0xc2: {  	v4 =	vld [tilespmem:s0+$0x4280];
	[tilespmem:s0+$0xC3B0] =	vst v5  }
0xc3: {  	[tilespmem:s0+$0xC200] =	vst v0;
	v0 =	vld [tilespmem:s0+$0x4290]  }
0xc4: {  	[tilespmem:s0+$0xC210] =	vst v1;
	v1 =	vld [tilespmem:s0+$0x42A0]  }
0xc5: {  	[tilespmem:s0+$0xC220] =	vst v2;
	v2 =	vld [tilespmem:s0+$0x42B0]  }
0xc6: {  	[tilespmem:s0+$0xC230] =	vst v3;
	v3 =	vld [tilespmem:s0+$0x4300]  }
0xc7: {  	[tilespmem:s0+$0xC280] =	vst v4;
	v4 =	vld [tilespmem:s0+$0x4310]  }
.Ltmp1:
0xc8: {  	[tilespmem:s0+$0xC290] =	vst v0;
	v0 =	vld [tilespmem:s0+$0x4320];
	(pc) =	sbr.rel @p0 .LBB2_5-.Ltmp1, $4  }
0xc9: {  	[tilespmem:s0+$0xC2A0] =	vst v1;
	v1 =	vld [tilespmem:s0+$0x4330]  }
0xca: {  	[tilespmem:s0+$0xC2B0] =	vst v2;
	v2 =	vld [tilespmem:s0+$0x4380]  }
0xcb: {  	[tilespmem:s0+$0xC300] =	vst v3;
	v3 =	vld [tilespmem:s0+$0x4390]  }
0xcc: {  	s3 =	sshra.s32 s8, $0x2;
	s8 =	sadd.s32 $0x800, s8;
	[tilespmem:s0+$0xC310] =	vst v4;
	v4 =	vld [tilespmem:s0+$0x43A0]  }
0xcd: {  	v5 =	vld [tilespmem:s3+$0x43B0];
	[tilespmem:s0+$0xC320] =	vst v0  }
0xce: {  	v0 =	vld [tilespmem:s3+$0x4200];
	[tilespmem:s0+$0xC330] =	vst v1  }
0xcf: {  	v1 =	vld [tilespmem:s3+$0x4210];
	[tilespmem:s0+$0xC380] =	vst v2  }
0xd0: {  	v2 =	vld [tilespmem:s3+$0x4220];
	[tilespmem:s0+$0xC390] =	vst v3  }
0xd1: {  	v3 =	vld [tilespmem:s3+$0x4230];
	[tilespmem:s0+$0xC3A0] =	vst v4  }
0xd2: {  	v4 =	vld [tilespmem:s3+$0x4280];
	[tilespmem:s3+$0xC3B0] =	vst v5  }
0xd3: {  	v54 =	vld [tilespmem:s3+$0x4290];
	[tilespmem:s3+$0xC200] =	vst v0  }
0xd4: {  	v55 =	vld [tilespmem:s3+$0x42A0];
	[tilespmem:s3+$0xC210] =	vst v1  }
0xd5: {  	v56 =	vld [tilespmem:s3+$0x42B0];
	[tilespmem:s3+$0xC220] =	vst v2  }
0xd6: {  	v57 =	vld [tilespmem:s3+$0x4300];
	[tilespmem:s3+$0xC230] =	vst v3  }
0xd7: {  	v58 =	vld [tilespmem:s3+$0x4310];
	[tilespmem:s3+$0xC280] =	vst v4  }
0xd8: {  	v59 =	vld [tilespmem:s3+$0x4320];
	[tilespmem:s3+$0xC290] =	vst v54  }
0xd9: {  	v60 =	vld [tilespmem:s3+$0x4330];
	[tilespmem:s3+$0xC2A0] =	vst v55  }
0xda: {  	v61 =	vld [tilespmem:s3+$0x4380];
	[tilespmem:s3+$0xC2B0] =	vst v56  }
0xdb: {  	v62 =	vld [tilespmem:s3+$0x4390];
	[tilespmem:s3+$0xC300] =	vst v57  }
0xdc: {  	s30 =	sadd.s32 $0x1, s30;
	v63 =	vld [tilespmem:s3+$0x43A0];
	[tilespmem:s3+$0xC310] =	vst v58  }
0xdd: {  	p0 =	sne.s32 s30, $0x1FF;
	[tilespmem:s3+$0xC320] =	vst v59  }
.Ltmp2:
0xde: {  	s31 =	sadd.s32 s31, s5;
	[tilespmem:s3+$0xC330] =	vst v60;
	(pc) =	sbr.rel @p0 .LBB2_2-.Ltmp2, $4  }
0xdf: {  	s0 =	sshll.u32 s31, $0x4;
	[tilespmem:s3+$0xC380] =	vst v61  }
0xe0: {  	s0 =	sadd.s32 s6, s0;
	[tilespmem:s3+$0xC390] =	vst v62  }
0xe1: {  	s0 =	sadd.s32 $0x800, s0;
	[tilespmem:s3+$0xC3A0] =	vst v63  }
0xe2: {  	[hbm4b:s0+s4] =	stream.linear.scatter [tilespmem:s25], [sflag:$0x6], $0x4000, $0x38;
	[tilespmem:$0x10200] =	vst v63  }
0xe3: {  	_ =	swait.ge [sflag:s19], $0x80  }
0xe4: {  	[sflag:s19] =	ssyncset.done $0x0  }
0xe5: {  	[sflag:s19] =	ssyncadd.s32 $0xFFFFFF80  }
0xe6: {  	v0 =	vld [tilespmem:$0x80]  }
0xe7: {  	v1 =	vld [tilespmem:$0x90]  }
0xe8: {  	v2 =	vld [tilespmem:$0xA0]  }
0xe9: {  	v3 =	vld [tilespmem:$0xB0]  }
0xea: {  	v4 =	vld [tilespmem:$0xC0]  }
0xeb: {  	v5 =	vld [tilespmem:$0xD0]  }
0xec: {  	v6 =	vld [tilespmem:$0xE0]  }
0xed: {  	v7 =	vld [tilespmem:$0xF0];
	_ =	sdelay $0x1  }
0xee: {  	vm0 =	vgt.s32 v0, $0xFFFFFC00  }
0xef: {  	vm1 =	vgt.s32 v1, $0xFFFFFC00;
	vm5 =	vgt.s32 v2, $0xFFFFFC00;
	vm6 =	vgt.s32 v3, $0xFFFFFC00  }
0xf0: {  	vm8 =	vgt.s32 v4, $0xFFFFFC00;
	vm9 =	vgt.s32 v5, $0xFFFFFC00;
	vm12 =	vgt.s32 v6, $0xFFFFFC00  }
0xf1: {  	vm13 =	vgt.s32 v7, $0xFFFFFC00;
	v0 =	vnsel vm0, $0xFFFFFC00, v0;
	v1 =	vnsel vm1, $0xFFFFFC00, v1  }
0xf2: {  	v2 =	vnsel vm5, $0xFFFFFC00, v2;
	v3 =	vnsel vm6, $0xFFFFFC00, v3;
	v4 =	vnsel vm8, $0xFFFFFC00, v4  }
0xf3: {  	v5 =	vnsel vm9, $0xFFFFFC00, v5;
	vm0 =	vlt.s32 v0, $0x400;
	vm1 =	vlt.s32 v1, $0x400  }
0xf4: {  	vm7 =	vlt.s32 v2, $0x400;
	vm10 =	vlt.s32 v4, $0x400;
	v0 =	vnsel vm0, $0x400, v0  }
0xf5: {  	vm11 =	vlt.s32 v5, $0x400;
	v1 =	vnsel vm1, $0x400, v1;
	v0 =	vadd.s32 $0x400, v0  }
0xf6: {  	v2 =	vnsel vm7, $0x400, v2;
	vm0 =	vlt.s32 v3, $0x400;
	[tilespmem:$0x180] =	vst v0;
	v0 =	vadd.s32 $0x400, v1  }
0xf7: {  	v3 =	vnsel vm0, $0x400, v3;
	v1 =	vnsel vm10, $0x400, v4;
	[tilespmem:$0x190] =	vst v0;
	v0 =	vadd.s32 $0x400, v2  }
0xf8: {  	v2 =	vnsel vm11, $0x400, v5;
	[tilespmem:$0x1A0] =	vst v0;
	v0 =	vadd.s32 $0x400, v3;
	v3 =	vnsel vm12, $0xFFFFFC00, v6  }
0xf9: {  	[tilespmem:$0x1B0] =	vst v0;
	v0 =	vadd.s32 $0x400, v1;
	v1 =	vnsel vm13, $0xFFFFFC00, v7;
	vm14 =	vlt.s32 v3, $0x400  }
0xfa: {  	[tilespmem:$0x1C0] =	vst v0;
	v0 =	vadd.s32 $0x400, v2;
	v2 =	vnsel vm14, $0x400, v3;
	vm15 =	vlt.s32 v1, $0x400  }
0xfb: {  	[tilespmem:$0x1D0] =	vst v0;
	v0 =	vadd.s32 $0x400, v2;
	v1 =	vnsel vm15, $0x400, v1  }
0xfc: {  	[tilespmem:$0x1E0] =	vst v0;
	v0 =	vadd.s32 $0x400, v1  }
0xfd: {  	[tilespmem:$0x1F0] =	vst v0  }
0xfe: {  	[tilespmem:s21], [sflag:$0x4] =	stream.indirect.gather [hbm4b:s2+s16], $0x80, s20, s16, $0xb8;
	[tilespmem:$0x10200] =	vst v63  }
0xff: {  	_ =	swait.ge [sflag:s22], $0x4000  }
0x100: {  	[sflag:s22] =	ssyncset.done $0x0  }
0x101: {  	[sflag:s22] =	ssyncadd.s32 $0xFFFFC000  }
0x102: {  	_ =	swait.ge [sflag:s26], $0x4000  }
0x103: {  	[sflag:s26] =	ssyncset.done $0x0  }
0x104: {  	s0 =	simm.s32 $0x0;
	[sflag:s26] =	ssyncadd.s32 $0xFFFFC000  }
0x105: {  	v0 =	vld [tilespmem:s0+$0x3B0]  }
0x106: {  	v1 =	vld [tilespmem:s0+$0x200]  }
0x107: {  	v2 =	vld [tilespmem:s0+$0x210]  }
0x108: {  	v3 =	vld [tilespmem:s0+$0x220]  }
0x109: {  	v4 =	vld [tilespmem:s0+$0x230]  }
0x10a: {  	v5 =	vld [tilespmem:s0+$0x280];
	[tilespmem:s0+$0x83B0] =	vst v0  }
0x10b: {  	[tilespmem:s0+$0x8200] =	vst v1;
	v0 =	vld [tilespmem:s0+$0x290]  }
0x10c: {  	[tilespmem:s0+$0x8210] =	vst v2;
	v1 =	vld [tilespmem:s0+$0x2A0]  }
0x10d: {  	[tilespmem:s0+$0x8220] =	vst v3;
	v2 =	vld [tilespmem:s0+$0x2B0]  }
0x10e: {  	[tilespmem:s0+$0x8230] =	vst v4;
	v3 =	vld [tilespmem:s0+$0x300]  }
0x10f: {  	[tilespmem:s0+$0x8280] =	vst v5;
	v4 =	vld [tilespmem:s0+$0x310]  }
0x110: {  	[tilespmem:s0+$0x8290] =	vst v0;
	v0 =	vld [tilespmem:s0+$0x320]  }
0x111: {  	[tilespmem:s0+$0x82A0] =	vst v1;
	v1 =	vld [tilespmem:s0+$0x330]  }
0x112: {  	[tilespmem:s0+$0x82B0] =	vst v2;
	v2 =	vld [tilespmem:s0+$0x380]  }
0x113: {  	[tilespmem:s0+$0x8300] =	vst v3;
	v3 =	vld [tilespmem:s0+$0x390]  }
0x114: {  	s3 =	simm.s32 $0x200;
	s8 =	simm.s32 $0x1000;
	[tilespmem:s0+$0x8310] =	vst v4;
	v4 =	vld [tilespmem:s0+$0x3A0]  }
.LBB2_8:
0x115: {  	p0 =	sne.s32 s8, $0xF800;
	v5 =	vld [tilespmem:s3+$0x3B0];
	[tilespmem:s0+$0x8320] =	vst v0  }
0x116: {  	v0 =	vld [tilespmem:s3+$0x200];
	[tilespmem:s0+$0x8330] =	vst v1  }
0x117: {  	v1 =	vld [tilespmem:s3+$0x210];
	[tilespmem:s0+$0x8380] =	vst v2  }
0x118: {  	v2 =	vld [tilespmem:s3+$0x220];
	[tilespmem:s0+$0x8390] =	vst v3  }
0x119: {  	v3 =	vld [tilespmem:s3+$0x230];
	[tilespmem:s0+$0x83A0] =	vst v4;
	s0 =	smov.u32 s3  }
0x11a: {  	v4 =	vld [tilespmem:s0+$0x280];
	[tilespmem:s0+$0x83B0] =	vst v5  }
0x11b: {  	[tilespmem:s0+$0x8200] =	vst v0;
	v0 =	vld [tilespmem:s0+$0x290]  }
0x11c: {  	[tilespmem:s0+$0x8210] =	vst v1;
	v1 =	vld [tilespmem:s0+$0x2A0]  }
0x11d: {  	[tilespmem:s0+$0x8220] =	vst v2;
	v2 =	vld [tilespmem:s0+$0x2B0]  }
0x11e: {  	[tilespmem:s0+$0x8230] =	vst v3;
	v3 =	vld [tilespmem:s0+$0x300]  }
0x11f: {  	[tilespmem:s0+$0x8280] =	vst v4;
	v4 =	vld [tilespmem:s0+$0x310]  }
.Ltmp3:
0x120: {  	[tilespmem:s0+$0x8290] =	vst v0;
	v0 =	vld [tilespmem:s0+$0x320];
	(pc) =	sbr.rel @p0 .LBB2_8-.Ltmp3, $4  }
0x121: {  	[tilespmem:s0+$0x82A0] =	vst v1;
	v1 =	vld [tilespmem:s0+$0x330]  }
0x122: {  	[tilespmem:s0+$0x82B0] =	vst v2;
	v2 =	vld [tilespmem:s0+$0x380]  }
0x123: {  	[tilespmem:s0+$0x8300] =	vst v3;
	v3 =	vld [tilespmem:s0+$0x390]  }
0x124: {  	s3 =	sshra.s32 s8, $0x2;
	s8 =	sadd.s32 $0x800, s8;
	[tilespmem:s0+$0x8310] =	vst v4;
	v4 =	vld [tilespmem:s0+$0x3A0]  }
0x125: {  	v5 =	vld [tilespmem:s3+$0x3B0];
	[tilespmem:s0+$0x8320] =	vst v0  }
0x126: {  	v0 =	vld [tilespmem:s3+$0x200];
	[tilespmem:s0+$0x8330] =	vst v1  }
0x127: {  	v1 =	vld [tilespmem:s3+$0x210];
	[tilespmem:s0+$0x8380] =	vst v2  }
0x128: {  	v2 =	vld [tilespmem:s3+$0x220];
	[tilespmem:s0+$0x8390] =	vst v3  }
0x129: {  	v3 =	vld [tilespmem:s3+$0x230];
	[tilespmem:s0+$0x83A0] =	vst v4  }
0x12a: {  	v4 =	vld [tilespmem:s3+$0x280];
	[tilespmem:s3+$0x83B0] =	vst v5  }
0x12b: {  	[tilespmem:s3+$0x8200] =	vst v0;
	v0 =	vld [tilespmem:s3+$0x290]  }
0x12c: {  	[tilespmem:s3+$0x8210] =	vst v1;
	v1 =	vld [tilespmem:s3+$0x2A0]  }
0x12d: {  	[tilespmem:s3+$0x8220] =	vst v2;
	v2 =	vld [tilespmem:s3+$0x2B0]  }
0x12e: {  	[tilespmem:s3+$0x8230] =	vst v3;
	v3 =	vld [tilespmem:s3+$0x300]  }
0x12f: {  	[tilespmem:s3+$0x8280] =	vst v4;
	v4 =	vld [tilespmem:s3+$0x310]  }
0x130: {  	[tilespmem:s3+$0x8290] =	vst v0;
	v0 =	vld [tilespmem:s3+$0x320]  }
0x131: {  	[tilespmem:s3+$0x82A0] =	vst v1;
	v1 =	vld [tilespmem:s3+$0x330]  }
0x132: {  	[tilespmem:s3+$0x82B0] =	vst v2;
	v2 =	vld [tilespmem:s3+$0x380]  }
0x133: {  	[tilespmem:s3+$0x8300] =	vst v3;
	v3 =	vld [tilespmem:s3+$0x390]  }
0x134: {  	[tilespmem:s3+$0x8310] =	vst v4;
	v4 =	vld [tilespmem:s3+$0x3A0]  }
0x135: {  	[tilespmem:s3+$0x8320] =	vst v0  }
0x136: {  	[tilespmem:s3+$0x8330] =	vst v1  }
0x137: {  	[tilespmem:s3+$0x8380] =	vst v2  }
0x138: {  	[tilespmem:s3+$0x8390] =	vst v3  }
0x139: {  	s31 =	simm.s32 $0x0;
	[tilespmem:s3+$0x83A0] =	vst v4  }
0x13a: {  	[hbm4b:s12+s31] =	stream.linear.scatter [tilespmem:s23], [sflag:$0x5], $0x4000, $0x38;
	[tilespmem:$0x10200] =	vst v63  }
0x13b: {  	_ =	swait.ge [sflag:s24], $0x4000  }
0x13c: {  	[sflag:s24] =	ssyncset.done $0x0  }
0x13d: {  	[sflag:s24] =	ssyncadd.s32 $0xFFFFC000  }
0x13e: {  	_ =	swait.ge [sflag:s28], $0x4000  }
0x13f: {  	[sflag:s28] =	ssyncset.done $0x0  }
0x140: {  	s0 =	simm.s32 $0x0;
	[sflag:s28] =	ssyncadd.s32 $0xFFFFC000  }
0x141: {  	v0 =	vld [tilespmem:s0+$0x43B0]  }
0x142: {  	v1 =	vld [tilespmem:s0+$0x4200]  }
0x143: {  	v2 =	vld [tilespmem:s0+$0x4210]  }
0x144: {  	v3 =	vld [tilespmem:s0+$0x4220]  }
0x145: {  	v4 =	vld [tilespmem:s0+$0x4230]  }
0x146: {  	v5 =	vld [tilespmem:s0+$0x4280];
	[tilespmem:s0+$0xC3B0] =	vst v0  }
0x147: {  	[tilespmem:s0+$0xC200] =	vst v1;
	v0 =	vld [tilespmem:s0+$0x4290]  }
0x148: {  	[tilespmem:s0+$0xC210] =	vst v2;
	v1 =	vld [tilespmem:s0+$0x42A0]  }
0x149: {  	[tilespmem:s0+$0xC220] =	vst v3;
	v2 =	vld [tilespmem:s0+$0x42B0]  }
0x14a: {  	[tilespmem:s0+$0xC230] =	vst v4;
	v3 =	vld [tilespmem:s0+$0x4300]  }
0x14b: {  	[tilespmem:s0+$0xC280] =	vst v5;
	v4 =	vld [tilespmem:s0+$0x4310]  }
0x14c: {  	[tilespmem:s0+$0xC290] =	vst v0;
	v0 =	vld [tilespmem:s0+$0x4320]  }
0x14d: {  	[tilespmem:s0+$0xC2A0] =	vst v1;
	v1 =	vld [tilespmem:s0+$0x4330]  }
0x14e: {  	[tilespmem:s0+$0xC2B0] =	vst v2;
	v2 =	vld [tilespmem:s0+$0x4380]  }
0x14f: {  	[tilespmem:s0+$0xC300] =	vst v3;
	v3 =	vld [tilespmem:s0+$0x4390]  }
0x150: {  	s8 =	simm.s32 $0x1000;
	s3 =	simm.s32 $0x200;
	[tilespmem:s0+$0xC310] =	vst v4;
	v4 =	vld [tilespmem:s0+$0x43A0]  }
.LBB2_10:
0x151: {  	p0 =	sne.s32 s8, $0xF800;
	v5 =	vld [tilespmem:s3+$0x43B0];
	[tilespmem:s0+$0xC320] =	vst v0  }
0x152: {  	v0 =	vld [tilespmem:s3+$0x4200];
	[tilespmem:s0+$0xC330] =	vst v1  }
0x153: {  	v1 =	vld [tilespmem:s3+$0x4210];
	[tilespmem:s0+$0xC380] =	vst v2  }
0x154: {  	v2 =	vld [tilespmem:s3+$0x4220];
	[tilespmem:s0+$0xC390] =	vst v3  }
0x155: {  	v3 =	vld [tilespmem:s3+$0x4230];
	[tilespmem:s0+$0xC3A0] =	vst v4;
	s0 =	smov.u32 s3  }
0x156: {  	v4 =	vld [tilespmem:s0+$0x4280];
	[tilespmem:s0+$0xC3B0] =	vst v5  }
0x157: {  	[tilespmem:s0+$0xC200] =	vst v0;
	v0 =	vld [tilespmem:s0+$0x4290]  }
0x158: {  	[tilespmem:s0+$0xC210] =	vst v1;
	v1 =	vld [tilespmem:s0+$0x42A0]  }
0x159: {  	[tilespmem:s0+$0xC220] =	vst v2;
	v2 =	vld [tilespmem:s0+$0x42B0]  }
0x15a: {  	[tilespmem:s0+$0xC230] =	vst v3;
	v3 =	vld [tilespmem:s0+$0x4300]  }
0x15b: {  	[tilespmem:s0+$0xC280] =	vst v4;
	v4 =	vld [tilespmem:s0+$0x4310]  }
.Ltmp4:
0x15c: {  	[tilespmem:s0+$0xC290] =	vst v0;
	v0 =	vld [tilespmem:s0+$0x4320];
	(pc) =	sbr.rel @p0 .LBB2_10-.Ltmp4, $4  }
0x15d: {  	[tilespmem:s0+$0xC2A0] =	vst v1;
	v1 =	vld [tilespmem:s0+$0x4330]  }
0x15e: {  	[tilespmem:s0+$0xC2B0] =	vst v2;
	v2 =	vld [tilespmem:s0+$0x4380]  }
0x15f: {  	[tilespmem:s0+$0xC300] =	vst v3;
	v3 =	vld [tilespmem:s0+$0x4390]  }
0x160: {  	s3 =	sshra.s32 s8, $0x2;
	s8 =	sadd.s32 $0x800, s8;
	[tilespmem:s0+$0xC310] =	vst v4;
	v4 =	vld [tilespmem:s0+$0x43A0]  }
0x161: {  	v5 =	vld [tilespmem:s3+$0x43B0];
	[tilespmem:s0+$0xC320] =	vst v0  }
0x162: {  	v0 =	vld [tilespmem:s3+$0x4200];
	[tilespmem:s0+$0xC330] =	vst v1  }
0x163: {  	v1 =	vld [tilespmem:s3+$0x4210];
	[tilespmem:s0+$0xC380] =	vst v2  }
0x164: {  	v2 =	vld [tilespmem:s3+$0x4220];
	[tilespmem:s0+$0xC390] =	vst v3  }
0x165: {  	v3 =	vld [tilespmem:s3+$0x4230];
	[tilespmem:s0+$0xC3A0] =	vst v4  }
0x166: {  	v4 =	vld [tilespmem:s3+$0x4280];
	[tilespmem:s3+$0xC3B0] =	vst v5  }
0x167: {  	v54 =	vld [tilespmem:s3+$0x4290];
	[tilespmem:s3+$0xC200] =	vst v0  }
0x168: {  	v55 =	vld [tilespmem:s3+$0x42A0];
	[tilespmem:s3+$0xC210] =	vst v1  }
0x169: {  	v56 =	vld [tilespmem:s3+$0x42B0];
	[tilespmem:s3+$0xC220] =	vst v2  }
0x16a: {  	v57 =	vld [tilespmem:s3+$0x4300];
	[tilespmem:s3+$0xC230] =	vst v3  }
0x16b: {  	v58 =	vld [tilespmem:s3+$0x4310];
	[tilespmem:s3+$0xC280] =	vst v4  }
0x16c: {  	v59 =	vld [tilespmem:s3+$0x4320];
	[tilespmem:s3+$0xC290] =	vst v54  }
0x16d: {  	v60 =	vld [tilespmem:s3+$0x4330];
	[tilespmem:s3+$0xC2A0] =	vst v55  }
0x16e: {  	v61 =	vld [tilespmem:s3+$0x4380];
	[tilespmem:s3+$0xC2B0] =	vst v56  }
0x16f: {  	v62 =	vld [tilespmem:s3+$0x4390];
	[tilespmem:s3+$0xC300] =	vst v57  }
0x170: {  	v63 =	vld [tilespmem:s3+$0x43A0];
	[tilespmem:s3+$0xC310] =	vst v58  }
0x171: {  	[tilespmem:s3+$0xC320] =	vst v59  }
0x172: {  	[tilespmem:s3+$0xC330] =	vst v60  }
0x173: {  	[tilespmem:s3+$0xC380] =	vst v61  }
0x174: {  	[tilespmem:s3+$0xC390] =	vst v62  }
0x175: {  	s29 =	sadd.s32 $0x1, s29;
	[tilespmem:s3+$0xC3A0] =	vst v63  }
0x176: {  	[hbm4b:s13+s4] =	stream.linear.scatter [tilespmem:s25], [sflag:$0x6], $0x4000, $0x38;
	[tilespmem:$0x10200] =	vst v63  }
0x177: {  	p0 =	sne.s32 s29, s14;
	_ =	swait.ge [sflag:s26], $0x4000  }
.Ltmp5:
0x178: {  	[sflag:s26] =	ssyncset.done $0x0;
	(pc) =	sbr.rel @p0 .LBB2_1-.Ltmp5, $4  }
0x179: {  	[sflag:s26] =	ssyncadd.s32 $0xFFFFC000  }
0x17a: {  	_ =	swait.ge [sflag:s28], $0x4000  }
0x17b: {  	[sflag:s28] =	ssyncset.done $0x0  }
0x17c: {  	[sflag:s28] =	ssyncadd.s32 $0xFFFFC000  }
0x17d: {  	_ =	sfence.sel $0x180000  }
0x17e: {  	[bflag:$0x0] =	sbarrier.arrive $0xFFFF  }
0x17f: {  	_ =	strace $0x90000047  }
0x180: {  	s0 =	stileid.u32;
	[bflag:$0x2] =	sbarrier.arrive $0xFFFF  }
0x181: {  	p0 =	sne.s32 s0, $0x0;
	s0 =	rddreg [dreg:$0x3]  }
0x182: {  	s0 =	sadd.s32 @!p0 $0x100000, s0  }
0x183: {  	[sflag:s0] =	ssyncadd.tile.s32 @!p0 $0x1;
	_ =	shalt  }
.Lfunc_end2:
_tile_overlayer_lowered:
.L_overlay_start_2:
0x184: {  	(tag) =	ssettag $0x2  }
0x185: {  	s0 =	rddreg [dreg:$0x0];
	s2 =	stileid.u32  }
0x186: {  	s1 =	rddreg [dreg:$0x1];
	p0 =	sne.s32 s2, $0x0  }
0x187: {  	s3 =	rddreg [dreg:$0x2];
	[bflag:$0x3] =	sbarrier.arrive $0xFFFF;
	s2 =	simm.s32 @!p0 $0x1C07  }
0x188: {  	[timem:s3], [sflag:s2] =	dma.local @!p0 [hbm:s0], s1  }
0x189: {  	s0 =	simm.s32 @!p0 $0x7  }
0x18a: {  	_ =	swait.ge @!p0 [sflag:s0], s1  }
0x18b: {  	s1 =	ssub.s32 @!p0 $0x0, s1;
	[sflag:s0] =	ssyncset.done @!p0 $0x0  }
0x18c: {  	[sflag:s0] =	ssyncadd.s32 @!p0 s1  }
0x18d: {  	[bflag:$0x3] =	sbarrier.arrive $0xFFFF  }
0x18e: {  	_ =	shalt  }

</sc_bundles>
